<compile_context>
chip_gen: v7x
topology: tpu7x:2x2x1
jax: 0.10.2.dev20260603
libtpu: 0.0.44.dev20260713+nightly
codegen_flags: <defaults>
</compile_context>

<pallas_src>
import functools

import jax
import jax.numpy as jnp
from jax import lax
from jax.experimental import pallas as pl
from jax.experimental.pallas import tpu as pltpu
from jax.experimental.pallas import tpu_sc as plsc

N = 10000
E = 320000
G = 128
F_OUT = 64

NC = 2
NS = 16
NW = NC * NS

CHUNK = 128
EC = E // CHUNK
SLAB = (EC + NW - 1) // NW
SLAB = ((SLAB + 7) // 8) * 8
EC_PAD = SLAB * NW
N_PAD = ((N + NS * 8 - 1) // (NS * 8)) * (NS * 8)
RPT = N_PAD // NS

BR = 1000
GRID = N // BR


_ROW = lambda i: (i, 0)
_FULL = lambda i: (0, 0)


def _h_in_specs(fuse, fin):
    if fuse:
        return [
            pl.BlockSpec((BR, F_OUT), _ROW),
            pl.BlockSpec((1, BR, 128), lambda i: (0, i, 0)),
            pl.BlockSpec((1, BR, 128), lambda i: (1, i, 0)),
        ]
    return [pl.BlockSpec((BR, fin), _ROW)]


def _read_h(refs, fuse):
    if fuse:
        t_ref, s0_ref, s1_ref = refs
        return jnp.maximum(
            t_ref[...] + s0_ref[0, :, :F_OUT] + s1_ref[0, :, :F_OUT], 0.0)
    return refs[0][...]


def _mm_u(h_args, wc, fuse):
    fin = h_args[0].shape[-1]
    nh = len(h_args)

    def body(*refs):
        h = _read_h(refs[:nh], fuse)
        refs[-1][...] = jnp.dot(h, refs[nh][...],
                                preferred_element_type=jnp.float32)

    if fuse:
        h_specs = [
            pl.BlockSpec((N, F_OUT), _ROW),
            pl.BlockSpec((1, N, 128), lambda i: (0, 0, 0)),
            pl.BlockSpec((1, N, 128), lambda i: (1, 0, 0)),
        ]
    else:
        h_specs = [pl.BlockSpec((N, fin), _ROW)]
    return pl.pallas_call(
        body,
        grid=(1,),
        in_specs=h_specs + [pl.BlockSpec((fin, 128), _FULL)],
        out_specs=pl.BlockSpec((N, 128), _ROW),
        out_shape=jax.ShapeDtypeStruct((N, 128), jnp.float32),
    )(*h_args, wc)


def _mm_t(h_args, wa, wm1, wm2, ba, bm1, bm2, bc, fuse):
    fin = h_args[0].shape[-1]
    nh = len(h_args)

    def body(*refs):
        h = _read_h(refs[:nh], fuse)
        wa_r, wm1_r, wm2_r, ba_r, bm1_r, bm2_r, bc_r = refs[nh:nh + 7]
        a = jnp.dot(h, wa_r[...], preferred_element_type=jnp.float32) + ba_r[...]
        m1 = jnp.dot(h, wm1_r[...], preferred_element_type=jnp.float32) + bm1_r[...]
        m2 = jnp.dot(h, wm2_r[...], preferred_element_type=jnp.float32) + bm2_r[...]
        refs[-1][...] = a + m1 * m2 + bc_r[...]

    return pl.pallas_call(
        body,
        grid=(GRID,),
        in_specs=_h_in_specs(fuse, fin) + [
            pl.BlockSpec((fin, F_OUT), _FULL),
            pl.BlockSpec((fin, F_OUT), _FULL),
            pl.BlockSpec((fin, F_OUT), _FULL),
            pl.BlockSpec((1, F_OUT), _FULL),
            pl.BlockSpec((1, F_OUT), _FULL),
            pl.BlockSpec((1, F_OUT), _FULL),
            pl.BlockSpec((1, F_OUT), _FULL),
        ],
        out_specs=pl.BlockSpec((BR, F_OUT), _ROW),
        out_shape=jax.ShapeDtypeStruct((N, F_OUT), jnp.float32),
    )(*h_args, wa, wm1, wm2, ba, bm1, bm2, bc)


K = 4
NG = SLAB // K


def _sc_body(u_hbm, edges_hbm, zeros_hbm, out_hbm,
             sidx, didx, rows, acc, gsem, ssem):
    c = lax.axis_index("c")
    s = lax.axis_index("s")
    wid = s * NC + c

    i0 = pltpu.async_copy(edges_hbm.at[0, wid], sidx, gsem)
    i1 = pltpu.async_copy(edges_hbm.at[1, wid], didx, gsem)
    z = pltpu.async_copy(zeros_hbm, acc.at[pl.ds(s * RPT, RPT)], ssem)
    i0.wait()
    i1.wait()

    def fire_gathers(g, buf):
        for b in range(K):
            pltpu.async_copy(u_hbm.at[sidx.at[g * K + b]],
                             rows.at[buf, pl.ds(b * CHUNK, CHUNK)], gsem)

    def fire_scatters(g, buf):
        for b in range(K):
            pltpu.async_copy(rows.at[buf, pl.ds(b * CHUNK, CHUNK)],
                             acc.at[didx.at[g * K + b]], ssem, add=True)

    def drain(sem, buf):
        pltpu.make_async_copy(u_hbm.at[pl.ds(0, K * CHUNK)],
                              rows.at[buf], sem).wait()

    fire_gathers(0, 0)
    z.wait()
    plsc.subcore_barrier()

    @pl.loop(0, NG, step=2)
    def _grp(g):
        for p in range(2):
            gg = g + p
            cur, nxt = p, 1 - p
            drain(gsem, cur)

            @pl.when(gg > 0)
            def _():
                drain(ssem, nxt)

            @pl.when(gg + 1 < NG)
            def _():
                fire_gathers(gg + 1, nxt)

            fire_scatters(gg, cur)

    drain(ssem, 1)
    plsc.subcore_barrier()
    pltpu.sync_copy(acc.at[pl.ds(s * RPT, RPT)],
                    out_hbm.at[c, pl.ds(s * RPT, RPT), pl.ds(0, F_OUT)])


@functools.cache
def _sc_scatter():
    return functools.partial(
        pl.kernel,
        out_type=jax.ShapeDtypeStruct((NC, N_PAD, 128), jnp.float32),
        mesh=plsc.VectorSubcoreMesh(core_axis_name="c", subcore_axis_name="s",
                                    num_cores=NC, num_subcores=NS),
        compiler_params=pltpu.CompilerParams(use_tc_tiling_on_sc=False),
        scratch_types=[
            pltpu.VMEM((SLAB, CHUNK), jnp.int32),
            pltpu.VMEM((SLAB, CHUNK), jnp.int32),
            pltpu.VMEM((2, K * CHUNK, F_OUT), jnp.float32),
            pltpu.VMEM_SHARED((N_PAD, F_OUT), jnp.float32),
            pltpu.SemaphoreType.DMA,
            pltpu.SemaphoreType.DMA,
        ],
    )(_sc_body)


def _pool_body(t_ref, s0_ref, s1_ref, b_ref, w1_ref, b1_ref, w2_ref, b2_ref,
               o_ref):
    h = jnp.maximum(
        t_ref[...] + s0_ref[0, :, :F_OUT] + s1_ref[0, :, :F_OUT], 0.0)
    bb = b_ref[0]
    onehot = (bb[None, :] == lax.broadcasted_iota(jnp.int32, (G, N), 0)
              ).astype(jnp.float32)
    sums = jnp.dot(onehot, h, preferred_element_type=jnp.float32)
    cnts = jnp.sum(onehot, axis=1, keepdims=True)
    pooled = sums / jnp.maximum(cnts, 1.0)
    pooled = pooled * (1.0 / jnp.sqrt(1.0 + 1e-5))
    z = jnp.maximum(
        jnp.dot(pooled, w1_ref[...], preferred_element_type=jnp.float32)
        + b1_ref[...], 0.0)
    logits = (jnp.dot(z, w2_ref[...], preferred_element_type=jnp.float32)
              + b2_ref[...])
    m = jnp.max(logits, axis=1, keepdims=True)
    e = jnp.exp(logits - m)
    lse = jnp.log(jnp.sum(e, axis=1, keepdims=True)) + m
    o_ref[...] = logits - lse


def _pool_fc(t, s_part, batch2d, w1, b1, w2, b2):
    return pl.pallas_call(
        _pool_body,
        grid=(1,),
        in_specs=[
            pl.BlockSpec((N, F_OUT), _ROW),
            pl.BlockSpec((1, N, 128), lambda i: (0, 0, 0)),
            pl.BlockSpec((1, N, 128), lambda i: (1, 0, 0)),
            pl.BlockSpec((1, N), _FULL),
            pl.BlockSpec((F_OUT, 32), _FULL),
            pl.BlockSpec((1, 32), _FULL),
            pl.BlockSpec((32, 10), _FULL),
            pl.BlockSpec((1, 10), _FULL),
        ],
        out_specs=pl.BlockSpec((G, 10), _FULL),
        out_shape=jax.ShapeDtypeStruct((G, 10), jnp.float32),
    )(t, s_part, s_part, batch2d, w1, b1, w2, b2)


def kernel(x, edge_index, batch, params):
    p = params
    ei = edge_index.astype(jnp.int32)
    pad_len = EC_PAD * CHUNK - E
    pad_iota = jnp.arange(pad_len, dtype=jnp.int32)
    srcs = jnp.concatenate([ei[0], pad_iota % N]) * 2
    dsts = jnp.concatenate([ei[1], N + pad_iota % (N_PAD - N)])
    epad = jnp.stack([srcs, dsts]).reshape(2, NW, SLAB, CHUNK)
    zeros = jnp.zeros((RPT, F_OUT), jnp.float32)
    batch2d = batch.astype(jnp.int32).reshape(1, N)

    r = lambda b: b.reshape(1, F_OUT)
    h_args = (x,)
    fuse = False
    for i in ("1", "2", "3"):
        wc_pad = jnp.pad(p["Wc" + i], ((0, 0), (0, 128 - F_OUT)))
        u = _mm_u(h_args, wc_pad, fuse).reshape(2 * N, F_OUT)
        s_part = _sc_scatter()(u, epad, zeros)
        t = _mm_t(h_args,
                  p["W" + i + "1"], p["W" + i + "2"], p["W" + i + "3"],
                  r(p["b" + i + "1"]), r(p["b" + i + "2"]),
                  r(p["b" + i + "3"]), r(p["bc" + i]), fuse)
        h_args = (t, s_part, s_part)
        fuse = True

    t, s_part, _ = h_args
    return _pool_fc(t, s_part, batch2d, p["Wfc1"], p["bfc1"].reshape(1, 32),
                    p["Wfc2"], p["bfc2"].reshape(1, 10))

# --- scband reference (transcript-rebuilt; emitter-appended) ---
"""Pipeline reference for scband-gnnml1-64991445123425 (READ-ONLY COPY).

The authoritative reference and input builder live on the scoring server;
editing this copy changes nothing except your own understanding.
"""

import jax, jax.numpy as jnp
import numpy as np

N = 10000
E = 320000
NINP = 128
NOUT = 64
G = 128

def _lin(key, fin, fout):
    kw, kb = jax.random.split(key)
    lim = 1.0 / np.sqrt(fin)
    W = jax.random.uniform(kw, (fin, fout), minval=-lim, maxval=lim, dtype=jnp.float32)
    b = jax.random.uniform(kb, (fout,), minval=-lim, maxval=lim, dtype=jnp.float32)
    return W, b

def setup_inputs(seed: int = 0):
    key = jax.random.key(seed)
    ks = jax.random.split(key, 20)
    x = jax.random.normal(ks[0], (N, NINP), dtype=jnp.float32)
    edge_index = jax.random.randint(ks[1], (2, E), 0, N)
    batch = jnp.sort(jax.random.randint(ks[2], (N,), 0, G))
    params = {}
    params['Wc1'], params['bc1'] = _lin(ks[3], NINP, NOUT)
    params['Wc2'], params['bc2'] = _lin(ks[4], NOUT, NOUT)
    params['Wc3'], params['bc3'] = _lin(ks[5], NOUT, NOUT)
    params['W11'], params['b11'] = _lin(ks[6], NINP, NOUT)
    params['W12'], params['b12'] = _lin(ks[7], NINP, NOUT)
    params['W13'], params['b13'] = _lin(ks[8], NINP, NOUT)
    params['W21'], params['b21'] = _lin(ks[9], NOUT, NOUT)
    params['W22'], params['b22'] = _lin(ks[10], NOUT, NOUT)
    params['W23'], params['b23'] = _lin(ks[11], NOUT, NOUT)
    params['W31'], params['b31'] = _lin(ks[12], NOUT, NOUT)
    params['W32'], params['b32'] = _lin(ks[13], NOUT, NOUT)
    params['W33'], params['b33'] = _lin(ks[14], NOUT, NOUT)
    params['Wfc1'], params['bfc1'] = _lin(ks[15], NOUT, 32)
    params['Wfc2'], params['bfc2'] = _lin(ks[16], 32, 10)
    return {'x': x, 'edge_index': edge_index, 'batch': batch, 'params': params}

def _spect_conv(x, src, dst, edge_w, W, b, n):
    # SpectConv (K=1, selfconn=False): h = scatter_add(edge_w * x[src] -> dst); out = h @ W + b
    msg = edge_w[:, None] * x[src]
    h = jax.ops.segment_sum(msg, dst, num_segments=n)
    return h @ W + b

def _forward(x, params, edge_index, batch):
    p = params
    src, dst = edge_index[0], edge_index[1]
    n = x.shape[0]
    edge_w = jnp.ones((src.shape[0],), dtype=x.dtype)  # edge_attr = ones(E, 1)
    def block(h, Wc, bc, Wa, ba, Wm1, bm1, Wm2, bm2):
        lin = h @ Wa + ba
        conv = _spect_conv(h, src, dst, edge_w, Wc, bc, n)
        gate = (h @ Wm1 + bm1) * (h @ Wm2 + bm2)
        return jax.nn.relu(lin + conv + gate)
    h = block(x, p['Wc1'], p['bc1'], p['W11'], p['b11'], p['W12'], p['b12'], p['W13'], p['b13'])
    h = block(h, p['Wc2'], p['bc2'], p['W21'], p['b21'], p['W22'], p['b22'], p['W23'], p['b23'])
    h = block(h, p['Wc3'], p['bc3'], p['W31'], p['b31'], p['W32'], p['b32'], p['W33'], p['b33'])
    # global_mean_pool
    sums = jax.ops.segment_sum(h, batch, num_segments=G)
    cnt = jax.ops.segment_sum(jnp.ones((n, 1), h.dtype), batch, num_segments=G)
    pooled = sums / jnp.maximum(cnt, 1.0)
    # BatchNorm1d in eval mode with default running stats (mean=0, var=1, affine identity)
    pooled = pooled / jnp.sqrt(1.0 + 1e-5)
    z = jax.nn.relu(pooled @ p['Wfc1'] + p['bfc1'])
    logits = z @ p['Wfc2'] + p['bfc2']
    return jax.nn.log_softmax(logits, axis=1)

def reference(x, edge_index, batch, params):
    return _forward(x, params, edge_index, batch)

if __name__ == "__main__":
    import jax
    _d = setup_inputs()
    print(jax.jit(kernel)(*tuple(_d.values())))

</pallas_src>

<mosaic_0001>
#map = affine_map<(d0, d1) -> (0, 0)>
#map1 = affine_map<(d0, d1) -> (0, 0, 0, 0)>
#map2 = affine_map<(d0, d1) -> (0, 0, 0)>
module attributes {stable_mosaic.version = 14 : i64} {
  func.func @_sc_body(%arg0: i32, %arg1: i32, %arg2: memref<20000x64xf32, #tpu.memory_space<hbm>>, %arg3: memref<2x32x80x128xi32, #tpu.memory_space<hbm>>, %arg4: memref<632x64xf32, #tpu.memory_space<hbm>>, %arg5: memref<2x10112x128xf32, #tpu.memory_space<hbm>>, %arg6: memref<80x128xi32, #tpu.memory_space<vmem>>, %arg7: memref<80x128xi32, #tpu.memory_space<vmem>>, %arg8: memref<2x512x64xf32, #tpu.memory_space<vmem>>, %arg9: memref<10112x64xf32, #tpu.memory_space<vmem_shared>>, %arg10: memref<!tpu.dma_semaphore, #tpu.memory_space<semaphore_mem>>, %arg11: memref<!tpu.dma_semaphore, #tpu.memory_space<semaphore_mem>>) attributes {dimension_semantics = [#tpu.dimension_semantics<core_parallel>, #tpu.dimension_semantics<subcore_parallel>], iteration_bounds = array<i64: 2, 16>, scalar_prefetch = 0 : i64, scratch_operands = 6 : i64, tpu.core_type = #tpu.core_type<sc_vector_subcore>, window_params = [{transform_indices = #map}, {transform_indices = #map1}, {transform_indices = #map}, {transform_indices = #map2}]} {
    %mul3A = arith.constant 2 : i32
    %mul3A_0 = arith.muli %arg1, %mul3A : i32
    %add3A = arith.addi %mul3A_0, %arg0 : i32
    %dma_start3A = arith.constant 0 : i32
    %dma_start3A_1 = arith.constant 0 : i32
    %dma_start3A_2 = arith.constant 0 : i32
    %dma_start3A_3 = tpu.memref_slice %arg3[%dma_start3A, %add3A, %dma_start3A_1, %dma_start3A_2] : memref<2x32x80x128xi32, #tpu.memory_space<hbm>> -> memref<1x1x80x128xi32, #tpu.memory_space<hbm>>
    %dma_start3A_4 = tpu.memref_squeeze %dma_start3A_3 : memref<1x1x80x128xi32, #tpu.memory_space<hbm>> -> memref<80x128xi32, #tpu.memory_space<hbm>>
    %dma_start3A_5 = arith.constant 0 : i32
    %dma_start3A_6 = arith.constant 0 : i32
    %dma_start3A_7 = tpu.memref_slice %arg3[%dma_start3A, %add3A, %dma_start3A_5, %dma_start3A_6] : memref<2x32x80x128xi32, #tpu.memory_space<hbm>> -> memref<1x1x80x128xi32, #tpu.memory_space<hbm>>
    %dma_start3A_8 = tpu.memref_squeeze %dma_start3A_7 : memref<1x1x80x128xi32, #tpu.memory_space<hbm>> -> memref<80x128xi32, #tpu.memory_space<hbm>>
    tpu.enqueue_dma source(%dma_start3A_8 : memref<80x128xi32, #tpu.memory_space<hbm>>) target(%arg6 : memref<80x128xi32, #tpu.memory_space<vmem>>) target_semaphore(%arg10 : memref<!tpu.dma_semaphore, #tpu.memory_space<semaphore_mem>>)
    %dma_start3A_9 = arith.constant 1 : i32
    %dma_start3A_10 = arith.constant 0 : i32
    %dma_start3A_11 = arith.constant 0 : i32
    %dma_start3A_12 = tpu.memref_slice %arg3[%dma_start3A_9, %add3A, %dma_start3A_10, %dma_start3A_11] : memref<2x32x80x128xi32, #tpu.memory_space<hbm>> -> memref<1x1x80x128xi32, #tpu.memory_space<hbm>>
    %dma_start3A_13 = tpu.memref_squeeze %dma_start3A_12 : memref<1x1x80x128xi32, #tpu.memory_space<hbm>> -> memref<80x128xi32, #tpu.memory_space<hbm>>
    %dma_start3A_14 = arith.constant 0 : i32
    %dma_start3A_15 = arith.constant 0 : i32
    %dma_start3A_16 = tpu.memref_slice %arg3[%dma_start3A_9, %add3A, %dma_start3A_14, %dma_start3A_15] : memref<2x32x80x128xi32, #tpu.memory_space<hbm>> -> memref<1x1x80x128xi32, #tpu.memory_space<hbm>>
    %dma_start3A_17 = tpu.memref_squeeze %dma_start3A_16 : memref<1x1x80x128xi32, #tpu.memory_space<hbm>> -> memref<80x128xi32, #tpu.memory_space<hbm>>
    tpu.enqueue_dma source(%dma_start3A_17 : memref<80x128xi32, #tpu.memory_space<hbm>>) target(%arg7 : memref<80x128xi32, #tpu.memory_space<vmem>>) target_semaphore(%arg10 : memref<!tpu.dma_semaphore, #tpu.memory_space<semaphore_mem>>)
    %mul3A_18 = arith.constant 632 : i32
    %mul3A_19 = arith.muli %arg1, %mul3A_18 : i32
    %dma_start3A_20 = arith.constant 0 : i32
    %dma_start3A_21 = tpu.memref_slice %arg9[%mul3A_19, %dma_start3A_20] : memref<10112x64xf32, #tpu.memory_space<vmem_shared>> -> memref<632x64xf32, #tpu.memory_space<vmem_shared>>
    tpu.enqueue_dma source(%arg4 : memref<632x64xf32, #tpu.memory_space<hbm>>) target(%dma_start3A_21 : memref<632x64xf32, #tpu.memory_space<vmem_shared>>) target_semaphore(%arg11 : memref<!tpu.dma_semaphore, #tpu.memory_space<semaphore_mem>>)
    %dma_wait3A = arith.constant 0 : i32
    %dma_wait3A_22 = arith.constant 0 : i32
    %dma_wait3A_23 = arith.constant 0 : i32
    %dma_wait3A_24 = tpu.memref_slice %arg3[%dma_wait3A, %add3A, %dma_wait3A_22, %dma_wait3A_23] : memref<2x32x80x128xi32, #tpu.memory_space<hbm>> -> memref<1x1x80x128xi32, #tpu.memory_space<hbm>>
    %dma_wait3A_25 = tpu.memref_squeeze %dma_wait3A_24 : memref<1x1x80x128xi32, #tpu.memory_space<hbm>> -> memref<80x128xi32, #tpu.memory_space<hbm>>
    %dma_wait3A_26 = arith.constant 0 : i32
    %dma_wait3A_27 = arith.constant 0 : i32
    %dma_wait3A_28 = tpu.memref_slice %arg3[%dma_wait3A, %add3A, %dma_wait3A_26, %dma_wait3A_27] : memref<2x32x80x128xi32, #tpu.memory_space<hbm>> -> memref<1x1x80x128xi32, #tpu.memory_space<hbm>>
    %dma_wait3A_29 = tpu.memref_squeeze %dma_wait3A_28 : memref<1x1x80x128xi32, #tpu.memory_space<hbm>> -> memref<80x128xi32, #tpu.memory_space<hbm>>
    tpu.wait_dma2 semaphore(%arg10 : memref<!tpu.dma_semaphore, #tpu.memory_space<semaphore_mem>>) src(%dma_wait3A_29 : memref<80x128xi32, #tpu.memory_space<hbm>>) dst(%arg6 : memref<80x128xi32, #tpu.memory_space<vmem>>)
    %dma_wait3A_30 = arith.constant 1 : i32
    %dma_wait3A_31 = arith.constant 0 : i32
    %dma_wait3A_32 = arith.constant 0 : i32
    %dma_wait3A_33 = tpu.memref_slice %arg3[%dma_wait3A_30, %add3A, %dma_wait3A_31, %dma_wait3A_32] : memref<2x32x80x128xi32, #tpu.memory_space<hbm>> -> memref<1x1x80x128xi32, #tpu.memory_space<hbm>>
    %dma_wait3A_34 = tpu.memref_squeeze %dma_wait3A_33 : memref<1x1x80x128xi32, #tpu.memory_space<hbm>> -> memref<80x128xi32, #tpu.memory_space<hbm>>
    %dma_wait3A_35 = arith.constant 0 : i32
    %dma_wait3A_36 = arith.constant 0 : i32
    %dma_wait3A_37 = tpu.memref_slice %arg3[%dma_wait3A_30, %add3A, %dma_wait3A_35, %dma_wait3A_36] : memref<2x32x80x128xi32, #tpu.memory_space<hbm>> -> memref<1x1x80x128xi32, #tpu.memory_space<hbm>>
    %dma_wait3A_38 = tpu.memref_squeeze %dma_wait3A_37 : memref<1x1x80x128xi32, #tpu.memory_space<hbm>> -> memref<80x128xi32, #tpu.memory_space<hbm>>
    tpu.wait_dma2 semaphore(%arg10 : memref<!tpu.dma_semaphore, #tpu.memory_space<semaphore_mem>>) src(%dma_wait3A_38 : memref<80x128xi32, #tpu.memory_space<hbm>>) dst(%arg7 : memref<80x128xi32, #tpu.memory_space<vmem>>)
    %dma_start3A_39 = arith.constant 0 : i32
    %dma_start3A_40 = arith.constant 0 : i32
    %dma_start3A_41 = arith.constant 0 : i32
    %dma_start3A_42 = arith.constant 0 : i32
    %dma_start3A_43 = tpu.memref_slice %arg8[%dma_start3A_40, %dma_start3A_41, %dma_start3A_42] : memref<2x512x64xf32, #tpu.memory_space<vmem>> -> memref<1x128x64xf32, #tpu.memory_space<vmem>>
    %dma_start3A_44 = tpu.memref_squeeze %dma_start3A_43 : memref<1x128x64xf32, #tpu.memory_space<vmem>> -> memref<128x64xf32, #tpu.memory_space<vmem>>
    %dma_start3A_45 = arith.constant 0 : i32
    %dma_start3A_46 = tpu.memref_slice %arg6[%dma_start3A_39, %dma_start3A_45] : memref<80x128xi32, #tpu.memory_space<vmem>> -> memref<1x128xi32, #tpu.memory_space<vmem>>
    %dma_start3A_47 = tpu.memref_squeeze %dma_start3A_46 : memref<1x128xi32, #tpu.memory_space<vmem>> -> memref<128xi32, #tpu.memory_space<vmem>>
    %dma_start3A_48 = arith.constant 0 : i32
    %dma_start3A_49 = arith.constant 0 : i32
    %dma_start3A_50 = tpu.memref_slice %arg2[%dma_start3A_48, %dma_start3A_49] : memref<20000x64xf32, #tpu.memory_space<hbm>> -> memref<20000x64xf32, #tpu.memory_space<hbm>>
    tpu.enqueue_indirect_dma source(%dma_start3A_50 : memref<20000x64xf32, #tpu.memory_space<hbm>>) target(%dma_start3A_44 : memref<128x64xf32, #tpu.memory_space<vmem>>) offsets(%dma_start3A_47 : memref<128xi32, #tpu.memory_space<vmem>>) semaphore(%arg10 : memref<!tpu.dma_semaphore, #tpu.memory_space<semaphore_mem>>)
    %dma_start3A_51 = arith.constant 1 : i32
    %dma_start3A_52 = arith.constant 0 : i32
    %dma_start3A_53 = arith.constant 128 : i32
    %dma_start3A_54 = arith.constant 0 : i32
    %dma_start3A_55 = tpu.memref_slice %arg8[%dma_start3A_52, %dma_start3A_53, %dma_start3A_54] : memref<2x512x64xf32, #tpu.memory_space<vmem>> -> memref<1x128x64xf32, #tpu.memory_space<vmem>>
    %dma_start3A_56 = tpu.memref_squeeze %dma_start3A_55 : memref<1x128x64xf32, #tpu.memory_space<vmem>> -> memref<128x64xf32, #tpu.memory_space<vmem>>
    %dma_start3A_57 = arith.constant 0 : i32
    %dma_start3A_58 = tpu.memref_slice %arg6[%dma_start3A_51, %dma_start3A_57] : memref<80x128xi32, #tpu.memory_space<vmem>> -> memref<1x128xi32, #tpu.memory_space<vmem>>
    %dma_start3A_59 = tpu.memref_squeeze %dma_start3A_58 : memref<1x128xi32, #tpu.memory_space<vmem>> -> memref<128xi32, #tpu.memory_space<vmem>>
    %dma_start3A_60 = arith.constant 0 : i32
    %dma_start3A_61 = arith.constant 0 : i32
    %dma_start3A_62 = tpu.memref_slice %arg2[%dma_start3A_60, %dma_start3A_61] : memref<20000x64xf32, #tpu.memory_space<hbm>> -> memref<20000x64xf32, #tpu.memory_space<hbm>>
    tpu.enqueue_indirect_dma source(%dma_start3A_62 : memref<20000x64xf32, #tpu.memory_space<hbm>>) target(%dma_start3A_56 : memref<128x64xf32, #tpu.memory_space<vmem>>) offsets(%dma_start3A_59 : memref<128xi32, #tpu.memory_space<vmem>>) semaphore(%arg10 : memref<!tpu.dma_semaphore, #tpu.memory_space<semaphore_mem>>)
    %dma_start3A_63 = arith.constant 2 : i32
    %dma_start3A_64 = arith.constant 0 : i32
    %dma_start3A_65 = arith.constant 256 : i32
    %dma_start3A_66 = arith.constant 0 : i32
    %dma_start3A_67 = tpu.memref_slice %arg8[%dma_start3A_64, %dma_start3A_65, %dma_start3A_66] : memref<2x512x64xf32, #tpu.memory_space<vmem>> -> memref<1x128x64xf32, #tpu.memory_space<vmem>>
    %dma_start3A_68 = tpu.memref_squeeze %dma_start3A_67 : memref<1x128x64xf32, #tpu.memory_space<vmem>> -> memref<128x64xf32, #tpu.memory_space<vmem>>
    %dma_start3A_69 = arith.constant 0 : i32
    %dma_start3A_70 = tpu.memref_slice %arg6[%dma_start3A_63, %dma_start3A_69] : memref<80x128xi32, #tpu.memory_space<vmem>> -> memref<1x128xi32, #tpu.memory_space<vmem>>
    %dma_start3A_71 = tpu.memref_squeeze %dma_start3A_70 : memref<1x128xi32, #tpu.memory_space<vmem>> -> memref<128xi32, #tpu.memory_space<vmem>>
    %dma_start3A_72 = arith.constant 0 : i32
    %dma_start3A_73 = arith.constant 0 : i32
    %dma_start3A_74 = tpu.memref_slice %arg2[%dma_start3A_72, %dma_start3A_73] : memref<20000x64xf32, #tpu.memory_space<hbm>> -> memref<20000x64xf32, #tpu.memory_space<hbm>>
    tpu.enqueue_indirect_dma source(%dma_start3A_74 : memref<20000x64xf32, #tpu.memory_space<hbm>>) target(%dma_start3A_68 : memref<128x64xf32, #tpu.memory_space<vmem>>) offsets(%dma_start3A_71 : memref<128xi32, #tpu.memory_space<vmem>>) semaphore(%arg10 : memref<!tpu.dma_semaphore, #tpu.memory_space<semaphore_mem>>)
    %dma_start3A_75 = arith.constant 3 : i32
    %dma_start3A_76 = arith.constant 0 : i32
    %dma_start3A_77 = arith.constant 384 : i32
    %dma_start3A_78 = arith.constant 0 : i32
    %dma_start3A_79 = tpu.memref_slice %arg8[%dma_start3A_76, %dma_start3A_77, %dma_start3A_78] : memref<2x512x64xf32, #tpu.memory_space<vmem>> -> memref<1x128x64xf32, #tpu.memory_space<vmem>>
    %dma_start3A_80 = tpu.memref_squeeze %dma_start3A_79 : memref<1x128x64xf32, #tpu.memory_space<vmem>> -> memref<128x64xf32, #tpu.memory_space<vmem>>
    %dma_start3A_81 = arith.constant 0 : i32
    %dma_start3A_82 = tpu.memref_slice %arg6[%dma_start3A_75, %dma_start3A_81] : memref<80x128xi32, #tpu.memory_space<vmem>> -> memref<1x128xi32, #tpu.memory_space<vmem>>
    %dma_start3A_83 = tpu.memref_squeeze %dma_start3A_82 : memref<1x128xi32, #tpu.memory_space<vmem>> -> memref<128xi32, #tpu.memory_space<vmem>>
    %dma_start3A_84 = arith.constant 0 : i32
    %dma_start3A_85 = arith.constant 0 : i32
    %dma_start3A_86 = tpu.memref_slice %arg2[%dma_start3A_84, %dma_start3A_85] : memref<20000x64xf32, #tpu.memory_space<hbm>> -> memref<20000x64xf32, #tpu.memory_space<hbm>>
    tpu.enqueue_indirect_dma source(%dma_start3A_86 : memref<20000x64xf32, #tpu.memory_space<hbm>>) target(%dma_start3A_80 : memref<128x64xf32, #tpu.memory_space<vmem>>) offsets(%dma_start3A_83 : memref<128xi32, #tpu.memory_space<vmem>>) semaphore(%arg10 : memref<!tpu.dma_semaphore, #tpu.memory_space<semaphore_mem>>)
    %dma_wait3A_87 = arith.constant 0 : i32
    %dma_wait3A_88 = tpu.memref_slice %arg9[%mul3A_19, %dma_wait3A_87] : memref<10112x64xf32, #tpu.memory_space<vmem_shared>> -> memref<632x64xf32, #tpu.memory_space<vmem_shared>>
    tpu.wait_dma2 semaphore(%arg11 : memref<!tpu.dma_semaphore, #tpu.memory_space<semaphore_mem>>) src(%arg4 : memref<632x64xf32, #tpu.memory_space<hbm>>) dst(%dma_wait3A_88 : memref<632x64xf32, #tpu.memory_space<vmem_shared>>)
    %barrier3A = arith.constant 0 : index
    tpu.barrier barrier_id(%barrier3A)
    %scan3A = arith.constant 0 : i32
    %scan3A_89 = arith.constant 10 : i32
    %scan3A_90 = arith.addi %scan3A, %scan3A_89 : i32
    %scan3A_91 = arith.constant 1 : i32
    scf.for %scan3A_113 = %scan3A to %scan3A_90 step %scan3A_91  : i32 {
      %mul3A_114 = arith.constant 2 : i32
      %mul3A_115 = arith.muli %scan3A_113, %mul3A_114 : i32
      %add3A_116 = arith.constant 0 : i32
      %add3A_117 = arith.addi %add3A_116, %mul3A_115 : i32
      %add3A_118 = arith.constant 0 : i32
      %add3A_119 = arith.addi %add3A_117, %add3A_118 : i32
      %dma_wait3A_120 = arith.constant 0 : i32
      %dma_wait3A_121 = arith.constant 0 : i32
      %dma_wait3A_122 = arith.constant 0 : i32
      %dma_wait3A_123 = tpu.memref_slice %arg8[%dma_wait3A_120, %dma_wait3A_121, %dma_wait3A_122] : memref<2x512x64xf32, #tpu.memory_space<vmem>> -> memref<1x512x64xf32, #tpu.memory_space<vmem>>
      %dma_wait3A_124 = tpu.memref_squeeze %dma_wait3A_123 : memref<1x512x64xf32, #tpu.memory_space<vmem>> -> memref<512x64xf32, #tpu.memory_space<vmem>>
      %dma_wait3A_125 = arith.constant 0 : i32
      %dma_wait3A_126 = arith.constant 0 : i32
      %dma_wait3A_127 = tpu.memref_slice %arg2[%dma_wait3A_125, %dma_wait3A_126] : memref<20000x64xf32, #tpu.memory_space<hbm>> -> memref<512x64xf32, #tpu.memory_space<hbm>>
      %dma_wait3A_128 = arith.constant 0 : i32
      %dma_wait3A_129 = arith.constant 0 : i32
      %dma_wait3A_130 = tpu.memref_slice %arg8[%dma_wait3A_120, %dma_wait3A_128, %dma_wait3A_129] : memref<2x512x64xf32, #tpu.memory_space<vmem>> -> memref<1x512x64xf32, #tpu.memory_space<vmem>>
      %dma_wait3A_131 = tpu.memref_squeeze %dma_wait3A_130 : memref<1x512x64xf32, #tpu.memory_space<vmem>> -> memref<512x64xf32, #tpu.memory_space<vmem>>
      %dma_wait3A_132 = arith.constant 0 : i32
      %dma_wait3A_133 = arith.constant 0 : i32
      %dma_wait3A_134 = tpu.memref_slice %arg2[%dma_wait3A_132, %dma_wait3A_133] : memref<20000x64xf32, #tpu.memory_space<hbm>> -> memref<512x64xf32, #tpu.memory_space<hbm>>
      tpu.wait_dma2 semaphore(%arg10 : memref<!tpu.dma_semaphore, #tpu.memory_space<semaphore_mem>>) src(%dma_wait3A_134 : memref<512x64xf32, #tpu.memory_space<hbm>>) dst(%dma_wait3A_131 : memref<512x64xf32, #tpu.memory_space<vmem>>)
      %gt3A = arith.constant 0 : i32
      %gt3A_135 = arith.cmpi sgt, %add3A_119, %gt3A : i32
      %convert_element_type3A = arith.extui %gt3A_135 : i1 to i32
      %cond3A = arith.constant 0 : i32
      %cond3A_136 = arith.cmpi ne, %convert_element_type3A, %cond3A : i32
      scf.if %cond3A_136 {
        %dma_wait3A_292 = arith.constant 1 : i32
        %dma_wait3A_293 = arith.constant 0 : i32
        %dma_wait3A_294 = arith.constant 0 : i32
        %dma_wait3A_295 = tpu.memref_slice %arg8[%dma_wait3A_292, %dma_wait3A_293, %dma_wait3A_294] : memref<2x512x64xf32, #tpu.memory_space<vmem>> -> memref<1x512x64xf32, #tpu.memory_space<vmem>>
        %dma_wait3A_296 = tpu.memref_squeeze %dma_wait3A_295 : memref<1x512x64xf32, #tpu.memory_space<vmem>> -> memref<512x64xf32, #tpu.memory_space<vmem>>
        %dma_wait3A_297 = arith.constant 0 : i32
        %dma_wait3A_298 = arith.constant 0 : i32
        %dma_wait3A_299 = tpu.memref_slice %arg2[%dma_wait3A_297, %dma_wait3A_298] : memref<20000x64xf32, #tpu.memory_space<hbm>> -> memref<512x64xf32, #tpu.memory_space<hbm>>
        %dma_wait3A_300 = arith.constant 0 : i32
        %dma_wait3A_301 = arith.constant 0 : i32
        %dma_wait3A_302 = tpu.memref_slice %arg8[%dma_wait3A_292, %dma_wait3A_300, %dma_wait3A_301] : memref<2x512x64xf32, #tpu.memory_space<vmem>> -> memref<1x512x64xf32, #tpu.memory_space<vmem>>
        %dma_wait3A_303 = tpu.memref_squeeze %dma_wait3A_302 : memref<1x512x64xf32, #tpu.memory_space<vmem>> -> memref<512x64xf32, #tpu.memory_space<vmem>>
        %dma_wait3A_304 = arith.constant 0 : i32
        %dma_wait3A_305 = arith.constant 0 : i32
        %dma_wait3A_306 = tpu.memref_slice %arg2[%dma_wait3A_304, %dma_wait3A_305] : memref<20000x64xf32, #tpu.memory_space<hbm>> -> memref<512x64xf32, #tpu.memory_space<hbm>>
        tpu.wait_dma2 semaphore(%arg11 : memref<!tpu.dma_semaphore, #tpu.memory_space<semaphore_mem>>) src(%dma_wait3A_306 : memref<512x64xf32, #tpu.memory_space<hbm>>) dst(%dma_wait3A_303 : memref<512x64xf32, #tpu.memory_space<vmem>>)
      } else {
      }
      %add3A_137 = arith.constant 1 : i32
      %add3A_138 = arith.addi %add3A_119, %add3A_137 : i32
      %lt3A = arith.constant 20 : i32
      %lt3A_139 = arith.cmpi slt, %add3A_138, %lt3A : i32
      %convert_element_type3A_140 = arith.extui %lt3A_139 : i1 to i32
      %cond3A_141 = arith.constant 0 : i32
      %cond3A_142 = arith.cmpi ne, %convert_element_type3A_140, %cond3A_141 : i32
      scf.if %cond3A_142 {
        %add3A_292 = arith.constant 1 : i32
        %add3A_293 = arith.addi %add3A_119, %add3A_292 : i32
        %mul3A_294 = arith.constant 4 : i32
        %mul3A_295 = arith.muli %add3A_293, %mul3A_294 : i32
        %add3A_296 = arith.constant 0 : i32
        %add3A_297 = arith.addi %mul3A_295, %add3A_296 : i32
        %dma_start3A_298 = arith.constant 1 : i32
        %dma_start3A_299 = arith.constant 0 : i32
        %dma_start3A_300 = arith.constant 0 : i32
        %dma_start3A_301 = tpu.memref_slice %arg8[%dma_start3A_298, %dma_start3A_299, %dma_start3A_300] : memref<2x512x64xf32, #tpu.memory_space<vmem>> -> memref<1x128x64xf32, #tpu.memory_space<vmem>>
        %dma_start3A_302 = tpu.memref_squeeze %dma_start3A_301 : memref<1x128x64xf32, #tpu.memory_space<vmem>> -> memref<128x64xf32, #tpu.memory_space<vmem>>
        %dma_start3A_303 = arith.constant 0 : i32
        %dma_start3A_304 = tpu.memref_slice %arg6[%add3A_297, %dma_start3A_303] : memref<80x128xi32, #tpu.memory_space<vmem>> -> memref<1x128xi32, #tpu.memory_space<vmem>>
        %dma_start3A_305 = tpu.memref_squeeze %dma_start3A_304 : memref<1x128xi32, #tpu.memory_space<vmem>> -> memref<128xi32, #tpu.memory_space<vmem>>
        %dma_start3A_306 = arith.constant 0 : i32
        %dma_start3A_307 = arith.constant 0 : i32
        %dma_start3A_308 = tpu.memref_slice %arg2[%dma_start3A_306, %dma_start3A_307] : memref<20000x64xf32, #tpu.memory_space<hbm>> -> memref<20000x64xf32, #tpu.memory_space<hbm>>
        tpu.enqueue_indirect_dma source(%dma_start3A_308 : memref<20000x64xf32, #tpu.memory_space<hbm>>) target(%dma_start3A_302 : memref<128x64xf32, #tpu.memory_space<vmem>>) offsets(%dma_start3A_305 : memref<128xi32, #tpu.memory_space<vmem>>) semaphore(%arg10 : memref<!tpu.dma_semaphore, #tpu.memory_space<semaphore_mem>>)
        %mul3A_309 = arith.constant 4 : i32
        %mul3A_310 = arith.muli %add3A_293, %mul3A_309 : i32
        %add3A_311 = arith.constant 1 : i32
        %add3A_312 = arith.addi %mul3A_310, %add3A_311 : i32
        %dma_start3A_313 = arith.constant 1 : i32
        %dma_start3A_314 = arith.constant 128 : i32
        %dma_start3A_315 = arith.constant 0 : i32
        %dma_start3A_316 = tpu.memref_slice %arg8[%dma_start3A_313, %dma_start3A_314, %dma_start3A_315] : memref<2x512x64xf32, #tpu.memory_space<vmem>> -> memref<1x128x64xf32, #tpu.memory_space<vmem>>
        %dma_start3A_317 = tpu.memref_squeeze %dma_start3A_316 : memref<1x128x64xf32, #tpu.memory_space<vmem>> -> memref<128x64xf32, #tpu.memory_space<vmem>>
        %dma_start3A_318 = arith.constant 0 : i32
        %dma_start3A_319 = tpu.memref_slice %arg6[%add3A_312, %dma_start3A_318] : memref<80x128xi32, #tpu.memory_space<vmem>> -> memref<1x128xi32, #tpu.memory_space<vmem>>
        %dma_start3A_320 = tpu.memref_squeeze %dma_start3A_319 : memref<1x128xi32, #tpu.memory_space<vmem>> -> memref<128xi32, #tpu.memory_space<vmem>>
        %dma_start3A_321 = arith.constant 0 : i32
        %dma_start3A_322 = arith.constant 0 : i32
        %dma_start3A_323 = tpu.memref_slice %arg2[%dma_start3A_321, %dma_start3A_322] : memref<20000x64xf32, #tpu.memory_space<hbm>> -> memref<20000x64xf32, #tpu.memory_space<hbm>>
        tpu.enqueue_indirect_dma source(%dma_start3A_323 : memref<20000x64xf32, #tpu.memory_space<hbm>>) target(%dma_start3A_317 : memref<128x64xf32, #tpu.memory_space<vmem>>) offsets(%dma_start3A_320 : memref<128xi32, #tpu.memory_space<vmem>>) semaphore(%arg10 : memref<!tpu.dma_semaphore, #tpu.memory_space<semaphore_mem>>)
        %mul3A_324 = arith.constant 4 : i32
        %mul3A_325 = arith.muli %add3A_293, %mul3A_324 : i32
        %add3A_326 = arith.constant 2 : i32
        %add3A_327 = arith.addi %mul3A_325, %add3A_326 : i32
        %dma_start3A_328 = arith.constant 1 : i32
        %dma_start3A_329 = arith.constant 256 : i32
        %dma_start3A_330 = arith.constant 0 : i32
        %dma_start3A_331 = tpu.memref_slice %arg8[%dma_start3A_328, %dma_start3A_329, %dma_start3A_330] : memref<2x512x64xf32, #tpu.memory_space<vmem>> -> memref<1x128x64xf32, #tpu.memory_space<vmem>>
        %dma_start3A_332 = tpu.memref_squeeze %dma_start3A_331 : memref<1x128x64xf32, #tpu.memory_space<vmem>> -> memref<128x64xf32, #tpu.memory_space<vmem>>
        %dma_start3A_333 = arith.constant 0 : i32
        %dma_start3A_334 = tpu.memref_slice %arg6[%add3A_327, %dma_start3A_333] : memref<80x128xi32, #tpu.memory_space<vmem>> -> memref<1x128xi32, #tpu.memory_space<vmem>>
        %dma_start3A_335 = tpu.memref_squeeze %dma_start3A_334 : memref<1x128xi32, #tpu.memory_space<vmem>> -> memref<128xi32, #tpu.memory_space<vmem>>
        %dma_start3A_336 = arith.constant 0 : i32
        %dma_start3A_337 = arith.constant 0 : i32
        %dma_start3A_338 = tpu.memref_slice %arg2[%dma_start3A_336, %dma_start3A_337] : memref<20000x64xf32, #tpu.memory_space<hbm>> -> memref<20000x64xf32, #tpu.memory_space<hbm>>
        tpu.enqueue_indirect_dma source(%dma_start3A_338 : memref<20000x64xf32, #tpu.memory_space<hbm>>) target(%dma_start3A_332 : memref<128x64xf32, #tpu.memory_space<vmem>>) offsets(%dma_start3A_335 : memref<128xi32, #tpu.memory_space<vmem>>) semaphore(%arg10 : memref<!tpu.dma_semaphore, #tpu.memory_space<semaphore_mem>>)
        %mul3A_339 = arith.constant 4 : i32
        %mul3A_340 = arith.muli %add3A_293, %mul3A_339 : i32
        %add3A_341 = arith.constant 3 : i32
        %add3A_342 = arith.addi %mul3A_340, %add3A_341 : i32
        %dma_start3A_343 = arith.constant 1 : i32
        %dma_start3A_344 = arith.constant 384 : i32
        %dma_start3A_345 = arith.constant 0 : i32
        %dma_start3A_346 = tpu.memref_slice %arg8[%dma_start3A_343, %dma_start3A_344, %dma_start3A_345] : memref<2x512x64xf32, #tpu.memory_space<vmem>> -> memref<1x128x64xf32, #tpu.memory_space<vmem>>
        %dma_start3A_347 = tpu.memref_squeeze %dma_start3A_346 : memref<1x128x64xf32, #tpu.memory_space<vmem>> -> memref<128x64xf32, #tpu.memory_space<vmem>>
        %dma_start3A_348 = arith.constant 0 : i32
        %dma_start3A_349 = tpu.memref_slice %arg6[%add3A_342, %dma_start3A_348] : memref<80x128xi32, #tpu.memory_space<vmem>> -> memref<1x128xi32, #tpu.memory_space<vmem>>
        %dma_start3A_350 = tpu.memref_squeeze %dma_start3A_349 : memref<1x128xi32, #tpu.memory_space<vmem>> -> memref<128xi32, #tpu.memory_space<vmem>>
        %dma_start3A_351 = arith.constant 0 : i32
        %dma_start3A_352 = arith.constant 0 : i32
        %dma_start3A_353 = tpu.memref_slice %arg2[%dma_start3A_351, %dma_start3A_352] : memref<20000x64xf32, #tpu.memory_space<hbm>> -> memref<20000x64xf32, #tpu.memory_space<hbm>>
        tpu.enqueue_indirect_dma source(%dma_start3A_353 : memref<20000x64xf32, #tpu.memory_space<hbm>>) target(%dma_start3A_347 : memref<128x64xf32, #tpu.memory_space<vmem>>) offsets(%dma_start3A_350 : memref<128xi32, #tpu.memory_space<vmem>>) semaphore(%arg10 : memref<!tpu.dma_semaphore, #tpu.memory_space<semaphore_mem>>)
      } else {
      }
      %mul3A_143 = arith.constant 4 : i32
      %mul3A_144 = arith.muli %add3A_119, %mul3A_143 : i32
      %add3A_145 = arith.constant 0 : i32
      %add3A_146 = arith.addi %mul3A_144, %add3A_145 : i32
      %dma_start3A_147 = arith.constant 0 : i32
      %dma_start3A_148 = arith.constant 0 : i32
      %dma_start3A_149 = arith.constant 0 : i32
      %dma_start3A_150 = tpu.memref_slice %arg8[%dma_start3A_147, %dma_start3A_148, %dma_start3A_149] : memref<2x512x64xf32, #tpu.memory_space<vmem>> -> memref<1x128x64xf32, #tpu.memory_space<vmem>>
      %dma_start3A_151 = tpu.memref_squeeze %dma_start3A_150 : memref<1x128x64xf32, #tpu.memory_space<vmem>> -> memref<128x64xf32, #tpu.memory_space<vmem>>
      %dma_start3A_152 = arith.constant 0 : i32
      %dma_start3A_153 = tpu.memref_slice %arg7[%add3A_146, %dma_start3A_152] : memref<80x128xi32, #tpu.memory_space<vmem>> -> memref<1x128xi32, #tpu.memory_space<vmem>>
      %dma_start3A_154 = tpu.memref_squeeze %dma_start3A_153 : memref<1x128xi32, #tpu.memory_space<vmem>> -> memref<128xi32, #tpu.memory_space<vmem>>
      %dma_start3A_155 = arith.constant 0 : i32
      %dma_start3A_156 = arith.constant 0 : i32
      %dma_start3A_157 = tpu.memref_slice %arg9[%dma_start3A_155, %dma_start3A_156] : memref<10112x64xf32, #tpu.memory_space<vmem_shared>> -> memref<10112x64xf32, #tpu.memory_space<vmem_shared>>
      tpu.enqueue_indirect_dma source(%dma_start3A_151 : memref<128x64xf32, #tpu.memory_space<vmem>>) target(%dma_start3A_157 : memref<10112x64xf32, #tpu.memory_space<vmem_shared>>) offsets(%dma_start3A_154 : memref<128xi32, #tpu.memory_space<vmem>>) semaphore(%arg11 : memref<!tpu.dma_semaphore, #tpu.memory_space<semaphore_mem>>) {add = true}
      %mul3A_158 = arith.constant 4 : i32
      %mul3A_159 = arith.muli %add3A_119, %mul3A_158 : i32
      %add3A_160 = arith.constant 1 : i32
      %add3A_161 = arith.addi %mul3A_159, %add3A_160 : i32
      %dma_start3A_162 = arith.constant 0 : i32
      %dma_start3A_163 = arith.constant 128 : i32
      %dma_start3A_164 = arith.constant 0 : i32
      %dma_start3A_165 = tpu.memref_slice %arg8[%dma_start3A_162, %dma_start3A_163, %dma_start3A_164] : memref<2x512x64xf32, #tpu.memory_space<vmem>> -> memref<1x128x64xf32, #tpu.memory_space<vmem>>
      %dma_start3A_166 = tpu.memref_squeeze %dma_start3A_165 : memref<1x128x64xf32, #tpu.memory_space<vmem>> -> memref<128x64xf32, #tpu.memory_space<vmem>>
      %dma_start3A_167 = arith.constant 0 : i32
      %dma_start3A_168 = tpu.memref_slice %arg7[%add3A_161, %dma_start3A_167] : memref<80x128xi32, #tpu.memory_space<vmem>> -> memref<1x128xi32, #tpu.memory_space<vmem>>
      %dma_start3A_169 = tpu.memref_squeeze %dma_start3A_168 : memref<1x128xi32, #tpu.memory_space<vmem>> -> memref<128xi32, #tpu.memory_space<vmem>>
      %dma_start3A_170 = arith.constant 0 : i32
      %dma_start3A_171 = arith.constant 0 : i32
      %dma_start3A_172 = tpu.memref_slice %arg9[%dma_start3A_170, %dma_start3A_171] : memref<10112x64xf32, #tpu.memory_space<vmem_shared>> -> memref<10112x64xf32, #tpu.memory_space<vmem_shared>>
      tpu.enqueue_indirect_dma source(%dma_start3A_166 : memref<128x64xf32, #tpu.memory_space<vmem>>) target(%dma_start3A_172 : memref<10112x64xf32, #tpu.memory_space<vmem_shared>>) offsets(%dma_start3A_169 : memref<128xi32, #tpu.memory_space<vmem>>) semaphore(%arg11 : memref<!tpu.dma_semaphore, #tpu.memory_space<semaphore_mem>>) {add = true}
      %mul3A_173 = arith.constant 4 : i32
      %mul3A_174 = arith.muli %add3A_119, %mul3A_173 : i32
      %add3A_175 = arith.constant 2 : i32
      %add3A_176 = arith.addi %mul3A_174, %add3A_175 : i32
      %dma_start3A_177 = arith.constant 0 : i32
      %dma_start3A_178 = arith.constant 256 : i32
      %dma_start3A_179 = arith.constant 0 : i32
      %dma_start3A_180 = tpu.memref_slice %arg8[%dma_start3A_177, %dma_start3A_178, %dma_start3A_179] : memref<2x512x64xf32, #tpu.memory_space<vmem>> -> memref<1x128x64xf32, #tpu.memory_space<vmem>>
      %dma_start3A_181 = tpu.memref_squeeze %dma_start3A_180 : memref<1x128x64xf32, #tpu.memory_space<vmem>> -> memref<128x64xf32, #tpu.memory_space<vmem>>
      %dma_start3A_182 = arith.constant 0 : i32
      %dma_start3A_183 = tpu.memref_slice %arg7[%add3A_176, %dma_start3A_182] : memref<80x128xi32, #tpu.memory_space<vmem>> -> memref<1x128xi32, #tpu.memory_space<vmem>>
      %dma_start3A_184 = tpu.memref_squeeze %dma_start3A_183 : memref<1x128xi32, #tpu.memory_space<vmem>> -> memref<128xi32, #tpu.memory_space<vmem>>
      %dma_start3A_185 = arith.constant 0 : i32
      %dma_start3A_186 = arith.constant 0 : i32
      %dma_start3A_187 = tpu.memref_slice %arg9[%dma_start3A_185, %dma_start3A_186] : memref<10112x64xf32, #tpu.memory_space<vmem_shared>> -> memref<10112x64xf32, #tpu.memory_space<vmem_shared>>
      tpu.enqueue_indirect_dma source(%dma_start3A_181 : memref<128x64xf32, #tpu.memory_space<vmem>>) target(%dma_start3A_187 : memref<10112x64xf32, #tpu.memory_space<vmem_shared>>) offsets(%dma_start3A_184 : memref<128xi32, #tpu.memory_space<vmem>>) semaphore(%arg11 : memref<!tpu.dma_semaphore, #tpu.memory_space<semaphore_mem>>) {add = true}
      %mul3A_188 = arith.constant 4 : i32
      %mul3A_189 = arith.muli %add3A_119, %mul3A_188 : i32
      %add3A_190 = arith.constant 3 : i32
      %add3A_191 = arith.addi %mul3A_189, %add3A_190 : i32
      %dma_start3A_192 = arith.constant 0 : i32
      %dma_start3A_193 = arith.constant 384 : i32
      %dma_start3A_194 = arith.constant 0 : i32
      %dma_start3A_195 = tpu.memref_slice %arg8[%dma_start3A_192, %dma_start3A_193, %dma_start3A_194] : memref<2x512x64xf32, #tpu.memory_space<vmem>> -> memref<1x128x64xf32, #tpu.memory_space<vmem>>
      %dma_start3A_196 = tpu.memref_squeeze %dma_start3A_195 : memref<1x128x64xf32, #tpu.memory_space<vmem>> -> memref<128x64xf32, #tpu.memory_space<vmem>>
      %dma_start3A_197 = arith.constant 0 : i32
      %dma_start3A_198 = tpu.memref_slice %arg7[%add3A_191, %dma_start3A_197] : memref<80x128xi32, #tpu.memory_space<vmem>> -> memref<1x128xi32, #tpu.memory_space<vmem>>
      %dma_start3A_199 = tpu.memref_squeeze %dma_start3A_198 : memref<1x128xi32, #tpu.memory_space<vmem>> -> memref<128xi32, #tpu.memory_space<vmem>>
      %dma_start3A_200 = arith.constant 0 : i32
      %dma_start3A_201 = arith.constant 0 : i32
      %dma_start3A_202 = tpu.memref_slice %arg9[%dma_start3A_200, %dma_start3A_201] : memref<10112x64xf32, #tpu.memory_space<vmem_shared>> -> memref<10112x64xf32, #tpu.memory_space<vmem_shared>>
      tpu.enqueue_indirect_dma source(%dma_start3A_196 : memref<128x64xf32, #tpu.memory_space<vmem>>) target(%dma_start3A_202 : memref<10112x64xf32, #tpu.memory_space<vmem_shared>>) offsets(%dma_start3A_199 : memref<128xi32, #tpu.memory_space<vmem>>) semaphore(%arg11 : memref<!tpu.dma_semaphore, #tpu.memory_space<semaphore_mem>>) {add = true}
      %add3A_203 = arith.constant 1 : i32
      %add3A_204 = arith.addi %add3A_117, %add3A_203 : i32
      %dma_wait3A_205 = arith.constant 1 : i32
      %dma_wait3A_206 = arith.constant 0 : i32
      %dma_wait3A_207 = arith.constant 0 : i32
      %dma_wait3A_208 = tpu.memref_slice %arg8[%dma_wait3A_205, %dma_wait3A_206, %dma_wait3A_207] : memref<2x512x64xf32, #tpu.memory_space<vmem>> -> memref<1x512x64xf32, #tpu.memory_space<vmem>>
      %dma_wait3A_209 = tpu.memref_squeeze %dma_wait3A_208 : memref<1x512x64xf32, #tpu.memory_space<vmem>> -> memref<512x64xf32, #tpu.memory_space<vmem>>
      %dma_wait3A_210 = arith.constant 0 : i32
      %dma_wait3A_211 = arith.constant 0 : i32
      %dma_wait3A_212 = tpu.memref_slice %arg2[%dma_wait3A_210, %dma_wait3A_211] : memref<20000x64xf32, #tpu.memory_space<hbm>> -> memref<512x64xf32, #tpu.memory_space<hbm>>
      %dma_wait3A_213 = arith.constant 0 : i32
      %dma_wait3A_214 = arith.constant 0 : i32
      %dma_wait3A_215 = tpu.memref_slice %arg8[%dma_wait3A_205, %dma_wait3A_213, %dma_wait3A_214] : memref<2x512x64xf32, #tpu.memory_space<vmem>> -> memref<1x512x64xf32, #tpu.memory_space<vmem>>
      %dma_wait3A_216 = tpu.memref_squeeze %dma_wait3A_215 : memref<1x512x64xf32, #tpu.memory_space<vmem>> -> memref<512x64xf32, #tpu.memory_space<vmem>>
      %dma_wait3A_217 = arith.constant 0 : i32
      %dma_wait3A_218 = arith.constant 0 : i32
      %dma_wait3A_219 = tpu.memref_slice %arg2[%dma_wait3A_217, %dma_wait3A_218] : memref<20000x64xf32, #tpu.memory_space<hbm>> -> memref<512x64xf32, #tpu.memory_space<hbm>>
      tpu.wait_dma2 semaphore(%arg10 : memref<!tpu.dma_semaphore, #tpu.memory_space<semaphore_mem>>) src(%dma_wait3A_219 : memref<512x64xf32, #tpu.memory_space<hbm>>) dst(%dma_wait3A_216 : memref<512x64xf32, #tpu.memory_space<vmem>>)
      %gt3A_220 = arith.constant 0 : i32
      %gt3A_221 = arith.cmpi sgt, %add3A_204, %gt3A_220 : i32
      %convert_element_type3A_222 = arith.extui %gt3A_221 : i1 to i32
      %cond3A_223 = arith.constant 0 : i32
      %cond3A_224 = arith.cmpi ne, %convert_element_type3A_222, %cond3A_223 : i32
      scf.if %cond3A_224 {
        %dma_wait3A_292 = arith.constant 0 : i32
        %dma_wait3A_293 = arith.constant 0 : i32
        %dma_wait3A_294 = arith.constant 0 : i32
        %dma_wait3A_295 = tpu.memref_slice %arg8[%dma_wait3A_292, %dma_wait3A_293, %dma_wait3A_294] : memref<2x512x64xf32, #tpu.memory_space<vmem>> -> memref<1x512x64xf32, #tpu.memory_space<vmem>>
        %dma_wait3A_296 = tpu.memref_squeeze %dma_wait3A_295 : memref<1x512x64xf32, #tpu.memory_space<vmem>> -> memref<512x64xf32, #tpu.memory_space<vmem>>
        %dma_wait3A_297 = arith.constant 0 : i32
        %dma_wait3A_298 = arith.constant 0 : i32
        %dma_wait3A_299 = tpu.memref_slice %arg2[%dma_wait3A_297, %dma_wait3A_298] : memref<20000x64xf32, #tpu.memory_space<hbm>> -> memref<512x64xf32, #tpu.memory_space<hbm>>
        %dma_wait3A_300 = arith.constant 0 : i32
        %dma_wait3A_301 = arith.constant 0 : i32
        %dma_wait3A_302 = tpu.memref_slice %arg8[%dma_wait3A_292, %dma_wait3A_300, %dma_wait3A_301] : memref<2x512x64xf32, #tpu.memory_space<vmem>> -> memref<1x512x64xf32, #tpu.memory_space<vmem>>
        %dma_wait3A_303 = tpu.memref_squeeze %dma_wait3A_302 : memref<1x512x64xf32, #tpu.memory_space<vmem>> -> memref<512x64xf32, #tpu.memory_space<vmem>>
        %dma_wait3A_304 = arith.constant 0 : i32
        %dma_wait3A_305 = arith.constant 0 : i32
        %dma_wait3A_306 = tpu.memref_slice %arg2[%dma_wait3A_304, %dma_wait3A_305] : memref<20000x64xf32, #tpu.memory_space<hbm>> -> memref<512x64xf32, #tpu.memory_space<hbm>>
        tpu.wait_dma2 semaphore(%arg11 : memref<!tpu.dma_semaphore, #tpu.memory_space<semaphore_mem>>) src(%dma_wait3A_306 : memref<512x64xf32, #tpu.memory_space<hbm>>) dst(%dma_wait3A_303 : memref<512x64xf32, #tpu.memory_space<vmem>>)
      } else {
      }
      %add3A_225 = arith.constant 1 : i32
      %add3A_226 = arith.addi %add3A_204, %add3A_225 : i32
      %lt3A_227 = arith.constant 20 : i32
      %lt3A_228 = arith.cmpi slt, %add3A_226, %lt3A_227 : i32
      %convert_element_type3A_229 = arith.extui %lt3A_228 : i1 to i32
      %cond3A_230 = arith.constant 0 : i32
      %cond3A_231 = arith.cmpi ne, %convert_element_type3A_229, %cond3A_230 : i32
      scf.if %cond3A_231 {
        %add3A_292 = arith.constant 1 : i32
        %add3A_293 = arith.addi %add3A_204, %add3A_292 : i32
        %mul3A_294 = arith.constant 4 : i32
        %mul3A_295 = arith.muli %add3A_293, %mul3A_294 : i32
        %add3A_296 = arith.constant 0 : i32
        %add3A_297 = arith.addi %mul3A_295, %add3A_296 : i32
        %dma_start3A_298 = arith.constant 0 : i32
        %dma_start3A_299 = arith.constant 0 : i32
        %dma_start3A_300 = arith.constant 0 : i32
        %dma_start3A_301 = tpu.memref_slice %arg8[%dma_start3A_298, %dma_start3A_299, %dma_start3A_300] : memref<2x512x64xf32, #tpu.memory_space<vmem>> -> memref<1x128x64xf32, #tpu.memory_space<vmem>>
        %dma_start3A_302 = tpu.memref_squeeze %dma_start3A_301 : memref<1x128x64xf32, #tpu.memory_space<vmem>> -> memref<128x64xf32, #tpu.memory_space<vmem>>
        %dma_start3A_303 = arith.constant 0 : i32
        %dma_start3A_304 = tpu.memref_slice %arg6[%add3A_297, %dma_start3A_303] : memref<80x128xi32, #tpu.memory_space<vmem>> -> memref<1x128xi32, #tpu.memory_space<vmem>>
        %dma_start3A_305 = tpu.memref_squeeze %dma_start3A_304 : memref<1x128xi32, #tpu.memory_space<vmem>> -> memref<128xi32, #tpu.memory_space<vmem>>
        %dma_start3A_306 = arith.constant 0 : i32
        %dma_start3A_307 = arith.constant 0 : i32
        %dma_start3A_308 = tpu.memref_slice %arg2[%dma_start3A_306, %dma_start3A_307] : memref<20000x64xf32, #tpu.memory_space<hbm>> -> memref<20000x64xf32, #tpu.memory_space<hbm>>
        tpu.enqueue_indirect_dma source(%dma_start3A_308 : memref<20000x64xf32, #tpu.memory_space<hbm>>) target(%dma_start3A_302 : memref<128x64xf32, #tpu.memory_space<vmem>>) offsets(%dma_start3A_305 : memref<128xi32, #tpu.memory_space<vmem>>) semaphore(%arg10 : memref<!tpu.dma_semaphore, #tpu.memory_space<semaphore_mem>>)
        %mul3A_309 = arith.constant 4 : i32
        %mul3A_310 = arith.muli %add3A_293, %mul3A_309 : i32
        %add3A_311 = arith.constant 1 : i32
        %add3A_312 = arith.addi %mul3A_310, %add3A_311 : i32
        %dma_start3A_313 = arith.constant 0 : i32
        %dma_start3A_314 = arith.constant 128 : i32
        %dma_start3A_315 = arith.constant 0 : i32
        %dma_start3A_316 = tpu.memref_slice %arg8[%dma_start3A_313, %dma_start3A_314, %dma_start3A_315] : memref<2x512x64xf32, #tpu.memory_space<vmem>> -> memref<1x128x64xf32, #tpu.memory_space<vmem>>
        %dma_start3A_317 = tpu.memref_squeeze %dma_start3A_316 : memref<1x128x64xf32, #tpu.memory_space<vmem>> -> memref<128x64xf32, #tpu.memory_space<vmem>>
        %dma_start3A_318 = arith.constant 0 : i32
        %dma_start3A_319 = tpu.memref_slice %arg6[%add3A_312, %dma_start3A_318] : memref<80x128xi32, #tpu.memory_space<vmem>> -> memref<1x128xi32, #tpu.memory_space<vmem>>
        %dma_start3A_320 = tpu.memref_squeeze %dma_start3A_319 : memref<1x128xi32, #tpu.memory_space<vmem>> -> memref<128xi32, #tpu.memory_space<vmem>>
        %dma_start3A_321 = arith.constant 0 : i32
        %dma_start3A_322 = arith.constant 0 : i32
        %dma_start3A_323 = tpu.memref_slice %arg2[%dma_start3A_321, %dma_start3A_322] : memref<20000x64xf32, #tpu.memory_space<hbm>> -> memref<20000x64xf32, #tpu.memory_space<hbm>>
        tpu.enqueue_indirect_dma source(%dma_start3A_323 : memref<20000x64xf32, #tpu.memory_space<hbm>>) target(%dma_start3A_317 : memref<128x64xf32, #tpu.memory_space<vmem>>) offsets(%dma_start3A_320 : memref<128xi32, #tpu.memory_space<vmem>>) semaphore(%arg10 : memref<!tpu.dma_semaphore, #tpu.memory_space<semaphore_mem>>)
        %mul3A_324 = arith.constant 4 : i32
        %mul3A_325 = arith.muli %add3A_293, %mul3A_324 : i32
        %add3A_326 = arith.constant 2 : i32
        %add3A_327 = arith.addi %mul3A_325, %add3A_326 : i32
        %dma_start3A_328 = arith.constant 0 : i32
        %dma_start3A_329 = arith.constant 256 : i32
        %dma_start3A_330 = arith.constant 0 : i32
        %dma_start3A_331 = tpu.memref_slice %arg8[%dma_start3A_328, %dma_start3A_329, %dma_start3A_330] : memref<2x512x64xf32, #tpu.memory_space<vmem>> -> memref<1x128x64xf32, #tpu.memory_space<vmem>>
        %dma_start3A_332 = tpu.memref_squeeze %dma_start3A_331 : memref<1x128x64xf32, #tpu.memory_space<vmem>> -> memref<128x64xf32, #tpu.memory_space<vmem>>
        %dma_start3A_333 = arith.constant 0 : i32
        %dma_start3A_334 = tpu.memref_slice %arg6[%add3A_327, %dma_start3A_333] : memref<80x128xi32, #tpu.memory_space<vmem>> -> memref<1x128xi32, #tpu.memory_space<vmem>>
        %dma_start3A_335 = tpu.memref_squeeze %dma_start3A_334 : memref<1x128xi32, #tpu.memory_space<vmem>> -> memref<128xi32, #tpu.memory_space<vmem>>
        %dma_start3A_336 = arith.constant 0 : i32
        %dma_start3A_337 = arith.constant 0 : i32
        %dma_start3A_338 = tpu.memref_slice %arg2[%dma_start3A_336, %dma_start3A_337] : memref<20000x64xf32, #tpu.memory_space<hbm>> -> memref<20000x64xf32, #tpu.memory_space<hbm>>
        tpu.enqueue_indirect_dma source(%dma_start3A_338 : memref<20000x64xf32, #tpu.memory_space<hbm>>) target(%dma_start3A_332 : memref<128x64xf32, #tpu.memory_space<vmem>>) offsets(%dma_start3A_335 : memref<128xi32, #tpu.memory_space<vmem>>) semaphore(%arg10 : memref<!tpu.dma_semaphore, #tpu.memory_space<semaphore_mem>>)
        %mul3A_339 = arith.constant 4 : i32
        %mul3A_340 = arith.muli %add3A_293, %mul3A_339 : i32
        %add3A_341 = arith.constant 3 : i32
        %add3A_342 = arith.addi %mul3A_340, %add3A_341 : i32
        %dma_start3A_343 = arith.constant 0 : i32
        %dma_start3A_344 = arith.constant 384 : i32
        %dma_start3A_345 = arith.constant 0 : i32
        %dma_start3A_346 = tpu.memref_slice %arg8[%dma_start3A_343, %dma_start3A_344, %dma_start3A_345] : memref<2x512x64xf32, #tpu.memory_space<vmem>> -> memref<1x128x64xf32, #tpu.memory_space<vmem>>
        %dma_start3A_347 = tpu.memref_squeeze %dma_start3A_346 : memref<1x128x64xf32, #tpu.memory_space<vmem>> -> memref<128x64xf32, #tpu.memory_space<vmem>>
        %dma_start3A_348 = arith.constant 0 : i32
        %dma_start3A_349 = tpu.memref_slice %arg6[%add3A_342, %dma_start3A_348] : memref<80x128xi32, #tpu.memory_space<vmem>> -> memref<1x128xi32, #tpu.memory_space<vmem>>
        %dma_start3A_350 = tpu.memref_squeeze %dma_start3A_349 : memref<1x128xi32, #tpu.memory_space<vmem>> -> memref<128xi32, #tpu.memory_space<vmem>>
        %dma_start3A_351 = arith.constant 0 : i32
        %dma_start3A_352 = arith.constant 0 : i32
        %dma_start3A_353 = tpu.memref_slice %arg2[%dma_start3A_351, %dma_start3A_352] : memref<20000x64xf32, #tpu.memory_space<hbm>> -> memref<20000x64xf32, #tpu.memory_space<hbm>>
        tpu.enqueue_indirect_dma source(%dma_start3A_353 : memref<20000x64xf32, #tpu.memory_space<hbm>>) target(%dma_start3A_347 : memref<128x64xf32, #tpu.memory_space<vmem>>) offsets(%dma_start3A_350 : memref<128xi32, #tpu.memory_space<vmem>>) semaphore(%arg10 : memref<!tpu.dma_semaphore, #tpu.memory_space<semaphore_mem>>)
      } else {
      }
      %mul3A_232 = arith.constant 4 : i32
      %mul3A_233 = arith.muli %add3A_204, %mul3A_232 : i32
      %add3A_234 = arith.constant 0 : i32
      %add3A_235 = arith.addi %mul3A_233, %add3A_234 : i32
      %dma_start3A_236 = arith.constant 1 : i32
      %dma_start3A_237 = arith.constant 0 : i32
      %dma_start3A_238 = arith.constant 0 : i32
      %dma_start3A_239 = tpu.memref_slice %arg8[%dma_start3A_236, %dma_start3A_237, %dma_start3A_238] : memref<2x512x64xf32, #tpu.memory_space<vmem>> -> memref<1x128x64xf32, #tpu.memory_space<vmem>>
      %dma_start3A_240 = tpu.memref_squeeze %dma_start3A_239 : memref<1x128x64xf32, #tpu.memory_space<vmem>> -> memref<128x64xf32, #tpu.memory_space<vmem>>
      %dma_start3A_241 = arith.constant 0 : i32
      %dma_start3A_242 = tpu.memref_slice %arg7[%add3A_235, %dma_start3A_241] : memref<80x128xi32, #tpu.memory_space<vmem>> -> memref<1x128xi32, #tpu.memory_space<vmem>>
      %dma_start3A_243 = tpu.memref_squeeze %dma_start3A_242 : memref<1x128xi32, #tpu.memory_space<vmem>> -> memref<128xi32, #tpu.memory_space<vmem>>
      %dma_start3A_244 = arith.constant 0 : i32
      %dma_start3A_245 = arith.constant 0 : i32
      %dma_start3A_246 = tpu.memref_slice %arg9[%dma_start3A_244, %dma_start3A_245] : memref<10112x64xf32, #tpu.memory_space<vmem_shared>> -> memref<10112x64xf32, #tpu.memory_space<vmem_shared>>
      tpu.enqueue_indirect_dma source(%dma_start3A_240 : memref<128x64xf32, #tpu.memory_space<vmem>>) target(%dma_start3A_246 : memref<10112x64xf32, #tpu.memory_space<vmem_shared>>) offsets(%dma_start3A_243 : memref<128xi32, #tpu.memory_space<vmem>>) semaphore(%arg11 : memref<!tpu.dma_semaphore, #tpu.memory_space<semaphore_mem>>) {add = true}
      %mul3A_247 = arith.constant 4 : i32
      %mul3A_248 = arith.muli %add3A_204, %mul3A_247 : i32
      %add3A_249 = arith.constant 1 : i32
      %add3A_250 = arith.addi %mul3A_248, %add3A_249 : i32
      %dma_start3A_251 = arith.constant 1 : i32
      %dma_start3A_252 = arith.constant 128 : i32
      %dma_start3A_253 = arith.constant 0 : i32
      %dma_start3A_254 = tpu.memref_slice %arg8[%dma_start3A_251, %dma_start3A_252, %dma_start3A_253] : memref<2x512x64xf32, #tpu.memory_space<vmem>> -> memref<1x128x64xf32, #tpu.memory_space<vmem>>
      %dma_start3A_255 = tpu.memref_squeeze %dma_start3A_254 : memref<1x128x64xf32, #tpu.memory_space<vmem>> -> memref<128x64xf32, #tpu.memory_space<vmem>>
      %dma_start3A_256 = arith.constant 0 : i32
      %dma_start3A_257 = tpu.memref_slice %arg7[%add3A_250, %dma_start3A_256] : memref<80x128xi32, #tpu.memory_space<vmem>> -> memref<1x128xi32, #tpu.memory_space<vmem>>
      %dma_start3A_258 = tpu.memref_squeeze %dma_start3A_257 : memref<1x128xi32, #tpu.memory_space<vmem>> -> memref<128xi32, #tpu.memory_space<vmem>>
      %dma_start3A_259 = arith.constant 0 : i32
      %dma_start3A_260 = arith.constant 0 : i32
      %dma_start3A_261 = tpu.memref_slice %arg9[%dma_start3A_259, %dma_start3A_260] : memref<10112x64xf32, #tpu.memory_space<vmem_shared>> -> memref<10112x64xf32, #tpu.memory_space<vmem_shared>>
      tpu.enqueue_indirect_dma source(%dma_start3A_255 : memref<128x64xf32, #tpu.memory_space<vmem>>) target(%dma_start3A_261 : memref<10112x64xf32, #tpu.memory_space<vmem_shared>>) offsets(%dma_start3A_258 : memref<128xi32, #tpu.memory_space<vmem>>) semaphore(%arg11 : memref<!tpu.dma_semaphore, #tpu.memory_space<semaphore_mem>>) {add = true}
      %mul3A_262 = arith.constant 4 : i32
      %mul3A_263 = arith.muli %add3A_204, %mul3A_262 : i32
      %add3A_264 = arith.constant 2 : i32
      %add3A_265 = arith.addi %mul3A_263, %add3A_264 : i32
      %dma_start3A_266 = arith.constant 1 : i32
      %dma_start3A_267 = arith.constant 256 : i32
      %dma_start3A_268 = arith.constant 0 : i32
      %dma_start3A_269 = tpu.memref_slice %arg8[%dma_start3A_266, %dma_start3A_267, %dma_start3A_268] : memref<2x512x64xf32, #tpu.memory_space<vmem>> -> memref<1x128x64xf32, #tpu.memory_space<vmem>>
      %dma_start3A_270 = tpu.memref_squeeze %dma_start3A_269 : memref<1x128x64xf32, #tpu.memory_space<vmem>> -> memref<128x64xf32, #tpu.memory_space<vmem>>
      %dma_start3A_271 = arith.constant 0 : i32
      %dma_start3A_272 = tpu.memref_slice %arg7[%add3A_265, %dma_start3A_271] : memref<80x128xi32, #tpu.memory_space<vmem>> -> memref<1x128xi32, #tpu.memory_space<vmem>>
      %dma_start3A_273 = tpu.memref_squeeze %dma_start3A_272 : memref<1x128xi32, #tpu.memory_space<vmem>> -> memref<128xi32, #tpu.memory_space<vmem>>
      %dma_start3A_274 = arith.constant 0 : i32
      %dma_start3A_275 = arith.constant 0 : i32
      %dma_start3A_276 = tpu.memref_slice %arg9[%dma_start3A_274, %dma_start3A_275] : memref<10112x64xf32, #tpu.memory_space<vmem_shared>> -> memref<10112x64xf32, #tpu.memory_space<vmem_shared>>
      tpu.enqueue_indirect_dma source(%dma_start3A_270 : memref<128x64xf32, #tpu.memory_space<vmem>>) target(%dma_start3A_276 : memref<10112x64xf32, #tpu.memory_space<vmem_shared>>) offsets(%dma_start3A_273 : memref<128xi32, #tpu.memory_space<vmem>>) semaphore(%arg11 : memref<!tpu.dma_semaphore, #tpu.memory_space<semaphore_mem>>) {add = true}
      %mul3A_277 = arith.constant 4 : i32
      %mul3A_278 = arith.muli %add3A_204, %mul3A_277 : i32
      %add3A_279 = arith.constant 3 : i32
      %add3A_280 = arith.addi %mul3A_278, %add3A_279 : i32
      %dma_start3A_281 = arith.constant 1 : i32
      %dma_start3A_282 = arith.constant 384 : i32
      %dma_start3A_283 = arith.constant 0 : i32
      %dma_start3A_284 = tpu.memref_slice %arg8[%dma_start3A_281, %dma_start3A_282, %dma_start3A_283] : memref<2x512x64xf32, #tpu.memory_space<vmem>> -> memref<1x128x64xf32, #tpu.memory_space<vmem>>
      %dma_start3A_285 = tpu.memref_squeeze %dma_start3A_284 : memref<1x128x64xf32, #tpu.memory_space<vmem>> -> memref<128x64xf32, #tpu.memory_space<vmem>>
      %dma_start3A_286 = arith.constant 0 : i32
      %dma_start3A_287 = tpu.memref_slice %arg7[%add3A_280, %dma_start3A_286] : memref<80x128xi32, #tpu.memory_space<vmem>> -> memref<1x128xi32, #tpu.memory_space<vmem>>
      %dma_start3A_288 = tpu.memref_squeeze %dma_start3A_287 : memref<1x128xi32, #tpu.memory_space<vmem>> -> memref<128xi32, #tpu.memory_space<vmem>>
      %dma_start3A_289 = arith.constant 0 : i32
      %dma_start3A_290 = arith.constant 0 : i32
      %dma_start3A_291 = tpu.memref_slice %arg9[%dma_start3A_289, %dma_start3A_290] : memref<10112x64xf32, #tpu.memory_space<vmem_shared>> -> memref<10112x64xf32, #tpu.memory_space<vmem_shared>>
      tpu.enqueue_indirect_dma source(%dma_start3A_285 : memref<128x64xf32, #tpu.memory_space<vmem>>) target(%dma_start3A_291 : memref<10112x64xf32, #tpu.memory_space<vmem_shared>>) offsets(%dma_start3A_288 : memref<128xi32, #tpu.memory_space<vmem>>) semaphore(%arg11 : memref<!tpu.dma_semaphore, #tpu.memory_space<semaphore_mem>>) {add = true}
    }
    %scan3A_92 = arith.constant 10 : i32
    %dma_wait3A_93 = arith.constant 1 : i32
    %dma_wait3A_94 = arith.constant 0 : i32
    %dma_wait3A_95 = arith.constant 0 : i32
    %dma_wait3A_96 = tpu.memref_slice %arg8[%dma_wait3A_93, %dma_wait3A_94, %dma_wait3A_95] : memref<2x512x64xf32, #tpu.memory_space<vmem>> -> memref<1x512x64xf32, #tpu.memory_space<vmem>>
    %dma_wait3A_97 = tpu.memref_squeeze %dma_wait3A_96 : memref<1x512x64xf32, #tpu.memory_space<vmem>> -> memref<512x64xf32, #tpu.memory_space<vmem>>
    %dma_wait3A_98 = arith.constant 0 : i32
    %dma_wait3A_99 = arith.constant 0 : i32
    %dma_wait3A_100 = tpu.memref_slice %arg2[%dma_wait3A_98, %dma_wait3A_99] : memref<20000x64xf32, #tpu.memory_space<hbm>> -> memref<512x64xf32, #tpu.memory_space<hbm>>
    %dma_wait3A_101 = arith.constant 0 : i32
    %dma_wait3A_102 = arith.constant 0 : i32
    %dma_wait3A_103 = tpu.memref_slice %arg8[%dma_wait3A_93, %dma_wait3A_101, %dma_wait3A_102] : memref<2x512x64xf32, #tpu.memory_space<vmem>> -> memref<1x512x64xf32, #tpu.memory_space<vmem>>
    %dma_wait3A_104 = tpu.memref_squeeze %dma_wait3A_103 : memref<1x512x64xf32, #tpu.memory_space<vmem>> -> memref<512x64xf32, #tpu.memory_space<vmem>>
    %dma_wait3A_105 = arith.constant 0 : i32
    %dma_wait3A_106 = arith.constant 0 : i32
    %dma_wait3A_107 = tpu.memref_slice %arg2[%dma_wait3A_105, %dma_wait3A_106] : memref<20000x64xf32, #tpu.memory_space<hbm>> -> memref<512x64xf32, #tpu.memory_space<hbm>>
    tpu.wait_dma2 semaphore(%arg11 : memref<!tpu.dma_semaphore, #tpu.memory_space<semaphore_mem>>) src(%dma_wait3A_107 : memref<512x64xf32, #tpu.memory_space<hbm>>) dst(%dma_wait3A_104 : memref<512x64xf32, #tpu.memory_space<vmem>>)
    %barrier3A_108 = arith.constant 0 : index
    tpu.barrier barrier_id(%barrier3A_108)
    %mul3A_109 = arith.constant 632 : i32
    %mul3A_110 = arith.muli %arg1, %mul3A_109 : i32
    %mul3A_111 = arith.constant 632 : i32
    %mul3A_112 = arith.muli %arg1, %mul3A_111 : i32
    "tpu.region"() ({
      %run_scoped3A = tpu.sem_alloc : memref<!tpu.dma_semaphore, #tpu.memory_space<semaphore_mem>>
      %dma_start3A_113 = arith.constant 0 : i32
      %dma_start3A_114 = tpu.memref_slice %arg5[%arg0, %mul3A_112, %dma_start3A_113] : memref<2x10112x128xf32, #tpu.memory_space<hbm>> -> memref<1x632x64xf32, #tpu.memory_space<hbm>>
      %dma_start3A_115 = tpu.memref_squeeze %dma_start3A_114 : memref<1x632x64xf32, #tpu.memory_space<hbm>> -> memref<632x64xf32, #tpu.memory_space<hbm>>
      %dma_start3A_116 = arith.constant 0 : i32
      %dma_start3A_117 = tpu.memref_slice %arg9[%mul3A_110, %dma_start3A_116] : memref<10112x64xf32, #tpu.memory_space<vmem_shared>> -> memref<632x64xf32, #tpu.memory_space<vmem_shared>>
      tpu.enqueue_dma source(%dma_start3A_117 : memref<632x64xf32, #tpu.memory_space<vmem_shared>>) target(%dma_start3A_115 : memref<632x64xf32, #tpu.memory_space<hbm>>) target_semaphore(%run_scoped3A : memref<!tpu.dma_semaphore, #tpu.memory_space<semaphore_mem>>)
      %dma_wait3A_118 = arith.constant 0 : i32
      %dma_wait3A_119 = tpu.memref_slice %arg5[%arg0, %mul3A_112, %dma_wait3A_118] : memref<2x10112x128xf32, #tpu.memory_space<hbm>> -> memref<1x632x64xf32, #tpu.memory_space<hbm>>
      %dma_wait3A_120 = tpu.memref_squeeze %dma_wait3A_119 : memref<1x632x64xf32, #tpu.memory_space<hbm>> -> memref<632x64xf32, #tpu.memory_space<hbm>>
      %dma_wait3A_121 = arith.constant 0 : i32
      %dma_wait3A_122 = tpu.memref_slice %arg9[%mul3A_110, %dma_wait3A_121] : memref<10112x64xf32, #tpu.memory_space<vmem_shared>> -> memref<632x64xf32, #tpu.memory_space<vmem_shared>>
      tpu.wait_dma2 semaphore(%run_scoped3A : memref<!tpu.dma_semaphore, #tpu.memory_space<semaphore_mem>>) src(%dma_wait3A_122 : memref<632x64xf32, #tpu.memory_space<vmem_shared>>) dst(%dma_wait3A_120 : memref<632x64xf32, #tpu.memory_space<hbm>>)
      tpu.yield
    }) : () -> ()
    return
  }
}

#map = affine_map<(d0, d1) -> (0, 0)>
#map1 = affine_map<(d0, d1) -> (0, 0, 0, 0)>
#map2 = affine_map<(d0, d1) -> (0, 0, 0)>
module attributes {stable_mosaic.version = 14 : i64} {
  func.func @_sc_body(%arg0: i32, %arg1: i32, %arg2: memref<20000x64xf32, #tpu.memory_space<hbm>>, %arg3: memref<2x32x80x128xi32, #tpu.memory_space<hbm>>, %arg4: memref<632x64xf32, #tpu.memory_space<hbm>>, %arg5: memref<2x10112x128xf32, #tpu.memory_space<hbm>>, %arg6: memref<80x128xi32, #tpu.memory_space<vmem>>, %arg7: memref<80x128xi32, #tpu.memory_space<vmem>>, %arg8: memref<2x512x64xf32, #tpu.memory_space<vmem>>, %arg9: memref<10112x64xf32, #tpu.memory_space<vmem_shared>>, %arg10: memref<!tpu.dma_semaphore, #tpu.memory_space<semaphore_mem>>, %arg11: memref<!tpu.dma_semaphore, #tpu.memory_space<semaphore_mem>>) attributes {dimension_semantics = [#tpu.dimension_semantics<core_parallel>, #tpu.dimension_semantics<subcore_parallel>], iteration_bounds = array<i64: 2, 16>, scalar_prefetch = 0 : i64, scratch_operands = 6 : i64, tpu.core_type = #tpu.core_type<sc_vector_subcore>, window_params = [{transform_indices = #map}, {transform_indices = #map1}, {transform_indices = #map}, {transform_indices = #map2}]} {
    %mul3A = arith.constant 2 : i32
    %mul3A_0 = arith.muli %arg1, %mul3A : i32
    %add3A = arith.addi %mul3A_0, %arg0 : i32
    %dma_start3A = arith.constant 0 : i32
    %dma_start3A_1 = arith.constant 0 : i32
    %dma_start3A_2 = arith.constant 0 : i32
    %dma_start3A_3 = tpu.memref_slice %arg3[%dma_start3A, %add3A, %dma_start3A_1, %dma_start3A_2] : memref<2x32x80x128xi32, #tpu.memory_space<hbm>> -> memref<1x1x80x128xi32, #tpu.memory_space<hbm>>
    %dma_start3A_4 = tpu.memref_squeeze %dma_start3A_3 : memref<1x1x80x128xi32, #tpu.memory_space<hbm>> -> memref<80x128xi32, #tpu.memory_space<hbm>>
    %dma_start3A_5 = arith.constant 0 : i32
    %dma_start3A_6 = arith.constant 0 : i32
    %dma_start3A_7 = tpu.memref_slice %arg3[%dma_start3A, %add3A, %dma_start3A_5, %dma_start3A_6] : memref<2x32x80x128xi32, #tpu.memory_space<hbm>> -> memref<1x1x80x128xi32, #tpu.memory_space<hbm>>
    %dma_start3A_8 = tpu.memref_squeeze %dma_start3A_7 : memref<1x1x80x128xi32, #tpu.memory_space<hbm>> -> memref<80x128xi32, #tpu.memory_space<hbm>>
    tpu.enqueue_dma source(%dma_start3A_8 : memref<80x128xi32, #tpu.memory_space<hbm>>) target(%arg6 : memref<80x128xi32, #tpu.memory_space<vmem>>) target_semaphore(%arg10 : memref<!tpu.dma_semaphore, #tpu.memory_space<semaphore_mem>>)
    %dma_start3A_9 = arith.constant 1 : i32
    %dma_start3A_10 = arith.constant 0 : i32
    %dma_start3A_11 = arith.constant 0 : i32
    %dma_start3A_12 = tpu.memref_slice %arg3[%dma_start3A_9, %add3A, %dma_start3A_10, %dma_start3A_11] : memref<2x32x80x128xi32, #tpu.memory_space<hbm>> -> memref<1x1x80x128xi32, #tpu.memory_space<hbm>>
    %dma_start3A_13 = tpu.memref_squeeze %dma_start3A_12 : memref<1x1x80x128xi32, #tpu.memory_space<hbm>> -> memref<80x128xi32, #tpu.memory_space<hbm>>
    %dma_start3A_14 = arith.constant 0 : i32
    %dma_start3A_15 = arith.constant 0 : i32
    %dma_start3A_16 = tpu.memref_slice %arg3[%dma_start3A_9, %add3A, %dma_start3A_14, %dma_start3A_15] : memref<2x32x80x128xi32, #tpu.memory_space<hbm>> -> memref<1x1x80x128xi32, #tpu.memory_space<hbm>>
    %dma_start3A_17 = tpu.memref_squeeze %dma_start3A_16 : memref<1x1x80x128xi32, #tpu.memory_space<hbm>> -> memref<80x128xi32, #tpu.memory_space<hbm>>
    tpu.enqueue_dma source(%dma_start3A_17 : memref<80x128xi32, #tpu.memory_space<hbm>>) target(%arg7 : memref<80x128xi32, #tpu.memory_space<vmem>>) target_semaphore(%arg10 : memref<!tpu.dma_semaphore, #tpu.memory_space<semaphore_mem>>)
    %mul3A_18 = arith.constant 632 : i32
    %mul3A_19 = arith.muli %arg1, %mul3A_18 : i32
    %dma_start3A_20 = arith.constant 0 : i32
    %dma_start3A_21 = tpu.memref_slice %arg9[%mul3A_19, %dma_start3A_20] : memref<10112x64xf32, #tpu.memory_space<vmem_shared>> -> memref<632x64xf32, #tpu.memory_space<vmem_shared>>
    tpu.enqueue_dma source(%arg4 : memref<632x64xf32, #tpu.memory_space<hbm>>) target(%dma_start3A_21 : memref<632x64xf32, #tpu.memory_space<vmem_shared>>) target_semaphore(%arg11 : memref<!tpu.dma_semaphore, #tpu.memory_space<semaphore_mem>>)
    %dma_wait3A = arith.constant 0 : i32
    %dma_wait3A_22 = arith.constant 0 : i32
    %dma_wait3A_23 = arith.constant 0 : i32
    %dma_wait3A_24 = tpu.memref_slice %arg3[%dma_wait3A, %add3A, %dma_wait3A_22, %dma_wait3A_23] : memref<2x32x80x128xi32, #tpu.memory_space<hbm>> -> memref<1x1x80x128xi32, #tpu.memory_space<hbm>>
    %dma_wait3A_25 = tpu.memref_squeeze %dma_wait3A_24 : memref<1x1x80x128xi32, #tpu.memory_space<hbm>> -> memref<80x128xi32, #tpu.memory_space<hbm>>
    %dma_wait3A_26 = arith.constant 0 : i32
    %dma_wait3A_27 = arith.constant 0 : i32
    %dma_wait3A_28 = tpu.memref_slice %arg3[%dma_wait3A, %add3A, %dma_wait3A_26, %dma_wait3A_27] : memref<2x32x80x128xi32, #tpu.memory_space<hbm>> -> memref<1x1x80x128xi32, #tpu.memory_space<hbm>>
    %dma_wait3A_29 = tpu.memref_squeeze %dma_wait3A_28 : memref<1x1x80x128xi32, #tpu.memory_space<hbm>> -> memref<80x128xi32, #tpu.memory_space<hbm>>
    tpu.wait_dma2 semaphore(%arg10 : memref<!tpu.dma_semaphore, #tpu.memory_space<semaphore_mem>>) src(%dma_wait3A_29 : memref<80x128xi32, #tpu.memory_space<hbm>>) dst(%arg6 : memref<80x128xi32, #tpu.memory_space<vmem>>)
    %dma_wait3A_30 = arith.constant 1 : i32
    %dma_wait3A_31 = arith.constant 0 : i32
    %dma_wait3A_32 = arith.constant 0 : i32
    %dma_wait3A_33 = tpu.memref_slice %arg3[%dma_wait3A_30, %add3A, %dma_wait3A_31, %dma_wait3A_32] : memref<2x32x80x128xi32, #tpu.memory_space<hbm>> -> memref<1x1x80x128xi32, #tpu.memory_space<hbm>>
    %dma_wait3A_34 = tpu.memref_squeeze %dma_wait3A_33 : memref<1x1x80x128xi32, #tpu.memory_space<hbm>> -> memref<80x128xi32, #tpu.memory_space<hbm>>
    %dma_wait3A_35 = arith.constant 0 : i32
    %dma_wait3A_36 = arith.constant 0 : i32
    %dma_wait3A_37 = tpu.memref_slice %arg3[%dma_wait3A_30, %add3A, %dma_wait3A_35, %dma_wait3A_36] : memref<2x32x80x128xi32, #tpu.memory_space<hbm>> -> memref<1x1x80x128xi32, #tpu.memory_space<hbm>>
    %dma_wait3A_38 = tpu.memref_squeeze %dma_wait3A_37 : memref<1x1x80x128xi32, #tpu.memory_space<hbm>> -> memref<80x128xi32, #tpu.memory_space<hbm>>
    tpu.wait_dma2 semaphore(%arg10 : memref<!tpu.dma_semaphore, #tpu.memory_space<semaphore_mem>>) src(%dma_wait3A_38 : memref<80x128xi32, #tpu.memory_space<hbm>>) dst(%arg7 : memref<80x128xi32, #tpu.memory_space<vmem>>)
    %dma_start3A_39 = arith.constant 0 : i32
    %dma_start3A_40 = arith.constant 0 : i32
    %dma_start3A_41 = arith.constant 0 : i32
    %dma_start3A_42 = arith.constant 0 : i32
    %dma_start3A_43 = tpu.memref_slice %arg8[%dma_start3A_40, %dma_start3A_41, %dma_start3A_42] : memref<2x512x64xf32, #tpu.memory_space<vmem>> -> memref<1x128x64xf32, #tpu.memory_space<vmem>>
    %dma_start3A_44 = tpu.memref_squeeze %dma_start3A_43 : memref<1x128x64xf32, #tpu.memory_space<vmem>> -> memref<128x64xf32, #tpu.memory_space<vmem>>
    %dma_start3A_45 = arith.constant 0 : i32
    %dma_start3A_46 = tpu.memref_slice %arg6[%dma_start3A_39, %dma_start3A_45] : memref<80x128xi32, #tpu.memory_space<vmem>> -> memref<1x128xi32, #tpu.memory_space<vmem>>
    %dma_start3A_47 = tpu.memref_squeeze %dma_start3A_46 : memref<1x128xi32, #tpu.memory_space<vmem>> -> memref<128xi32, #tpu.memory_space<vmem>>
    %dma_start3A_48 = arith.constant 0 : i32
    %dma_start3A_49 = arith.constant 0 : i32
    %dma_start3A_50 = tpu.memref_slice %arg2[%dma_start3A_48, %dma_start3A_49] : memref<20000x64xf32, #tpu.memory_space<hbm>> -> memref<20000x64xf32, #tpu.memory_space<hbm>>
    tpu.enqueue_indirect_dma source(%dma_start3A_50 : memref<20000x64xf32, #tpu.memory_space<hbm>>) target(%dma_start3A_44 : memref<128x64xf32, #tpu.memory_space<vmem>>) offsets(%dma_start3A_47 : memref<128xi32, #tpu.memory_space<vmem>>) semaphore(%arg10 : memref<!tpu.dma_semaphore, #tpu.memory_space<semaphore_mem>>)
    %dma_start3A_51 = arith.constant 1 : i32
    %dma_start3A_52 = arith.constant 0 : i32
    %dma_start3A_53 = arith.constant 128 : i32
    %dma_start3A_54 = arith.constant 0 : i32
    %dma_start3A_55 = tpu.memref_slice %arg8[%dma_start3A_52, %dma_start3A_53, %dma_start3A_54] : memref<2x512x64xf32, #tpu.memory_space<vmem>> -> memref<1x128x64xf32, #tpu.memory_space<vmem>>
    %dma_start3A_56 = tpu.memref_squeeze %dma_start3A_55 : memref<1x128x64xf32, #tpu.memory_space<vmem>> -> memref<128x64xf32, #tpu.memory_space<vmem>>
    %dma_start3A_57 = arith.constant 0 : i32
    %dma_start3A_58 = tpu.memref_slice %arg6[%dma_start3A_51, %dma_start3A_57] : memref<80x128xi32, #tpu.memory_space<vmem>> -> memref<1x128xi32, #tpu.memory_space<vmem>>
    %dma_start3A_59 = tpu.memref_squeeze %dma_start3A_58 : memref<1x128xi32, #tpu.memory_space<vmem>> -> memref<128xi32, #tpu.memory_space<vmem>>
    %dma_start3A_60 = arith.constant 0 : i32
    %dma_start3A_61 = arith.constant 0 : i32
    %dma_start3A_62 = tpu.memref_slice %arg2[%dma_start3A_60, %dma_start3A_61] : memref<20000x64xf32, #tpu.memory_space<hbm>> -> memref<20000x64xf32, #tpu.memory_space<hbm>>
    tpu.enqueue_indirect_dma source(%dma_start3A_62 : memref<20000x64xf32, #tpu.memory_space<hbm>>) target(%dma_start3A_56 : memref<128x64xf32, #tpu.memory_space<vmem>>) offsets(%dma_start3A_59 : memref<128xi32, #tpu.memory_space<vmem>>) semaphore(%arg10 : memref<!tpu.dma_semaphore, #tpu.memory_space<semaphore_mem>>)
    %dma_start3A_63 = arith.constant 2 : i32
    %dma_start3A_64 = arith.constant 0 : i32
    %dma_start3A_65 = arith.constant 256 : i32
    %dma_start3A_66 = arith.constant 0 : i32
    %dma_start3A_67 = tpu.memref_slice %arg8[%dma_start3A_64, %dma_start3A_65, %dma_start3A_66] : memref<2x512x64xf32, #tpu.memory_space<vmem>> -> memref<1x128x64xf32, #tpu.memory_space<vmem>>
    %dma_start3A_68 = tpu.memref_squeeze %dma_start3A_67 : memref<1x128x64xf32, #tpu.memory_space<vmem>> -> memref<128x64xf32, #tpu.memory_space<vmem>>
    %dma_start3A_69 = arith.constant 0 : i32
    %dma_start3A_70 = tpu.memref_slice %arg6[%dma_start3A_63, %dma_start3A_69] : memref<80x128xi32, #tpu.memory_space<vmem>> -> memref<1x128xi32, #tpu.memory_space<vmem>>
    %dma_start3A_71 = tpu.memref_squeeze %dma_start3A_70 : memref<1x128xi32, #tpu.memory_space<vmem>> -> memref<128xi32, #tpu.memory_space<vmem>>
    %dma_start3A_72 = arith.constant 0 : i32
    %dma_start3A_73 = arith.constant 0 : i32
    %dma_start3A_74 = tpu.memref_slice %arg2[%dma_start3A_72, %dma_start3A_73] : memref<20000x64xf32, #tpu.memory_space<hbm>> -> memref<20000x64xf32, #tpu.memory_space<hbm>>
    tpu.enqueue_indirect_dma source(%dma_start3A_74 : memref<20000x64xf32, #tpu.memory_space<hbm>>) target(%dma_start3A_68 : memref<128x64xf32, #tpu.memory_space<vmem>>) offsets(%dma_start3A_71 : memref<128xi32, #tpu.memory_space<vmem>>) semaphore(%arg10 : memref<!tpu.dma_semaphore, #tpu.memory_space<semaphore_mem>>)
    %dma_start3A_75 = arith.constant 3 : i32
    %dma_start3A_76 = arith.constant 0 : i32
    %dma_start3A_77 = arith.constant 384 : i32
    %dma_start3A_78 = arith.constant 0 : i32
    %dma_start3A_79 = tpu.memref_slice %arg8[%dma_start3A_76, %dma_start3A_77, %dma_start3A_78] : memref<2x512x64xf32, #tpu.memory_space<vmem>> -> memref<1x128x64xf32, #tpu.memory_space<vmem>>
    %dma_start3A_80 = tpu.memref_squeeze %dma_start3A_79 : memref<1x128x64xf32, #tpu.memory_space<vmem>> -> memref<128x64xf32, #tpu.memory_space<vmem>>
    %dma_start3A_81 = arith.constant 0 : i32
    %dma_start3A_82 = tpu.memref_slice %arg6[%dma_start3A_75, %dma_start3A_81] : memref<80x128xi32, #tpu.memory_space<vmem>> -> memref<1x128xi32, #tpu.memory_space<vmem>>
    %dma_start3A_83 = tpu.memref_squeeze %dma_start3A_82 : memref<1x128xi32, #tpu.memory_space<vmem>> -> memref<128xi32, #tpu.memory_space<vmem>>
    %dma_start3A_84 = arith.constant 0 : i32
    %dma_start3A_85 = arith.constant 0 : i32
    %dma_start3A_86 = tpu.memref_slice %arg2[%dma_start3A_84, %dma_start3A_85] : memref<20000x64xf32, #tpu.memory_space<hbm>> -> memref<20000x64xf32, #tpu.memory_space<hbm>>
    tpu.enqueue_indirect_dma source(%dma_start3A_86 : memref<20000x64xf32, #tpu.memory_space<hbm>>) target(%dma_start3A_80 : memref<128x64xf32, #tpu.memory_space<vmem>>) offsets(%dma_start3A_83 : memref<128xi32, #tpu.memory_space<vmem>>) semaphore(%arg10 : memref<!tpu.dma_semaphore, #tpu.memory_space<semaphore_mem>>)
    %dma_wait3A_87 = arith.constant 0 : i32
    %dma_wait3A_88 = tpu.memref_slice %arg9[%mul3A_19, %dma_wait3A_87] : memref<10112x64xf32, #tpu.memory_space<vmem_shared>> -> memref<632x64xf32, #tpu.memory_space<vmem_shared>>
    tpu.wait_dma2 semaphore(%arg11 : memref<!tpu.dma_semaphore, #tpu.memory_space<semaphore_mem>>) src(%arg4 : memref<632x64xf32, #tpu.memory_space<hbm>>) dst(%dma_wait3A_88 : memref<632x64xf32, #tpu.memory_space<vmem_shared>>)
    %barrier3A = arith.constant 0 : index
    tpu.barrier barrier_id(%barrier3A)
    %scan3A = arith.constant 0 : i32
    %scan3A_89 = arith.constant 10 : i32
    %scan3A_90 = arith.addi %scan3A, %scan3A_89 : i32
    %scan3A_91 = arith.constant 1 : i32
    scf.for %scan3A_113 = %scan3A to %scan3A_90 step %scan3A_91  : i32 {
      %mul3A_114 = arith.constant 2 : i32
      %mul3A_115 = arith.muli %scan3A_113, %mul3A_114 : i32
      %add3A_116 = arith.constant 0 : i32
      %add3A_117 = arith.addi %add3A_116, %mul3A_115 : i32
      %add3A_118 = arith.constant 0 : i32
      %add3A_119 = arith.addi %add3A_117, %add3A_118 : i32
      %dma_wait3A_120 = arith.constant 0 : i32
      %dma_wait3A_121 = arith.constant 0 : i32
      %dma_wait3A_122 = arith.constant 0 : i32
      %dma_wait3A_123 = tpu.memref_slice %arg8[%dma_wait3A_120, %dma_wait3A_121, %dma_wait3A_122] : memref<2x512x64xf32, #tpu.memory_space<vmem>> -> memref<1x512x64xf32, #tpu.memory_space<vmem>>
      %dma_wait3A_124 = tpu.memref_squeeze %dma_wait3A_123 : memref<1x512x64xf32, #tpu.memory_space<vmem>> -> memref<512x64xf32, #tpu.memory_space<vmem>>
      %dma_wait3A_125 = arith.constant 0 : i32
      %dma_wait3A_126 = arith.constant 0 : i32
      %dma_wait3A_127 = tpu.memref_slice %arg2[%dma_wait3A_125, %dma_wait3A_126] : memref<20000x64xf32, #tpu.memory_space<hbm>> -> memref<512x64xf32, #tpu.memory_space<hbm>>
      %dma_wait3A_128 = arith.constant 0 : i32
      %dma_wait3A_129 = arith.constant 0 : i32
      %dma_wait3A_130 = tpu.memref_slice %arg8[%dma_wait3A_120, %dma_wait3A_128, %dma_wait3A_129] : memref<2x512x64xf32, #tpu.memory_space<vmem>> -> memref<1x512x64xf32, #tpu.memory_space<vmem>>
      %dma_wait3A_131 = tpu.memref_squeeze %dma_wait3A_130 : memref<1x512x64xf32, #tpu.memory_space<vmem>> -> memref<512x64xf32, #tpu.memory_space<vmem>>
      %dma_wait3A_132 = arith.constant 0 : i32
      %dma_wait3A_133 = arith.constant 0 : i32
      %dma_wait3A_134 = tpu.memref_slice %arg2[%dma_wait3A_132, %dma_wait3A_133] : memref<20000x64xf32, #tpu.memory_space<hbm>> -> memref<512x64xf32, #tpu.memory_space<hbm>>
      tpu.wait_dma2 semaphore(%arg10 : memref<!tpu.dma_semaphore, #tpu.memory_space<semaphore_mem>>) src(%dma_wait3A_134 : memref<512x64xf32, #tpu.memory_space<hbm>>) dst(%dma_wait3A_131 : memref<512x64xf32, #tpu.memory_space<vmem>>)
      %gt3A = arith.constant 0 : i32
      %gt3A_135 = arith.cmpi sgt, %add3A_119, %gt3A : i32
      %convert_element_type3A = arith.extui %gt3A_135 : i1 to i32
      %cond3A = arith.constant 0 : i32
      %cond3A_136 = arith.cmpi ne, %convert_element_type3A, %cond3A : i32
      scf.if %cond3A_136 {
        %dma_wait3A_292 = arith.constant 1 : i32
        %dma_wait3A_293 = arith.constant 0 : i32
        %dma_wait3A_294 = arith.constant 0 : i32
        %dma_wait3A_295 = tpu.memref_slice %arg8[%dma_wait3A_292, %dma_wait3A_293, %dma_wait3A_294] : memref<2x512x64xf32, #tpu.memory_space<vmem>> -> memref<1x512x64xf32, #tpu.memory_space<vmem>>
        %dma_wait3A_296 = tpu.memref_squeeze %dma_wait3A_295 : memref<1x512x64xf32, #tpu.memory_space<vmem>> -> memref<512x64xf32, #tpu.memory_space<vmem>>
        %dma_wait3A_297 = arith.constant 0 : i32
        %dma_wait3A_298 = arith.constant 0 : i32
        %dma_wait3A_299 = tpu.memref_slice %arg2[%dma_wait3A_297, %dma_wait3A_298] : memref<20000x64xf32, #tpu.memory_space<hbm>> -> memref<512x64xf32, #tpu.memory_space<hbm>>
        %dma_wait3A_300 = arith.constant 0 : i32
        %dma_wait3A_301 = arith.constant 0 : i32
        %dma_wait3A_302 = tpu.memref_slice %arg8[%dma_wait3A_292, %dma_wait3A_300, %dma_wait3A_301] : memref<2x512x64xf32, #tpu.memory_space<vmem>> -> memref<1x512x64xf32, #tpu.memory_space<vmem>>
        %dma_wait3A_303 = tpu.memref_squeeze %dma_wait3A_302 : memref<1x512x64xf32, #tpu.memory_space<vmem>> -> memref<512x64xf32, #tpu.memory_space<vmem>>
        %dma_wait3A_304 = arith.constant 0 : i32
        %dma_wait3A_305 = arith.constant 0 : i32
        %dma_wait3A_306 = tpu.memref_slice %arg2[%dma_wait3A_304, %dma_wait3A_305] : memref<20000x64xf32, #tpu.memory_space<hbm>> -> memref<512x64xf32, #tpu.memory_space<hbm>>
        tpu.wait_dma2 semaphore(%arg11 : memref<!tpu.dma_semaphore, #tpu.memory_space<semaphore_mem>>) src(%dma_wait3A_306 : memref<512x64xf32, #tpu.memory_space<hbm>>) dst(%dma_wait3A_303 : memref<512x64xf32, #tpu.memory_space<vmem>>)
      } else {
      }
      %add3A_137 = arith.constant 1 : i32
      %add3A_138 = arith.addi %add3A_119, %add3A_137 : i32
      %lt3A = arith.constant 20 : i32
      %lt3A_139 = arith.cmpi slt, %add3A_138, %lt3A : i32
      %convert_element_type3A_140 = arith.extui %lt3A_139 : i1 to i32
      %cond3A_141 = arith.constant 0 : i32
      %cond3A_142 = arith.cmpi ne, %convert_element_type3A_140, %cond3A_141 : i32
      scf.if %cond3A_142 {
        %add3A_292 = arith.constant 1 : i32
        %add3A_293 = arith.addi %add3A_119, %add3A_292 : i32
        %mul3A_294 = arith.constant 4 : i32
        %mul3A_295 = arith.muli %add3A_293, %mul3A_294 : i32
        %add3A_296 = arith.constant 0 : i32
        %add3A_297 = arith.addi %mul3A_295, %add3A_296 : i32
        %dma_start3A_298 = arith.constant 1 : i32
        %dma_start3A_299 = arith.constant 0 : i32
        %dma_start3A_300 = arith.constant 0 : i32
        %dma_start3A_301 = tpu.memref_slice %arg8[%dma_start3A_298, %dma_start3A_299, %dma_start3A_300] : memref<2x512x64xf32, #tpu.memory_space<vmem>> -> memref<1x128x64xf32, #tpu.memory_space<vmem>>
        %dma_start3A_302 = tpu.memref_squeeze %dma_start3A_301 : memref<1x128x64xf32, #tpu.memory_space<vmem>> -> memref<128x64xf32, #tpu.memory_space<vmem>>
        %dma_start3A_303 = arith.constant 0 : i32
        %dma_start3A_304 = tpu.memref_slice %arg6[%add3A_297, %dma_start3A_303] : memref<80x128xi32, #tpu.memory_space<vmem>> -> memref<1x128xi32, #tpu.memory_space<vmem>>
        %dma_start3A_305 = tpu.memref_squeeze %dma_start3A_304 : memref<1x128xi32, #tpu.memory_space<vmem>> -> memref<128xi32, #tpu.memory_space<vmem>>
        %dma_start3A_306 = arith.constant 0 : i32
        %dma_start3A_307 = arith.constant 0 : i32
        %dma_start3A_308 = tpu.memref_slice %arg2[%dma_start3A_306, %dma_start3A_307] : memref<20000x64xf32, #tpu.memory_space<hbm>> -> memref<20000x64xf32, #tpu.memory_space<hbm>>
        tpu.enqueue_indirect_dma source(%dma_start3A_308 : memref<20000x64xf32, #tpu.memory_space<hbm>>) target(%dma_start3A_302 : memref<128x64xf32, #tpu.memory_space<vmem>>) offsets(%dma_start3A_305 : memref<128xi32, #tpu.memory_space<vmem>>) semaphore(%arg10 : memref<!tpu.dma_semaphore, #tpu.memory_space<semaphore_mem>>)
        %mul3A_309 = arith.constant 4 : i32
        %mul3A_310 = arith.muli %add3A_293, %mul3A_309 : i32
        %add3A_311 = arith.constant 1 : i32
        %add3A_312 = arith.addi %mul3A_310, %add3A_311 : i32
        %dma_start3A_313 = arith.constant 1 : i32
        %dma_start3A_314 = arith.constant 128 : i32
        %dma_start3A_315 = arith.constant 0 : i32
        %dma_start3A_316 = tpu.memref_slice %arg8[%dma_start3A_313, %dma_start3A_314, %dma_start3A_315] : memref<2x512x64xf32, #tpu.memory_space<vmem>> -> memref<1x128x64xf32, #tpu.memory_space<vmem>>
        %dma_start3A_317 = tpu.memref_squeeze %dma_start3A_316 : memref<1x128x64xf32, #tpu.memory_space<vmem>> -> memref<128x64xf32, #tpu.memory_space<vmem>>
        %dma_start3A_318 = arith.constant 0 : i32
        %dma_start3A_319 = tpu.memref_slice %arg6[%add3A_312, %dma_start3A_318] : memref<80x128xi32, #tpu.memory_space<vmem>> -> memref<1x128xi32, #tpu.memory_space<vmem>>
        %dma_start3A_320 = tpu.memref_squeeze %dma_start3A_319 : memref<1x128xi32, #tpu.memory_space<vmem>> -> memref<128xi32, #tpu.memory_space<vmem>>
        %dma_start3A_321 = arith.constant 0 : i32
        %dma_start3A_322 = arith.constant 0 : i32
        %dma_start3A_323 = tpu.memref_slice %arg2[%dma_start3A_321, %dma_start3A_322] : memref<20000x64xf32, #tpu.memory_space<hbm>> -> memref<20000x64xf32, #tpu.memory_space<hbm>>
        tpu.enqueue_indirect_dma source(%dma_start3A_323 : memref<20000x64xf32, #tpu.memory_space<hbm>>) target(%dma_start3A_317 : memref<128x64xf32, #tpu.memory_space<vmem>>) offsets(%dma_start3A_320 : memref<128xi32, #tpu.memory_space<vmem>>) semaphore(%arg10 : memref<!tpu.dma_semaphore, #tpu.memory_space<semaphore_mem>>)
        %mul3A_324 = arith.constant 4 : i32
        %mul3A_325 = arith.muli %add3A_293, %mul3A_324 : i32
        %add3A_326 = arith.constant 2 : i32
        %add3A_327 = arith.addi %mul3A_325, %add3A_326 : i32
        %dma_start3A_328 = arith.constant 1 : i32
        %dma_start3A_329 = arith.constant 256 : i32
        %dma_start3A_330 = arith.constant 0 : i32
        %dma_start3A_331 = tpu.memref_slice %arg8[%dma_start3A_328, %dma_start3A_329, %dma_start3A_330] : memref<2x512x64xf32, #tpu.memory_space<vmem>> -> memref<1x128x64xf32, #tpu.memory_space<vmem>>
        %dma_start3A_332 = tpu.memref_squeeze %dma_start3A_331 : memref<1x128x64xf32, #tpu.memory_space<vmem>> -> memref<128x64xf32, #tpu.memory_space<vmem>>
        %dma_start3A_333 = arith.constant 0 : i32
        %dma_start3A_334 = tpu.memref_slice %arg6[%add3A_327, %dma_start3A_333] : memref<80x128xi32, #tpu.memory_space<vmem>> -> memref<1x128xi32, #tpu.memory_space<vmem>>
        %dma_start3A_335 = tpu.memref_squeeze %dma_start3A_334 : memref<1x128xi32, #tpu.memory_space<vmem>> -> memref<128xi32, #tpu.memory_space<vmem>>
        %dma_start3A_336 = arith.constant 0 : i32
        %dma_start3A_337 = arith.constant 0 : i32
        %dma_start3A_338 = tpu.memref_slice %arg2[%dma_start3A_336, %dma_start3A_337] : memref<20000x64xf32, #tpu.memory_space<hbm>> -> memref<20000x64xf32, #tpu.memory_space<hbm>>
        tpu.enqueue_indirect_dma source(%dma_start3A_338 : memref<20000x64xf32, #tpu.memory_space<hbm>>) target(%dma_start3A_332 : memref<128x64xf32, #tpu.memory_space<vmem>>) offsets(%dma_start3A_335 : memref<128xi32, #tpu.memory_space<vmem>>) semaphore(%arg10 : memref<!tpu.dma_semaphore, #tpu.memory_space<semaphore_mem>>)
        %mul3A_339 = arith.constant 4 : i32
        %mul3A_340 = arith.muli %add3A_293, %mul3A_339 : i32
        %add3A_341 = arith.constant 3 : i32
        %add3A_342 = arith.addi %mul3A_340, %add3A_341 : i32
        %dma_start3A_343 = arith.constant 1 : i32
        %dma_start3A_344 = arith.constant 384 : i32
        %dma_start3A_345 = arith.constant 0 : i32
        %dma_start3A_346 = tpu.memref_slice %arg8[%dma_start3A_343, %dma_start3A_344, %dma_start3A_345] : memref<2x512x64xf32, #tpu.memory_space<vmem>> -> memref<1x128x64xf32, #tpu.memory_space<vmem>>
        %dma_start3A_347 = tpu.memref_squeeze %dma_start3A_346 : memref<1x128x64xf32, #tpu.memory_space<vmem>> -> memref<128x64xf32, #tpu.memory_space<vmem>>
        %dma_start3A_348 = arith.constant 0 : i32
        %dma_start3A_349 = tpu.memref_slice %arg6[%add3A_342, %dma_start3A_348] : memref<80x128xi32, #tpu.memory_space<vmem>> -> memref<1x128xi32, #tpu.memory_space<vmem>>
        %dma_start3A_350 = tpu.memref_squeeze %dma_start3A_349 : memref<1x128xi32, #tpu.memory_space<vmem>> -> memref<128xi32, #tpu.memory_space<vmem>>
        %dma_start3A_351 = arith.constant 0 : i32
        %dma_start3A_352 = arith.constant 0 : i32
        %dma_start3A_353 = tpu.memref_slice %arg2[%dma_start3A_351, %dma_start3A_352] : memref<20000x64xf32, #tpu.memory_space<hbm>> -> memref<20000x64xf32, #tpu.memory_space<hbm>>
        tpu.enqueue_indirect_dma source(%dma_start3A_353 : memref<20000x64xf32, #tpu.memory_space<hbm>>) target(%dma_start3A_347 : memref<128x64xf32, #tpu.memory_space<vmem>>) offsets(%dma_start3A_350 : memref<128xi32, #tpu.memory_space<vmem>>) semaphore(%arg10 : memref<!tpu.dma_semaphore, #tpu.memory_space<semaphore_mem>>)
      } else {
      }
      %mul3A_143 = arith.constant 4 : i32
      %mul3A_144 = arith.muli %add3A_119, %mul3A_143 : i32
      %add3A_145 = arith.constant 0 : i32
      %add3A_146 = arith.addi %mul3A_144, %add3A_145 : i32
      %dma_start3A_147 = arith.constant 0 : i32
      %dma_start3A_148 = arith.constant 0 : i32
      %dma_start3A_149 = arith.constant 0 : i32
      %dma_start3A_150 = tpu.memref_slice %arg8[%dma_start3A_147, %dma_start3A_148, %dma_start3A_149] : memref<2x512x64xf32, #tpu.memory_space<vmem>> -> memref<1x128x64xf32, #tpu.memory_space<vmem>>
      %dma_start3A_151 = tpu.memref_squeeze %dma_start3A_150 : memref<1x128x64xf32, #tpu.memory_space<vmem>> -> memref<128x64xf32, #tpu.memory_space<vmem>>
      %dma_start3A_152 = arith.constant 0 : i32
      %dma_start3A_153 = tpu.memref_slice %arg7[%add3A_146, %dma_start3A_152] : memref<80x128xi32, #tpu.memory_space<vmem>> -> memref<1x128xi32, #tpu.memory_space<vmem>>
      %dma_start3A_154 = tpu.memref_squeeze %dma_start3A_153 : memref<1x128xi32, #tpu.memory_space<vmem>> -> memref<128xi32, #tpu.memory_space<vmem>>
      %dma_start3A_155 = arith.constant 0 : i32
      %dma_start3A_156 = arith.constant 0 : i32
      %dma_start3A_157 = tpu.memref_slice %arg9[%dma_start3A_155, %dma_start3A_156] : memref<10112x64xf32, #tpu.memory_space<vmem_shared>> -> memref<10112x64xf32, #tpu.memory_space<vmem_shared>>
      tpu.enqueue_indirect_dma source(%dma_start3A_151 : memref<128x64xf32, #tpu.memory_space<vmem>>) target(%dma_start3A_157 : memref<10112x64xf32, #tpu.memory_space<vmem_shared>>) offsets(%dma_start3A_154 : memref<128xi32, #tpu.memory_space<vmem>>) semaphore(%arg11 : memref<!tpu.dma_semaphore, #tpu.memory_space<semaphore_mem>>) {add = true}
      %mul3A_158 = arith.constant 4 : i32
      %mul3A_159 = arith.muli %add3A_119, %mul3A_158 : i32
      %add3A_160 = arith.constant 1 : i32
      %add3A_161 = arith.addi %mul3A_159, %add3A_160 : i32
      %dma_start3A_162 = arith.constant 0 : i32
      %dma_start3A_163 = arith.constant 128 : i32
      %dma_start3A_164 = arith.constant 0 : i32
      %dma_start3A_165 = tpu.memref_slice %arg8[%dma_start3A_162, %dma_start3A_163, %dma_start3A_164] : memref<2x512x64xf32, #tpu.memory_space<vmem>> -> memref<1x128x64xf32, #tpu.memory_space<vmem>>
      %dma_start3A_166 = tpu.memref_squeeze %dma_start3A_165 : memref<1x128x64xf32, #tpu.memory_space<vmem>> -> memref<128x64xf32, #tpu.memory_space<vmem>>
      %dma_start3A_167 = arith.constant 0 : i32
      %dma_start3A_168 = tpu.memref_slice %arg7[%add3A_161, %dma_start3A_167] : memref<80x128xi32, #tpu.memory_space<vmem>> -> memref<1x128xi32, #tpu.memory_space<vmem>>
      %dma_start3A_169 = tpu.memref_squeeze %dma_start3A_168 : memref<1x128xi32, #tpu.memory_space<vmem>> -> memref<128xi32, #tpu.memory_space<vmem>>
      %dma_start3A_170 = arith.constant 0 : i32
      %dma_start3A_171 = arith.constant 0 : i32
      %dma_start3A_172 = tpu.memref_slice %arg9[%dma_start3A_170, %dma_start3A_171] : memref<10112x64xf32, #tpu.memory_space<vmem_shared>> -> memref<10112x64xf32, #tpu.memory_space<vmem_shared>>
      tpu.enqueue_indirect_dma source(%dma_start3A_166 : memref<128x64xf32, #tpu.memory_space<vmem>>) target(%dma_start3A_172 : memref<10112x64xf32, #tpu.memory_space<vmem_shared>>) offsets(%dma_start3A_169 : memref<128xi32, #tpu.memory_space<vmem>>) semaphore(%arg11 : memref<!tpu.dma_semaphore, #tpu.memory_space<semaphore_mem>>) {add = true}
      %mul3A_173 = arith.constant 4 : i32
      %mul3A_174 = arith.muli %add3A_119, %mul3A_173 : i32
      %add3A_175 = arith.constant 2 : i32
      %add3A_176 = arith.addi %mul3A_174, %add3A_175 : i32
      %dma_start3A_177 = arith.constant 0 : i32
      %dma_start3A_178 = arith.constant 256 : i32
      %dma_start3A_179 = arith.constant 0 : i32
      %dma_start3A_180 = tpu.memref_slice %arg8[%dma_start3A_177, %dma_start3A_178, %dma_start3A_179] : memref<2x512x64xf32, #tpu.memory_space<vmem>> -> memref<1x128x64xf32, #tpu.memory_space<vmem>>
      %dma_start3A_181 = tpu.memref_squeeze %dma_start3A_180 : memref<1x128x64xf32, #tpu.memory_space<vmem>> -> memref<128x64xf32, #tpu.memory_space<vmem>>
      %dma_start3A_182 = arith.constant 0 : i32
      %dma_start3A_183 = tpu.memref_slice %arg7[%add3A_176, %dma_start3A_182] : memref<80x128xi32, #tpu.memory_space<vmem>> -> memref<1x128xi32, #tpu.memory_space<vmem>>
      %dma_start3A_184 = tpu.memref_squeeze %dma_start3A_183 : memref<1x128xi32, #tpu.memory_space<vmem>> -> memref<128xi32, #tpu.memory_space<vmem>>
      %dma_start3A_185 = arith.constant 0 : i32
      %dma_start3A_186 = arith.constant 0 : i32
      %dma_start3A_187 = tpu.memref_slice %arg9[%dma_start3A_185, %dma_start3A_186] : memref<10112x64xf32, #tpu.memory_space<vmem_shared>> -> memref<10112x64xf32, #tpu.memory_space<vmem_shared>>
      tpu.enqueue_indirect_dma source(%dma_start3A_181 : memref<128x64xf32, #tpu.memory_space<vmem>>) target(%dma_start3A_187 : memref<10112x64xf32, #tpu.memory_space<vmem_shared>>) offsets(%dma_start3A_184 : memref<128xi32, #tpu.memory_space<vmem>>) semaphore(%arg11 : memref<!tpu.dma_semaphore, #tpu.memory_space<semaphore_mem>>) {add = true}
      %mul3A_188 = arith.constant 4 : i32
      %mul3A_189 = arith.muli %add3A_119, %mul3A_188 : i32
      %add3A_190 = arith.constant 3 : i32
      %add3A_191 = arith.addi %mul3A_189, %add3A_190 : i32
      %dma_start3A_192 = arith.constant 0 : i32
      %dma_start3A_193 = arith.constant 384 : i32
      %dma_start3A_194 = arith.constant 0 : i32
      %dma_start3A_195 = tpu.memref_slice %arg8[%dma_start3A_192, %dma_start3A_193, %dma_start3A_194] : memref<2x512x64xf32, #tpu.memory_space<vmem>> -> memref<1x128x64xf32, #tpu.memory_space<vmem>>
      %dma_start3A_196 = tpu.memref_squeeze %dma_start3A_195 : memref<1x128x64xf32, #tpu.memory_space<vmem>> -> memref<128x64xf32, #tpu.memory_space<vmem>>
      %dma_start3A_197 = arith.constant 0 : i32
      %dma_start3A_198 = tpu.memref_slice %arg7[%add3A_191, %dma_start3A_197] : memref<80x128xi32, #tpu.memory_space<vmem>> -> memref<1x128xi32, #tpu.memory_space<vmem>>
      %dma_start3A_199 = tpu.memref_squeeze %dma_start3A_198 : memref<1x128xi32, #tpu.memory_space<vmem>> -> memref<128xi32, #tpu.memory_space<vmem>>
      %dma_start3A_200 = arith.constant 0 : i32
      %dma_start3A_201 = arith.constant 0 : i32
      %dma_start3A_202 = tpu.memref_slice %arg9[%dma_start3A_200, %dma_start3A_201] : memref<10112x64xf32, #tpu.memory_space<vmem_shared>> -> memref<10112x64xf32, #tpu.memory_space<vmem_shared>>
      tpu.enqueue_indirect_dma source(%dma_start3A_196 : memref<128x64xf32, #tpu.memory_space<vmem>>) target(%dma_start3A_202 : memref<10112x64xf32, #tpu.memory_space<vmem_shared>>) offsets(%dma_start3A_199 : memref<128xi32, #tpu.memory_space<vmem>>) semaphore(%arg11 : memref<!tpu.dma_semaphore, #tpu.memory_space<semaphore_mem>>) {add = true}
      %add3A_203 = arith.constant 1 : i32
      %add3A_204 = arith.addi %add3A_117, %add3A_203 : i32
      %dma_wait3A_205 = arith.constant 1 : i32
      %dma_wait3A_206 = arith.constant 0 : i32
      %dma_wait3A_207 = arith.constant 0 : i32
      %dma_wait3A_208 = tpu.memref_slice %arg8[%dma_wait3A_205, %dma_wait3A_206, %dma_wait3A_207] : memref<2x512x64xf32, #tpu.memory_space<vmem>> -> memref<1x512x64xf32, #tpu.memory_space<vmem>>
      %dma_wait3A_209 = tpu.memref_squeeze %dma_wait3A_208 : memref<1x512x64xf32, #tpu.memory_space<vmem>> -> memref<512x64xf32, #tpu.memory_space<vmem>>
      %dma_wait3A_210 = arith.constant 0 : i32
      %dma_wait3A_211 = arith.constant 0 : i32
      %dma_wait3A_212 = tpu.memref_slice %arg2[%dma_wait3A_210, %dma_wait3A_211] : memref<20000x64xf32, #tpu.memory_space<hbm>> -> memref<512x64xf32, #tpu.memory_space<hbm>>
      %dma_wait3A_213 = arith.constant 0 : i32
      %dma_wait3A_214 = arith.constant 0 : i32
      %dma_wait3A_215 = tpu.memref_slice %arg8[%dma_wait3A_205, %dma_wait3A_213, %dma_wait3A_214] : memref<2x512x64xf32, #tpu.memory_space<vmem>> -> memref<1x512x64xf32, #tpu.memory_space<vmem>>
      %dma_wait3A_216 = tpu.memref_squeeze %dma_wait3A_215 : memref<1x512x64xf32, #tpu.memory_space<vmem>> -> memref<512x64xf32, #tpu.memory_space<vmem>>
      %dma_wait3A_217 = arith.constant 0 : i32
      %dma_wait3A_218 = arith.constant 0 : i32
      %dma_wait3A_219 = tpu.memref_slice %arg2[%dma_wait3A_217, %dma_wait3A_218] : memref<20000x64xf32, #tpu.memory_space<hbm>> -> memref<512x64xf32, #tpu.memory_space<hbm>>
      tpu.wait_dma2 semaphore(%arg10 : memref<!tpu.dma_semaphore, #tpu.memory_space<semaphore_mem>>) src(%dma_wait3A_219 : memref<512x64xf32, #tpu.memory_space<hbm>>) dst(%dma_wait3A_216 : memref<512x64xf32, #tpu.memory_space<vmem>>)
      %gt3A_220 = arith.constant 0 : i32
      %gt3A_221 = arith.cmpi sgt, %add3A_204, %gt3A_220 : i32
      %convert_element_type3A_222 = arith.extui %gt3A_221 : i1 to i32
      %cond3A_223 = arith.constant 0 : i32
      %cond3A_224 = arith.cmpi ne, %convert_element_type3A_222, %cond3A_223 : i32
      scf.if %cond3A_224 {
        %dma_wait3A_292 = arith.constant 0 : i32
        %dma_wait3A_293 = arith.constant 0 : i32
        %dma_wait3A_294 = arith.constant 0 : i32
        %dma_wait3A_295 = tpu.memref_slice %arg8[%dma_wait3A_292, %dma_wait3A_293, %dma_wait3A_294] : memref<2x512x64xf32, #tpu.memory_space<vmem>> -> memref<1x512x64xf32, #tpu.memory_space<vmem>>
        %dma_wait3A_296 = tpu.memref_squeeze %dma_wait3A_295 : memref<1x512x64xf32, #tpu.memory_space<vmem>> -> memref<512x64xf32, #tpu.memory_space<vmem>>
        %dma_wait3A_297 = arith.constant 0 : i32
        %dma_wait3A_298 = arith.constant 0 : i32
        %dma_wait3A_299 = tpu.memref_slice %arg2[%dma_wait3A_297, %dma_wait3A_298] : memref<20000x64xf32, #tpu.memory_space<hbm>> -> memref<512x64xf32, #tpu.memory_space<hbm>>
        %dma_wait3A_300 = arith.constant 0 : i32
        %dma_wait3A_301 = arith.constant 0 : i32
        %dma_wait3A_302 = tpu.memref_slice %arg8[%dma_wait3A_292, %dma_wait3A_300, %dma_wait3A_301] : memref<2x512x64xf32, #tpu.memory_space<vmem>> -> memref<1x512x64xf32, #tpu.memory_space<vmem>>
        %dma_wait3A_303 = tpu.memref_squeeze %dma_wait3A_302 : memref<1x512x64xf32, #tpu.memory_space<vmem>> -> memref<512x64xf32, #tpu.memory_space<vmem>>
        %dma_wait3A_304 = arith.constant 0 : i32
        %dma_wait3A_305 = arith.constant 0 : i32
        %dma_wait3A_306 = tpu.memref_slice %arg2[%dma_wait3A_304, %dma_wait3A_305] : memref<20000x64xf32, #tpu.memory_space<hbm>> -> memref<512x64xf32, #tpu.memory_space<hbm>>
        tpu.wait_dma2 semaphore(%arg11 : memref<!tpu.dma_semaphore, #tpu.memory_space<semaphore_mem>>) src(%dma_wait3A_306 : memref<512x64xf32, #tpu.memory_space<hbm>>) dst(%dma_wait3A_303 : memref<512x64xf32, #tpu.memory_space<vmem>>)
      } else {
      }
      %add3A_225 = arith.constant 1 : i32
      %add3A_226 = arith.addi %add3A_204, %add3A_225 : i32
      %lt3A_227 = arith.constant 20 : i32
      %lt3A_228 = arith.cmpi slt, %add3A_226, %lt3A_227 : i32
      %convert_element_type3A_229 = arith.extui %lt3A_228 : i1 to i32
      %cond3A_230 = arith.constant 0 : i32
      %cond3A_231 = arith.cmpi ne, %convert_element_type3A_229, %cond3A_230 : i32
      scf.if %cond3A_231 {
        %add3A_292 = arith.constant 1 : i32
        %add3A_293 = arith.addi %add3A_204, %add3A_292 : i32
        %mul3A_294 = arith.constant 4 : i32
        %mul3A_295 = arith.muli %add3A_293, %mul3A_294 : i32
        %add3A_296 = arith.constant 0 : i32
        %add3A_297 = arith.addi %mul3A_295, %add3A_296 : i32
        %dma_start3A_298 = arith.constant 0 : i32
        %dma_start3A_299 = arith.constant 0 : i32
        %dma_start3A_300 = arith.constant 0 : i32
        %dma_start3A_301 = tpu.memref_slice %arg8[%dma_start3A_298, %dma_start3A_299, %dma_start3A_300] : memref<2x512x64xf32, #tpu.memory_space<vmem>> -> memref<1x128x64xf32, #tpu.memory_space<vmem>>
        %dma_start3A_302 = tpu.memref_squeeze %dma_start3A_301 : memref<1x128x64xf32, #tpu.memory_space<vmem>> -> memref<128x64xf32, #tpu.memory_space<vmem>>
        %dma_start3A_303 = arith.constant 0 : i32
        %dma_start3A_304 = tpu.memref_slice %arg6[%add3A_297, %dma_start3A_303] : memref<80x128xi32, #tpu.memory_space<vmem>> -> memref<1x128xi32, #tpu.memory_space<vmem>>
        %dma_start3A_305 = tpu.memref_squeeze %dma_start3A_304 : memref<1x128xi32, #tpu.memory_space<vmem>> -> memref<128xi32, #tpu.memory_space<vmem>>
        %dma_start3A_306 = arith.constant 0 : i32
        %dma_start3A_307 = arith.constant 0 : i32
        %dma_start3A_308 = tpu.memref_slice %arg2[%dma_start3A_306, %dma_start3A_307] : memref<20000x64xf32, #tpu.memory_space<hbm>> -> memref<20000x64xf32, #tpu.memory_space<hbm>>
        tpu.enqueue_indirect_dma source(%dma_start3A_308 : memref<20000x64xf32, #tpu.memory_space<hbm>>) target(%dma_start3A_302 : memref<128x64xf32, #tpu.memory_space<vmem>>) offsets(%dma_start3A_305 : memref<128xi32, #tpu.memory_space<vmem>>) semaphore(%arg10 : memref<!tpu.dma_semaphore, #tpu.memory_space<semaphore_mem>>)
        %mul3A_309 = arith.constant 4 : i32
        %mul3A_310 = arith.muli %add3A_293, %mul3A_309 : i32
        %add3A_311 = arith.constant 1 : i32
        %add3A_312 = arith.addi %mul3A_310, %add3A_311 : i32
        %dma_start3A_313 = arith.constant 0 : i32
        %dma_start3A_314 = arith.constant 128 : i32
        %dma_start3A_315 = arith.constant 0 : i32
        %dma_start3A_316 = tpu.memref_slice %arg8[%dma_start3A_313, %dma_start3A_314, %dma_start3A_315] : memref<2x512x64xf32, #tpu.memory_space<vmem>> -> memref<1x128x64xf32, #tpu.memory_space<vmem>>
        %dma_start3A_317 = tpu.memref_squeeze %dma_start3A_316 : memref<1x128x64xf32, #tpu.memory_space<vmem>> -> memref<128x64xf32, #tpu.memory_space<vmem>>
        %dma_start3A_318 = arith.constant 0 : i32
        %dma_start3A_319 = tpu.memref_slice %arg6[%add3A_312, %dma_start3A_318] : memref<80x128xi32, #tpu.memory_space<vmem>> -> memref<1x128xi32, #tpu.memory_space<vmem>>
        %dma_start3A_320 = tpu.memref_squeeze %dma_start3A_319 : memref<1x128xi32, #tpu.memory_space<vmem>> -> memref<128xi32, #tpu.memory_space<vmem>>
        %dma_start3A_321 = arith.constant 0 : i32
        %dma_start3A_322 = arith.constant 0 : i32
        %dma_start3A_323 = tpu.memref_slice %arg2[%dma_start3A_321, %dma_start3A_322] : memref<20000x64xf32, #tpu.memory_space<hbm>> -> memref<20000x64xf32, #tpu.memory_space<hbm>>
        tpu.enqueue_indirect_dma source(%dma_start3A_323 : memref<20000x64xf32, #tpu.memory_space<hbm>>) target(%dma_start3A_317 : memref<128x64xf32, #tpu.memory_space<vmem>>) offsets(%dma_start3A_320 : memref<128xi32, #tpu.memory_space<vmem>>) semaphore(%arg10 : memref<!tpu.dma_semaphore, #tpu.memory_space<semaphore_mem>>)
        %mul3A_324 = arith.constant 4 : i32
        %mul3A_325 = arith.muli %add3A_293, %mul3A_324 : i32
        %add3A_326 = arith.constant 2 : i32
        %add3A_327 = arith.addi %mul3A_325, %add3A_326 : i32
        %dma_start3A_328 = arith.constant 0 : i32
        %dma_start3A_329 = arith.constant 256 : i32
        %dma_start3A_330 = arith.constant 0 : i32
        %dma_start3A_331 = tpu.memref_slice %arg8[%dma_start3A_328, %dma_start3A_329, %dma_start3A_330] : memref<2x512x64xf32, #tpu.memory_space<vmem>> -> memref<1x128x64xf32, #tpu.memory_space<vmem>>
        %dma_start3A_332 = tpu.memref_squeeze %dma_start3A_331 : memref<1x128x64xf32, #tpu.memory_space<vmem>> -> memref<128x64xf32, #tpu.memory_space<vmem>>
        %dma_start3A_333 = arith.constant 0 : i32
        %dma_start3A_334 = tpu.memref_slice %arg6[%add3A_327, %dma_start3A_333] : memref<80x128xi32, #tpu.memory_space<vmem>> -> memref<1x128xi32, #tpu.memory_space<vmem>>
        %dma_start3A_335 = tpu.memref_squeeze %dma_start3A_334 : memref<1x128xi32, #tpu.memory_space<vmem>> -> memref<128xi32, #tpu.memory_space<vmem>>
        %dma_start3A_336 = arith.constant 0 : i32
        %dma_start3A_337 = arith.constant 0 : i32
        %dma_start3A_338 = tpu.memref_slice %arg2[%dma_start3A_336, %dma_start3A_337] : memref<20000x64xf32, #tpu.memory_space<hbm>> -> memref<20000x64xf32, #tpu.memory_space<hbm>>
        tpu.enqueue_indirect_dma source(%dma_start3A_338 : memref<20000x64xf32, #tpu.memory_space<hbm>>) target(%dma_start3A_332 : memref<128x64xf32, #tpu.memory_space<vmem>>) offsets(%dma_start3A_335 : memref<128xi32, #tpu.memory_space<vmem>>) semaphore(%arg10 : memref<!tpu.dma_semaphore, #tpu.memory_space<semaphore_mem>>)
        %mul3A_339 = arith.constant 4 : i32
        %mul3A_340 = arith.muli %add3A_293, %mul3A_339 : i32
        %add3A_341 = arith.constant 3 : i32
        %add3A_342 = arith.addi %mul3A_340, %add3A_341 : i32
        %dma_start3A_343 = arith.constant 0 : i32
        %dma_start3A_344 = arith.constant 384 : i32
        %dma_start3A_345 = arith.constant 0 : i32
        %dma_start3A_346 = tpu.memref_slice %arg8[%dma_start3A_343, %dma_start3A_344, %dma_start3A_345] : memref<2x512x64xf32, #tpu.memory_space<vmem>> -> memref<1x128x64xf32, #tpu.memory_space<vmem>>
        %dma_start3A_347 = tpu.memref_squeeze %dma_start3A_346 : memref<1x128x64xf32, #tpu.memory_space<vmem>> -> memref<128x64xf32, #tpu.memory_space<vmem>>
        %dma_start3A_348 = arith.constant 0 : i32
        %dma_start3A_349 = tpu.memref_slice %arg6[%add3A_342, %dma_start3A_348] : memref<80x128xi32, #tpu.memory_space<vmem>> -> memref<1x128xi32, #tpu.memory_space<vmem>>
        %dma_start3A_350 = tpu.memref_squeeze %dma_start3A_349 : memref<1x128xi32, #tpu.memory_space<vmem>> -> memref<128xi32, #tpu.memory_space<vmem>>
        %dma_start3A_351 = arith.constant 0 : i32
        %dma_start3A_352 = arith.constant 0 : i32
        %dma_start3A_353 = tpu.memref_slice %arg2[%dma_start3A_351, %dma_start3A_352] : memref<20000x64xf32, #tpu.memory_space<hbm>> -> memref<20000x64xf32, #tpu.memory_space<hbm>>
        tpu.enqueue_indirect_dma source(%dma_start3A_353 : memref<20000x64xf32, #tpu.memory_space<hbm>>) target(%dma_start3A_347 : memref<128x64xf32, #tpu.memory_space<vmem>>) offsets(%dma_start3A_350 : memref<128xi32, #tpu.memory_space<vmem>>) semaphore(%arg10 : memref<!tpu.dma_semaphore, #tpu.memory_space<semaphore_mem>>)
      } else {
      }
      %mul3A_232 = arith.constant 4 : i32
      %mul3A_233 = arith.muli %add3A_204, %mul3A_232 : i32
      %add3A_234 = arith.constant 0 : i32
      %add3A_235 = arith.addi %mul3A_233, %add3A_234 : i32
      %dma_start3A_236 = arith.constant 1 : i32
      %dma_start3A_237 = arith.constant 0 : i32
      %dma_start3A_238 = arith.constant 0 : i32
      %dma_start3A_239 = tpu.memref_slice %arg8[%dma_start3A_236, %dma_start3A_237, %dma_start3A_238] : memref<2x512x64xf32, #tpu.memory_space<vmem>> -> memref<1x128x64xf32, #tpu.memory_space<vmem>>
      %dma_start3A_240 = tpu.memref_squeeze %dma_start3A_239 : memref<1x128x64xf32, #tpu.memory_space<vmem>> -> memref<128x64xf32, #tpu.memory_space<vmem>>
      %dma_start3A_241 = arith.constant 0 : i32
      %dma_start3A_242 = tpu.memref_slice %arg7[%add3A_235, %dma_start3A_241] : memref<80x128xi32, #tpu.memory_space<vmem>> -> memref<1x128xi32, #tpu.memory_space<vmem>>
      %dma_start3A_243 = tpu.memref_squeeze %dma_start3A_242 : memref<1x128xi32, #tpu.memory_space<vmem>> -> memref<128xi32, #tpu.memory_space<vmem>>
      %dma_start3A_244 = arith.constant 0 : i32
      %dma_start3A_245 = arith.constant 0 : i32
      %dma_start3A_246 = tpu.memref_slice %arg9[%dma_start3A_244, %dma_start3A_245] : memref<10112x64xf32, #tpu.memory_space<vmem_shared>> -> memref<10112x64xf32, #tpu.memory_space<vmem_shared>>
      tpu.enqueue_indirect_dma source(%dma_start3A_240 : memref<128x64xf32, #tpu.memory_space<vmem>>) target(%dma_start3A_246 : memref<10112x64xf32, #tpu.memory_space<vmem_shared>>) offsets(%dma_start3A_243 : memref<128xi32, #tpu.memory_space<vmem>>) semaphore(%arg11 : memref<!tpu.dma_semaphore, #tpu.memory_space<semaphore_mem>>) {add = true}
      %mul3A_247 = arith.constant 4 : i32
      %mul3A_248 = arith.muli %add3A_204, %mul3A_247 : i32
      %add3A_249 = arith.constant 1 : i32
      %add3A_250 = arith.addi %mul3A_248, %add3A_249 : i32
      %dma_start3A_251 = arith.constant 1 : i32
      %dma_start3A_252 = arith.constant 128 : i32
      %dma_start3A_253 = arith.constant 0 : i32
      %dma_start3A_254 = tpu.memref_slice %arg8[%dma_start3A_251, %dma_start3A_252, %dma_start3A_253] : memref<2x512x64xf32, #tpu.memory_space<vmem>> -> memref<1x128x64xf32, #tpu.memory_space<vmem>>
      %dma_start3A_255 = tpu.memref_squeeze %dma_start3A_254 : memref<1x128x64xf32, #tpu.memory_space<vmem>> -> memref<128x64xf32, #tpu.memory_space<vmem>>
      %dma_start3A_256 = arith.constant 0 : i32
      %dma_start3A_257 = tpu.memref_slice %arg7[%add3A_250, %dma_start3A_256] : memref<80x128xi32, #tpu.memory_space<vmem>> -> memref<1x128xi32, #tpu.memory_space<vmem>>
      %dma_start3A_258 = tpu.memref_squeeze %dma_start3A_257 : memref<1x128xi32, #tpu.memory_space<vmem>> -> memref<128xi32, #tpu.memory_space<vmem>>
      %dma_start3A_259 = arith.constant 0 : i32
      %dma_start3A_260 = arith.constant 0 : i32
      %dma_start3A_261 = tpu.memref_slice %arg9[%dma_start3A_259, %dma_start3A_260] : memref<10112x64xf32, #tpu.memory_space<vmem_shared>> -> memref<10112x64xf32, #tpu.memory_space<vmem_shared>>
      tpu.enqueue_indirect_dma source(%dma_start3A_255 : memref<128x64xf32, #tpu.memory_space<vmem>>) target(%dma_start3A_261 : memref<10112x64xf32, #tpu.memory_space<vmem_shared>>) offsets(%dma_start3A_258 : memref<128xi32, #tpu.memory_space<vmem>>) semaphore(%arg11 : memref<!tpu.dma_semaphore, #tpu.memory_space<semaphore_mem>>) {add = true}
      %mul3A_262 = arith.constant 4 : i32
      %mul3A_263 = arith.muli %add3A_204, %mul3A_262 : i32
      %add3A_264 = arith.constant 2 : i32
      %add3A_265 = arith.addi %mul3A_263, %add3A_264 : i32
      %dma_start3A_266 = arith.constant 1 : i32
      %dma_start3A_267 = arith.constant 256 : i32
      %dma_start3A_268 = arith.constant 0 : i32
      %dma_start3A_269 = tpu.memref_slice %arg8[%dma_start3A_266, %dma_start3A_267, %dma_start3A_268] : memref<2x512x64xf32, #tpu.memory_space<vmem>> -> memref<1x128x64xf32, #tpu.memory_space<vmem>>
      %dma_start3A_270 = tpu.memref_squeeze %dma_start3A_269 : memref<1x128x64xf32, #tpu.memory_space<vmem>> -> memref<128x64xf32, #tpu.memory_space<vmem>>
      %dma_start3A_271 = arith.constant 0 : i32
      %dma_start3A_272 = tpu.memref_slice %arg7[%add3A_265, %dma_start3A_271] : memref<80x128xi32, #tpu.memory_space<vmem>> -> memref<1x128xi32, #tpu.memory_space<vmem>>
      %dma_start3A_273 = tpu.memref_squeeze %dma_start3A_272 : memref<1x128xi32, #tpu.memory_space<vmem>> -> memref<128xi32, #tpu.memory_space<vmem>>
      %dma_start3A_274 = arith.constant 0 : i32
      %dma_start3A_275 = arith.constant 0 : i32
      %dma_start3A_276 = tpu.memref_slice %arg9[%dma_start3A_274, %dma_start3A_275] : memref<10112x64xf32, #tpu.memory_space<vmem_shared>> -> memref<10112x64xf32, #tpu.memory_space<vmem_shared>>
      tpu.enqueue_indirect_dma source(%dma_start3A_270 : memref<128x64xf32, #tpu.memory_space<vmem>>) target(%dma_start3A_276 : memref<10112x64xf32, #tpu.memory_space<vmem_shared>>) offsets(%dma_start3A_273 : memref<128xi32, #tpu.memory_space<vmem>>) semaphore(%arg11 : memref<!tpu.dma_semaphore, #tpu.memory_space<semaphore_mem>>) {add = true}
      %mul3A_277 = arith.constant 4 : i32
      %mul3A_278 = arith.muli %add3A_204, %mul3A_277 : i32
      %add3A_279 = arith.constant 3 : i32
      %add3A_280 = arith.addi %mul3A_278, %add3A_279 : i32
      %dma_start3A_281 = arith.constant 1 : i32
      %dma_start3A_282 = arith.constant 384 : i32
      %dma_start3A_283 = arith.constant 0 : i32
      %dma_start3A_284 = tpu.memref_slice %arg8[%dma_start3A_281, %dma_start3A_282, %dma_start3A_283] : memref<2x512x64xf32, #tpu.memory_space<vmem>> -> memref<1x128x64xf32, #tpu.memory_space<vmem>>
      %dma_start3A_285 = tpu.memref_squeeze %dma_start3A_284 : memref<1x128x64xf32, #tpu.memory_space<vmem>> -> memref<128x64xf32, #tpu.memory_space<vmem>>
      %dma_start3A_286 = arith.constant 0 : i32
      %dma_start3A_287 = tpu.memref_slice %arg7[%add3A_280, %dma_start3A_286] : memref<80x128xi32, #tpu.memory_space<vmem>> -> memref<1x128xi32, #tpu.memory_space<vmem>>
      %dma_start3A_288 = tpu.memref_squeeze %dma_start3A_287 : memref<1x128xi32, #tpu.memory_space<vmem>> -> memref<128xi32, #tpu.memory_space<vmem>>
      %dma_start3A_289 = arith.constant 0 : i32
      %dma_start3A_290 = arith.constant 0 : i32
      %dma_start3A_291 = tpu.memref_slice %arg9[%dma_start3A_289, %dma_start3A_290] : memref<10112x64xf32, #tpu.memory_space<vmem_shared>> -> memref<10112x64xf32, #tpu.memory_space<vmem_shared>>
      tpu.enqueue_indirect_dma source(%dma_start3A_285 : memref<128x64xf32, #tpu.memory_space<vmem>>) target(%dma_start3A_291 : memref<10112x64xf32, #tpu.memory_space<vmem_shared>>) offsets(%dma_start3A_288 : memref<128xi32, #tpu.memory_space<vmem>>) semaphore(%arg11 : memref<!tpu.dma_semaphore, #tpu.memory_space<semaphore_mem>>) {add = true}
    }
    %scan3A_92 = arith.constant 10 : i32
    %dma_wait3A_93 = arith.constant 1 : i32
    %dma_wait3A_94 = arith.constant 0 : i32
    %dma_wait3A_95 = arith.constant 0 : i32
    %dma_wait3A_96 = tpu.memref_slice %arg8[%dma_wait3A_93, %dma_wait3A_94, %dma_wait3A_95] : memref<2x512x64xf32, #tpu.memory_space<vmem>> -> memref<1x512x64xf32, #tpu.memory_space<vmem>>
    %dma_wait3A_97 = tpu.memref_squeeze %dma_wait3A_96 : memref<1x512x64xf32, #tpu.memory_space<vmem>> -> memref<512x64xf32, #tpu.memory_space<vmem>>
    %dma_wait3A_98 = arith.constant 0 : i32
    %dma_wait3A_99 = arith.constant 0 : i32
    %dma_wait3A_100 = tpu.memref_slice %arg2[%dma_wait3A_98, %dma_wait3A_99] : memref<20000x64xf32, #tpu.memory_space<hbm>> -> memref<512x64xf32, #tpu.memory_space<hbm>>
    %dma_wait3A_101 = arith.constant 0 : i32
    %dma_wait3A_102 = arith.constant 0 : i32
    %dma_wait3A_103 = tpu.memref_slice %arg8[%dma_wait3A_93, %dma_wait3A_101, %dma_wait3A_102] : memref<2x512x64xf32, #tpu.memory_space<vmem>> -> memref<1x512x64xf32, #tpu.memory_space<vmem>>
    %dma_wait3A_104 = tpu.memref_squeeze %dma_wait3A_103 : memref<1x512x64xf32, #tpu.memory_space<vmem>> -> memref<512x64xf32, #tpu.memory_space<vmem>>
    %dma_wait3A_105 = arith.constant 0 : i32
    %dma_wait3A_106 = arith.constant 0 : i32
    %dma_wait3A_107 = tpu.memref_slice %arg2[%dma_wait3A_105, %dma_wait3A_106] : memref<20000x64xf32, #tpu.memory_space<hbm>> -> memref<512x64xf32, #tpu.memory_space<hbm>>
    tpu.wait_dma2 semaphore(%arg11 : memref<!tpu.dma_semaphore, #tpu.memory_space<semaphore_mem>>) src(%dma_wait3A_107 : memref<512x64xf32, #tpu.memory_space<hbm>>) dst(%dma_wait3A_104 : memref<512x64xf32, #tpu.memory_space<vmem>>)
    %barrier3A_108 = arith.constant 0 : index
    tpu.barrier barrier_id(%barrier3A_108)
    %mul3A_109 = arith.constant 632 : i32
    %mul3A_110 = arith.muli %arg1, %mul3A_109 : i32
    %mul3A_111 = arith.constant 632 : i32
    %mul3A_112 = arith.muli %arg1, %mul3A_111 : i32
    "tpu.region"() ({
      %run_scoped3A = tpu.sem_alloc : memref<!tpu.dma_semaphore, #tpu.memory_space<semaphore_mem>>
      %dma_start3A_113 = arith.constant 0 : i32
      %dma_start3A_114 = tpu.memref_slice %arg5[%arg0, %mul3A_112, %dma_start3A_113] : memref<2x10112x128xf32, #tpu.memory_space<hbm>> -> memref<1x632x64xf32, #tpu.memory_space<hbm>>
      %dma_start3A_115 = tpu.memref_squeeze %dma_start3A_114 : memref<1x632x64xf32, #tpu.memory_space<hbm>> -> memref<632x64xf32, #tpu.memory_space<hbm>>
      %dma_start3A_116 = arith.constant 0 : i32
      %dma_start3A_117 = tpu.memref_slice %arg9[%mul3A_110, %dma_start3A_116] : memref<10112x64xf32, #tpu.memory_space<vmem_shared>> -> memref<632x64xf32, #tpu.memory_space<vmem_shared>>
      tpu.enqueue_dma source(%dma_start3A_117 : memref<632x64xf32, #tpu.memory_space<vmem_shared>>) target(%dma_start3A_115 : memref<632x64xf32, #tpu.memory_space<hbm>>) target_semaphore(%run_scoped3A : memref<!tpu.dma_semaphore, #tpu.memory_space<semaphore_mem>>)
      %dma_wait3A_118 = arith.constant 0 : i32
      %dma_wait3A_119 = tpu.memref_slice %arg5[%arg0, %mul3A_112, %dma_wait3A_118] : memref<2x10112x128xf32, #tpu.memory_space<hbm>> -> memref<1x632x64xf32, #tpu.memory_space<hbm>>
      %dma_wait3A_120 = tpu.memref_squeeze %dma_wait3A_119 : memref<1x632x64xf32, #tpu.memory_space<hbm>> -> memref<632x64xf32, #tpu.memory_space<hbm>>
      %dma_wait3A_121 = arith.constant 0 : i32
      %dma_wait3A_122 = tpu.memref_slice %arg9[%mul3A_110, %dma_wait3A_121] : memref<10112x64xf32, #tpu.memory_space<vmem_shared>> -> memref<632x64xf32, #tpu.memory_space<vmem_shared>>
      tpu.wait_dma2 semaphore(%run_scoped3A : memref<!tpu.dma_semaphore, #tpu.memory_space<semaphore_mem>>) src(%dma_wait3A_122 : memref<632x64xf32, #tpu.memory_space<vmem_shared>>) dst(%dma_wait3A_120 : memref<632x64xf32, #tpu.memory_space<hbm>>)
      tpu.yield
    }) : () -> ()
    return
  }
}

#map = affine_map<(d0, d1) -> (0, 0)>
#map1 = affine_map<(d0, d1) -> (0, 0, 0, 0)>
#map2 = affine_map<(d0, d1) -> (0, 0, 0)>
module attributes {stable_mosaic.version = 14 : i64} {
  func.func @_sc_body(%arg0: i32, %arg1: i32, %arg2: memref<20000x64xf32, #tpu.memory_space<hbm>>, %arg3: memref<2x32x80x128xi32, #tpu.memory_space<hbm>>, %arg4: memref<632x64xf32, #tpu.memory_space<hbm>>, %arg5: memref<2x10112x128xf32, #tpu.memory_space<hbm>>, %arg6: memref<80x128xi32, #tpu.memory_space<vmem>>, %arg7: memref<80x128xi32, #tpu.memory_space<vmem>>, %arg8: memref<2x512x64xf32, #tpu.memory_space<vmem>>, %arg9: memref<10112x64xf32, #tpu.memory_space<vmem_shared>>, %arg10: memref<!tpu.dma_semaphore, #tpu.memory_space<semaphore_mem>>, %arg11: memref<!tpu.dma_semaphore, #tpu.memory_space<semaphore_mem>>) attributes {dimension_semantics = [#tpu.dimension_semantics<core_parallel>, #tpu.dimension_semantics<subcore_parallel>], iteration_bounds = array<i64: 2, 16>, scalar_prefetch = 0 : i64, scratch_operands = 6 : i64, tpu.core_type = #tpu.core_type<sc_vector_subcore>, window_params = [{transform_indices = #map}, {transform_indices = #map1}, {transform_indices = #map}, {transform_indices = #map2}]} {
    %mul3A = arith.constant 2 : i32
    %mul3A_0 = arith.muli %arg1, %mul3A : i32
    %add3A = arith.addi %mul3A_0, %arg0 : i32
    %dma_start3A = arith.constant 0 : i32
    %dma_start3A_1 = arith.constant 0 : i32
    %dma_start3A_2 = arith.constant 0 : i32
    %dma_start3A_3 = tpu.memref_slice %arg3[%dma_start3A, %add3A, %dma_start3A_1, %dma_start3A_2] : memref<2x32x80x128xi32, #tpu.memory_space<hbm>> -> memref<1x1x80x128xi32, #tpu.memory_space<hbm>>
    %dma_start3A_4 = tpu.memref_squeeze %dma_start3A_3 : memref<1x1x80x128xi32, #tpu.memory_space<hbm>> -> memref<80x128xi32, #tpu.memory_space<hbm>>
    %dma_start3A_5 = arith.constant 0 : i32
    %dma_start3A_6 = arith.constant 0 : i32
    %dma_start3A_7 = tpu.memref_slice %arg3[%dma_start3A, %add3A, %dma_start3A_5, %dma_start3A_6] : memref<2x32x80x128xi32, #tpu.memory_space<hbm>> -> memref<1x1x80x128xi32, #tpu.memory_space<hbm>>
    %dma_start3A_8 = tpu.memref_squeeze %dma_start3A_7 : memref<1x1x80x128xi32, #tpu.memory_space<hbm>> -> memref<80x128xi32, #tpu.memory_space<hbm>>
    tpu.enqueue_dma source(%dma_start3A_8 : memref<80x128xi32, #tpu.memory_space<hbm>>) target(%arg6 : memref<80x128xi32, #tpu.memory_space<vmem>>) target_semaphore(%arg10 : memref<!tpu.dma_semaphore, #tpu.memory_space<semaphore_mem>>)
    %dma_start3A_9 = arith.constant 1 : i32
    %dma_start3A_10 = arith.constant 0 : i32
    %dma_start3A_11 = arith.constant 0 : i32
    %dma_start3A_12 = tpu.memref_slice %arg3[%dma_start3A_9, %add3A, %dma_start3A_10, %dma_start3A_11] : memref<2x32x80x128xi32, #tpu.memory_space<hbm>> -> memref<1x1x80x128xi32, #tpu.memory_space<hbm>>
    %dma_start3A_13 = tpu.memref_squeeze %dma_start3A_12 : memref<1x1x80x128xi32, #tpu.memory_space<hbm>> -> memref<80x128xi32, #tpu.memory_space<hbm>>
    %dma_start3A_14 = arith.constant 0 : i32
    %dma_start3A_15 = arith.constant 0 : i32
    %dma_start3A_16 = tpu.memref_slice %arg3[%dma_start3A_9, %add3A, %dma_start3A_14, %dma_start3A_15] : memref<2x32x80x128xi32, #tpu.memory_space<hbm>> -> memref<1x1x80x128xi32, #tpu.memory_space<hbm>>
    %dma_start3A_17 = tpu.memref_squeeze %dma_start3A_16 : memref<1x1x80x128xi32, #tpu.memory_space<hbm>> -> memref<80x128xi32, #tpu.memory_space<hbm>>
    tpu.enqueue_dma source(%dma_start3A_17 : memref<80x128xi32, #tpu.memory_space<hbm>>) target(%arg7 : memref<80x128xi32, #tpu.memory_space<vmem>>) target_semaphore(%arg10 : memref<!tpu.dma_semaphore, #tpu.memory_space<semaphore_mem>>)
    %mul3A_18 = arith.constant 632 : i32
    %mul3A_19 = arith.muli %arg1, %mul3A_18 : i32
    %dma_start3A_20 = arith.constant 0 : i32
    %dma_start3A_21 = tpu.memref_slice %arg9[%mul3A_19, %dma_start3A_20] : memref<10112x64xf32, #tpu.memory_space<vmem_shared>> -> memref<632x64xf32, #tpu.memory_space<vmem_shared>>
    tpu.enqueue_dma source(%arg4 : memref<632x64xf32, #tpu.memory_space<hbm>>) target(%dma_start3A_21 : memref<632x64xf32, #tpu.memory_space<vmem_shared>>) target_semaphore(%arg11 : memref<!tpu.dma_semaphore, #tpu.memory_space<semaphore_mem>>)
    %dma_wait3A = arith.constant 0 : i32
    %dma_wait3A_22 = arith.constant 0 : i32
    %dma_wait3A_23 = arith.constant 0 : i32
    %dma_wait3A_24 = tpu.memref_slice %arg3[%dma_wait3A, %add3A, %dma_wait3A_22, %dma_wait3A_23] : memref<2x32x80x128xi32, #tpu.memory_space<hbm>> -> memref<1x1x80x128xi32, #tpu.memory_space<hbm>>
    %dma_wait3A_25 = tpu.memref_squeeze %dma_wait3A_24 : memref<1x1x80x128xi32, #tpu.memory_space<hbm>> -> memref<80x128xi32, #tpu.memory_space<hbm>>
    %dma_wait3A_26 = arith.constant 0 : i32
    %dma_wait3A_27 = arith.constant 0 : i32
    %dma_wait3A_28 = tpu.memref_slice %arg3[%dma_wait3A, %add3A, %dma_wait3A_26, %dma_wait3A_27] : memref<2x32x80x128xi32, #tpu.memory_space<hbm>> -> memref<1x1x80x128xi32, #tpu.memory_space<hbm>>
    %dma_wait3A_29 = tpu.memref_squeeze %dma_wait3A_28 : memref<1x1x80x128xi32, #tpu.memory_space<hbm>> -> memref<80x128xi32, #tpu.memory_space<hbm>>
    tpu.wait_dma2 semaphore(%arg10 : memref<!tpu.dma_semaphore, #tpu.memory_space<semaphore_mem>>) src(%dma_wait3A_29 : memref<80x128xi32, #tpu.memory_space<hbm>>) dst(%arg6 : memref<80x128xi32, #tpu.memory_space<vmem>>)
    %dma_wait3A_30 = arith.constant 1 : i32
    %dma_wait3A_31 = arith.constant 0 : i32
    %dma_wait3A_32 = arith.constant 0 : i32
    %dma_wait3A_33 = tpu.memref_slice %arg3[%dma_wait3A_30, %add3A, %dma_wait3A_31, %dma_wait3A_32] : memref<2x32x80x128xi32, #tpu.memory_space<hbm>> -> memref<1x1x80x128xi32, #tpu.memory_space<hbm>>
    %dma_wait3A_34 = tpu.memref_squeeze %dma_wait3A_33 : memref<1x1x80x128xi32, #tpu.memory_space<hbm>> -> memref<80x128xi32, #tpu.memory_space<hbm>>
    %dma_wait3A_35 = arith.constant 0 : i32
    %dma_wait3A_36 = arith.constant 0 : i32
    %dma_wait3A_37 = tpu.memref_slice %arg3[%dma_wait3A_30, %add3A, %dma_wait3A_35, %dma_wait3A_36] : memref<2x32x80x128xi32, #tpu.memory_space<hbm>> -> memref<1x1x80x128xi32, #tpu.memory_space<hbm>>
    %dma_wait3A_38 = tpu.memref_squeeze %dma_wait3A_37 : memref<1x1x80x128xi32, #tpu.memory_space<hbm>> -> memref<80x128xi32, #tpu.memory_space<hbm>>
    tpu.wait_dma2 semaphore(%arg10 : memref<!tpu.dma_semaphore, #tpu.memory_space<semaphore_mem>>) src(%dma_wait3A_38 : memref<80x128xi32, #tpu.memory_space<hbm>>) dst(%arg7 : memref<80x128xi32, #tpu.memory_space<vmem>>)
    %dma_start3A_39 = arith.constant 0 : i32
    %dma_start3A_40 = arith.constant 0 : i32
    %dma_start3A_41 = arith.constant 0 : i32
    %dma_start3A_42 = arith.constant 0 : i32
    %dma_start3A_43 = tpu.memref_slice %arg8[%dma_start3A_40, %dma_start3A_41, %dma_start3A_42] : memref<2x512x64xf32, #tpu.memory_space<vmem>> -> memref<1x128x64xf32, #tpu.memory_space<vmem>>
    %dma_start3A_44 = tpu.memref_squeeze %dma_start3A_43 : memref<1x128x64xf32, #tpu.memory_space<vmem>> -> memref<128x64xf32, #tpu.memory_space<vmem>>
    %dma_start3A_45 = arith.constant 0 : i32
    %dma_start3A_46 = tpu.memref_slice %arg6[%dma_start3A_39, %dma_start3A_45] : memref<80x128xi32, #tpu.memory_space<vmem>> -> memref<1x128xi32, #tpu.memory_space<vmem>>
    %dma_start3A_47 = tpu.memref_squeeze %dma_start3A_46 : memref<1x128xi32, #tpu.memory_space<vmem>> -> memref<128xi32, #tpu.memory_space<vmem>>
    %dma_start3A_48 = arith.constant 0 : i32
    %dma_start3A_49 = arith.constant 0 : i32
    %dma_start3A_50 = tpu.memref_slice %arg2[%dma_start3A_48, %dma_start3A_49] : memref<20000x64xf32, #tpu.memory_space<hbm>> -> memref<20000x64xf32, #tpu.memory_space<hbm>>
    tpu.enqueue_indirect_dma source(%dma_start3A_50 : memref<20000x64xf32, #tpu.memory_space<hbm>>) target(%dma_start3A_44 : memref<128x64xf32, #tpu.memory_space<vmem>>) offsets(%dma_start3A_47 : memref<128xi32, #tpu.memory_space<vmem>>) semaphore(%arg10 : memref<!tpu.dma_semaphore, #tpu.memory_space<semaphore_mem>>)
    %dma_start3A_51 = arith.constant 1 : i32
    %dma_start3A_52 = arith.constant 0 : i32
    %dma_start3A_53 = arith.constant 128 : i32
    %dma_start3A_54 = arith.constant 0 : i32
    %dma_start3A_55 = tpu.memref_slice %arg8[%dma_start3A_52, %dma_start3A_53, %dma_start3A_54] : memref<2x512x64xf32, #tpu.memory_space<vmem>> -> memref<1x128x64xf32, #tpu.memory_space<vmem>>
    %dma_start3A_56 = tpu.memref_squeeze %dma_start3A_55 : memref<1x128x64xf32, #tpu.memory_space<vmem>> -> memref<128x64xf32, #tpu.memory_space<vmem>>
    %dma_start3A_57 = arith.constant 0 : i32
    %dma_start3A_58 = tpu.memref_slice %arg6[%dma_start3A_51, %dma_start3A_57] : memref<80x128xi32, #tpu.memory_space<vmem>> -> memref<1x128xi32, #tpu.memory_space<vmem>>
    %dma_start3A_59 = tpu.memref_squeeze %dma_start3A_58 : memref<1x128xi32, #tpu.memory_space<vmem>> -> memref<128xi32, #tpu.memory_space<vmem>>
    %dma_start3A_60 = arith.constant 0 : i32
    %dma_start3A_61 = arith.constant 0 : i32
    %dma_start3A_62 = tpu.memref_slice %arg2[%dma_start3A_60, %dma_start3A_61] : memref<20000x64xf32, #tpu.memory_space<hbm>> -> memref<20000x64xf32, #tpu.memory_space<hbm>>
    tpu.enqueue_indirect_dma source(%dma_start3A_62 : memref<20000x64xf32, #tpu.memory_space<hbm>>) target(%dma_start3A_56 : memref<128x64xf32, #tpu.memory_space<vmem>>) offsets(%dma_start3A_59 : memref<128xi32, #tpu.memory_space<vmem>>) semaphore(%arg10 : memref<!tpu.dma_semaphore, #tpu.memory_space<semaphore_mem>>)
    %dma_start3A_63 = arith.constant 2 : i32
    %dma_start3A_64 = arith.constant 0 : i32
    %dma_start3A_65 = arith.constant 256 : i32
    %dma_start3A_66 = arith.constant 0 : i32
    %dma_start3A_67 = tpu.memref_slice %arg8[%dma_start3A_64, %dma_start3A_65, %dma_start3A_66] : memref<2x512x64xf32, #tpu.memory_space<vmem>> -> memref<1x128x64xf32, #tpu.memory_space<vmem>>
    %dma_start3A_68 = tpu.memref_squeeze %dma_start3A_67 : memref<1x128x64xf32, #tpu.memory_space<vmem>> -> memref<128x64xf32, #tpu.memory_space<vmem>>
    %dma_start3A_69 = arith.constant 0 : i32
    %dma_start3A_70 = tpu.memref_slice %arg6[%dma_start3A_63, %dma_start3A_69] : memref<80x128xi32, #tpu.memory_space<vmem>> -> memref<1x128xi32, #tpu.memory_space<vmem>>
    %dma_start3A_71 = tpu.memref_squeeze %dma_start3A_70 : memref<1x128xi32, #tpu.memory_space<vmem>> -> memref<128xi32, #tpu.memory_space<vmem>>
    %dma_start3A_72 = arith.constant 0 : i32
    %dma_start3A_73 = arith.constant 0 : i32
    %dma_start3A_74 = tpu.memref_slice %arg2[%dma_start3A_72, %dma_start3A_73] : memref<20000x64xf32, #tpu.memory_space<hbm>> -> memref<20000x64xf32, #tpu.memory_space<hbm>>
    tpu.enqueue_indirect_dma source(%dma_start3A_74 : memref<20000x64xf32, #tpu.memory_space<hbm>>) target(%dma_start3A_68 : memref<128x64xf32, #tpu.memory_space<vmem>>) offsets(%dma_start3A_71 : memref<128xi32, #tpu.memory_space<vmem>>) semaphore(%arg10 : memref<!tpu.dma_semaphore, #tpu.memory_space<semaphore_mem>>)
    %dma_start3A_75 = arith.constant 3 : i32
    %dma_start3A_76 = arith.constant 0 : i32
    %dma_start3A_77 = arith.constant 384 : i32
    %dma_start3A_78 = arith.constant 0 : i32
    %dma_start3A_79 = tpu.memref_slice %arg8[%dma_start3A_76, %dma_start3A_77, %dma_start3A_78] : memref<2x512x64xf32, #tpu.memory_space<vmem>> -> memref<1x128x64xf32, #tpu.memory_space<vmem>>
    %dma_start3A_80 = tpu.memref_squeeze %dma_start3A_79 : memref<1x128x64xf32, #tpu.memory_space<vmem>> -> memref<128x64xf32, #tpu.memory_space<vmem>>
    %dma_start3A_81 = arith.constant 0 : i32
    %dma_start3A_82 = tpu.memref_slice %arg6[%dma_start3A_75, %dma_start3A_81] : memref<80x128xi32, #tpu.memory_space<vmem>> -> memref<1x128xi32, #tpu.memory_space<vmem>>
    %dma_start3A_83 = tpu.memref_squeeze %dma_start3A_82 : memref<1x128xi32, #tpu.memory_space<vmem>> -> memref<128xi32, #tpu.memory_space<vmem>>
    %dma_start3A_84 = arith.constant 0 : i32
    %dma_start3A_85 = arith.constant 0 : i32
    %dma_start3A_86 = tpu.memref_slice %arg2[%dma_start3A_84, %dma_start3A_85] : memref<20000x64xf32, #tpu.memory_space<hbm>> -> memref<20000x64xf32, #tpu.memory_space<hbm>>
    tpu.enqueue_indirect_dma source(%dma_start3A_86 : memref<20000x64xf32, #tpu.memory_space<hbm>>) target(%dma_start3A_80 : memref<128x64xf32, #tpu.memory_space<vmem>>) offsets(%dma_start3A_83 : memref<128xi32, #tpu.memory_space<vmem>>) semaphore(%arg10 : memref<!tpu.dma_semaphore, #tpu.memory_space<semaphore_mem>>)
    %dma_wait3A_87 = arith.constant 0 : i32
    %dma_wait3A_88 = tpu.memref_slice %arg9[%mul3A_19, %dma_wait3A_87] : memref<10112x64xf32, #tpu.memory_space<vmem_shared>> -> memref<632x64xf32, #tpu.memory_space<vmem_shared>>
    tpu.wait_dma2 semaphore(%arg11 : memref<!tpu.dma_semaphore, #tpu.memory_space<semaphore_mem>>) src(%arg4 : memref<632x64xf32, #tpu.memory_space<hbm>>) dst(%dma_wait3A_88 : memref<632x64xf32, #tpu.memory_space<vmem_shared>>)
    %barrier3A = arith.constant 0 : index
    tpu.barrier barrier_id(%barrier3A)
    %scan3A = arith.constant 0 : i32
    %scan3A_89 = arith.constant 10 : i32
    %scan3A_90 = arith.addi %scan3A, %scan3A_89 : i32
    %scan3A_91 = arith.constant 1 : i32
    scf.for %scan3A_113 = %scan3A to %scan3A_90 step %scan3A_91  : i32 {
      %mul3A_114 = arith.constant 2 : i32
      %mul3A_115 = arith.muli %scan3A_113, %mul3A_114 : i32
      %add3A_116 = arith.constant 0 : i32
      %add3A_117 = arith.addi %add3A_116, %mul3A_115 : i32
      %add3A_118 = arith.constant 0 : i32
      %add3A_119 = arith.addi %add3A_117, %add3A_118 : i32
      %dma_wait3A_120 = arith.constant 0 : i32
      %dma_wait3A_121 = arith.constant 0 : i32
      %dma_wait3A_122 = arith.constant 0 : i32
      %dma_wait3A_123 = tpu.memref_slice %arg8[%dma_wait3A_120, %dma_wait3A_121, %dma_wait3A_122] : memref<2x512x64xf32, #tpu.memory_space<vmem>> -> memref<1x512x64xf32, #tpu.memory_space<vmem>>
      %dma_wait3A_124 = tpu.memref_squeeze %dma_wait3A_123 : memref<1x512x64xf32, #tpu.memory_space<vmem>> -> memref<512x64xf32, #tpu.memory_space<vmem>>
      %dma_wait3A_125 = arith.constant 0 : i32
      %dma_wait3A_126 = arith.constant 0 : i32
      %dma_wait3A_127 = tpu.memref_slice %arg2[%dma_wait3A_125, %dma_wait3A_126] : memref<20000x64xf32, #tpu.memory_space<hbm>> -> memref<512x64xf32, #tpu.memory_space<hbm>>
      %dma_wait3A_128 = arith.constant 0 : i32
      %dma_wait3A_129 = arith.constant 0 : i32
      %dma_wait3A_130 = tpu.memref_slice %arg8[%dma_wait3A_120, %dma_wait3A_128, %dma_wait3A_129] : memref<2x512x64xf32, #tpu.memory_space<vmem>> -> memref<1x512x64xf32, #tpu.memory_space<vmem>>
      %dma_wait3A_131 = tpu.memref_squeeze %dma_wait3A_130 : memref<1x512x64xf32, #tpu.memory_space<vmem>> -> memref<512x64xf32, #tpu.memory_space<vmem>>
      %dma_wait3A_132 = arith.constant 0 : i32
      %dma_wait3A_133 = arith.constant 0 : i32
      %dma_wait3A_134 = tpu.memref_slice %arg2[%dma_wait3A_132, %dma_wait3A_133] : memref<20000x64xf32, #tpu.memory_space<hbm>> -> memref<512x64xf32, #tpu.memory_space<hbm>>
      tpu.wait_dma2 semaphore(%arg10 : memref<!tpu.dma_semaphore, #tpu.memory_space<semaphore_mem>>) src(%dma_wait3A_134 : memref<512x64xf32, #tpu.memory_space<hbm>>) dst(%dma_wait3A_131 : memref<512x64xf32, #tpu.memory_space<vmem>>)
      %gt3A = arith.constant 0 : i32
      %gt3A_135 = arith.cmpi sgt, %add3A_119, %gt3A : i32
      %convert_element_type3A = arith.extui %gt3A_135 : i1 to i32
      %cond3A = arith.constant 0 : i32
      %cond3A_136 = arith.cmpi ne, %convert_element_type3A, %cond3A : i32
      scf.if %cond3A_136 {
        %dma_wait3A_292 = arith.constant 1 : i32
        %dma_wait3A_293 = arith.constant 0 : i32
        %dma_wait3A_294 = arith.constant 0 : i32
        %dma_wait3A_295 = tpu.memref_slice %arg8[%dma_wait3A_292, %dma_wait3A_293, %dma_wait3A_294] : memref<2x512x64xf32, #tpu.memory_space<vmem>> -> memref<1x512x64xf32, #tpu.memory_space<vmem>>
        %dma_wait3A_296 = tpu.memref_squeeze %dma_wait3A_295 : memref<1x512x64xf32, #tpu.memory_space<vmem>> -> memref<512x64xf32, #tpu.memory_space<vmem>>
        %dma_wait3A_297 = arith.constant 0 : i32
        %dma_wait3A_298 = arith.constant 0 : i32
        %dma_wait3A_299 = tpu.memref_slice %arg2[%dma_wait3A_297, %dma_wait3A_298] : memref<20000x64xf32, #tpu.memory_space<hbm>> -> memref<512x64xf32, #tpu.memory_space<hbm>>
        %dma_wait3A_300 = arith.constant 0 : i32
        %dma_wait3A_301 = arith.constant 0 : i32
        %dma_wait3A_302 = tpu.memref_slice %arg8[%dma_wait3A_292, %dma_wait3A_300, %dma_wait3A_301] : memref<2x512x64xf32, #tpu.memory_space<vmem>> -> memref<1x512x64xf32, #tpu.memory_space<vmem>>
        %dma_wait3A_303 = tpu.memref_squeeze %dma_wait3A_302 : memref<1x512x64xf32, #tpu.memory_space<vmem>> -> memref<512x64xf32, #tpu.memory_space<vmem>>
        %dma_wait3A_304 = arith.constant 0 : i32
        %dma_wait3A_305 = arith.constant 0 : i32
        %dma_wait3A_306 = tpu.memref_slice %arg2[%dma_wait3A_304, %dma_wait3A_305] : memref<20000x64xf32, #tpu.memory_space<hbm>> -> memref<512x64xf32, #tpu.memory_space<hbm>>
        tpu.wait_dma2 semaphore(%arg11 : memref<!tpu.dma_semaphore, #tpu.memory_space<semaphore_mem>>) src(%dma_wait3A_306 : memref<512x64xf32, #tpu.memory_space<hbm>>) dst(%dma_wait3A_303 : memref<512x64xf32, #tpu.memory_space<vmem>>)
      } else {
      }
      %add3A_137 = arith.constant 1 : i32
      %add3A_138 = arith.addi %add3A_119, %add3A_137 : i32
      %lt3A = arith.constant 20 : i32
      %lt3A_139 = arith.cmpi slt, %add3A_138, %lt3A : i32
      %convert_element_type3A_140 = arith.extui %lt3A_139 : i1 to i32
      %cond3A_141 = arith.constant 0 : i32
      %cond3A_142 = arith.cmpi ne, %convert_element_type3A_140, %cond3A_141 : i32
      scf.if %cond3A_142 {
        %add3A_292 = arith.constant 1 : i32
        %add3A_293 = arith.addi %add3A_119, %add3A_292 : i32
        %mul3A_294 = arith.constant 4 : i32
        %mul3A_295 = arith.muli %add3A_293, %mul3A_294 : i32
        %add3A_296 = arith.constant 0 : i32
        %add3A_297 = arith.addi %mul3A_295, %add3A_296 : i32
        %dma_start3A_298 = arith.constant 1 : i32
        %dma_start3A_299 = arith.constant 0 : i32
        %dma_start3A_300 = arith.constant 0 : i32
        %dma_start3A_301 = tpu.memref_slice %arg8[%dma_start3A_298, %dma_start3A_299, %dma_start3A_300] : memref<2x512x64xf32, #tpu.memory_space<vmem>> -> memref<1x128x64xf32, #tpu.memory_space<vmem>>
        %dma_start3A_302 = tpu.memref_squeeze %dma_start3A_301 : memref<1x128x64xf32, #tpu.memory_space<vmem>> -> memref<128x64xf32, #tpu.memory_space<vmem>>
        %dma_start3A_303 = arith.constant 0 : i32
        %dma_start3A_304 = tpu.memref_slice %arg6[%add3A_297, %dma_start3A_303] : memref<80x128xi32, #tpu.memory_space<vmem>> -> memref<1x128xi32, #tpu.memory_space<vmem>>
        %dma_start3A_305 = tpu.memref_squeeze %dma_start3A_304 : memref<1x128xi32, #tpu.memory_space<vmem>> -> memref<128xi32, #tpu.memory_space<vmem>>
        %dma_start3A_306 = arith.constant 0 : i32
        %dma_start3A_307 = arith.constant 0 : i32
        %dma_start3A_308 = tpu.memref_slice %arg2[%dma_start3A_306, %dma_start3A_307] : memref<20000x64xf32, #tpu.memory_space<hbm>> -> memref<20000x64xf32, #tpu.memory_space<hbm>>
        tpu.enqueue_indirect_dma source(%dma_start3A_308 : memref<20000x64xf32, #tpu.memory_space<hbm>>) target(%dma_start3A_302 : memref<128x64xf32, #tpu.memory_space<vmem>>) offsets(%dma_start3A_305 : memref<128xi32, #tpu.memory_space<vmem>>) semaphore(%arg10 : memref<!tpu.dma_semaphore, #tpu.memory_space<semaphore_mem>>)
        %mul3A_309 = arith.constant 4 : i32
        %mul3A_310 = arith.muli %add3A_293, %mul3A_309 : i32
        %add3A_311 = arith.constant 1 : i32
        %add3A_312 = arith.addi %mul3A_310, %add3A_311 : i32
        %dma_start3A_313 = arith.constant 1 : i32
        %dma_start3A_314 = arith.constant 128 : i32
        %dma_start3A_315 = arith.constant 0 : i32
        %dma_start3A_316 = tpu.memref_slice %arg8[%dma_start3A_313, %dma_start3A_314, %dma_start3A_315] : memref<2x512x64xf32, #tpu.memory_space<vmem>> -> memref<1x128x64xf32, #tpu.memory_space<vmem>>
        %dma_start3A_317 = tpu.memref_squeeze %dma_start3A_316 : memref<1x128x64xf32, #tpu.memory_space<vmem>> -> memref<128x64xf32, #tpu.memory_space<vmem>>
        %dma_start3A_318 = arith.constant 0 : i32
        %dma_start3A_319 = tpu.memref_slice %arg6[%add3A_312, %dma_start3A_318] : memref<80x128xi32, #tpu.memory_space<vmem>> -> memref<1x128xi32, #tpu.memory_space<vmem>>
        %dma_start3A_320 = tpu.memref_squeeze %dma_start3A_319 : memref<1x128xi32, #tpu.memory_space<vmem>> -> memref<128xi32, #tpu.memory_space<vmem>>
        %dma_start3A_321 = arith.constant 0 : i32
        %dma_start3A_322 = arith.constant 0 : i32
        %dma_start3A_323 = tpu.memref_slice %arg2[%dma_start3A_321, %dma_start3A_322] : memref<20000x64xf32, #tpu.memory_space<hbm>> -> memref<20000x64xf32, #tpu.memory_space<hbm>>
        tpu.enqueue_indirect_dma source(%dma_start3A_323 : memref<20000x64xf32, #tpu.memory_space<hbm>>) target(%dma_start3A_317 : memref<128x64xf32, #tpu.memory_space<vmem>>) offsets(%dma_start3A_320 : memref<128xi32, #tpu.memory_space<vmem>>) semaphore(%arg10 : memref<!tpu.dma_semaphore, #tpu.memory_space<semaphore_mem>>)
        %mul3A_324 = arith.constant 4 : i32
        %mul3A_325 = arith.muli %add3A_293, %mul3A_324 : i32
        %add3A_326 = arith.constant 2 : i32
        %add3A_327 = arith.addi %mul3A_325, %add3A_326 : i32
        %dma_start3A_328 = arith.constant 1 : i32
        %dma_start3A_329 = arith.constant 256 : i32
        %dma_start3A_330 = arith.constant 0 : i32
        %dma_start3A_331 = tpu.memref_slice %arg8[%dma_start3A_328, %dma_start3A_329, %dma_start3A_330] : memref<2x512x64xf32, #tpu.memory_space<vmem>> -> memref<1x128x64xf32, #tpu.memory_space<vmem>>
        %dma_start3A_332 = tpu.memref_squeeze %dma_start3A_331 : memref<1x128x64xf32, #tpu.memory_space<vmem>> -> memref<128x64xf32, #tpu.memory_space<vmem>>
        %dma_start3A_333 = arith.constant 0 : i32
        %dma_start3A_334 = tpu.memref_slice %arg6[%add3A_327, %dma_start3A_333] : memref<80x128xi32, #tpu.memory_space<vmem>> -> memref<1x128xi32, #tpu.memory_space<vmem>>
        %dma_start3A_335 = tpu.memref_squeeze %dma_start3A_334 : memref<1x128xi32, #tpu.memory_space<vmem>> -> memref<128xi32, #tpu.memory_space<vmem>>
        %dma_start3A_336 = arith.constant 0 : i32
        %dma_start3A_337 = arith.constant 0 : i32
        %dma_start3A_338 = tpu.memref_slice %arg2[%dma_start3A_336, %dma_start3A_337] : memref<20000x64xf32, #tpu.memory_space<hbm>> -> memref<20000x64xf32, #tpu.memory_space<hbm>>
        tpu.enqueue_indirect_dma source(%dma_start3A_338 : memref<20000x64xf32, #tpu.memory_space<hbm>>) target(%dma_start3A_332 : memref<128x64xf32, #tpu.memory_space<vmem>>) offsets(%dma_start3A_335 : memref<128xi32, #tpu.memory_space<vmem>>) semaphore(%arg10 : memref<!tpu.dma_semaphore, #tpu.memory_space<semaphore_mem>>)
        %mul3A_339 = arith.constant 4 : i32
        %mul3A_340 = arith.muli %add3A_293, %mul3A_339 : i32
        %add3A_341 = arith.constant 3 : i32
        %add3A_342 = arith.addi %mul3A_340, %add3A_341 : i32
        %dma_start3A_343 = arith.constant 1 : i32
        %dma_start3A_344 = arith.constant 384 : i32
        %dma_start3A_345 = arith.constant 0 : i32
        %dma_start3A_346 = tpu.memref_slice %arg8[%dma_start3A_343, %dma_start3A_344, %dma_start3A_345] : memref<2x512x64xf32, #tpu.memory_space<vmem>> -> memref<1x128x64xf32, #tpu.memory_space<vmem>>
        %dma_start3A_347 = tpu.memref_squeeze %dma_start3A_346 : memref<1x128x64xf32, #tpu.memory_space<vmem>> -> memref<128x64xf32, #tpu.memory_space<vmem>>
        %dma_start3A_348 = arith.constant 0 : i32
        %dma_start3A_349 = tpu.memref_slice %arg6[%add3A_342, %dma_start3A_348] : memref<80x128xi32, #tpu.memory_space<vmem>> -> memref<1x128xi32, #tpu.memory_space<vmem>>
        %dma_start3A_350 = tpu.memref_squeeze %dma_start3A_349 : memref<1x128xi32, #tpu.memory_space<vmem>> -> memref<128xi32, #tpu.memory_space<vmem>>
        %dma_start3A_351 = arith.constant 0 : i32
        %dma_start3A_352 = arith.constant 0 : i32
        %dma_start3A_353 = tpu.memref_slice %arg2[%dma_start3A_351, %dma_start3A_352] : memref<20000x64xf32, #tpu.memory_space<hbm>> -> memref<20000x64xf32, #tpu.memory_space<hbm>>
        tpu.enqueue_indirect_dma source(%dma_start3A_353 : memref<20000x64xf32, #tpu.memory_space<hbm>>) target(%dma_start3A_347 : memref<128x64xf32, #tpu.memory_space<vmem>>) offsets(%dma_start3A_350 : memref<128xi32, #tpu.memory_space<vmem>>) semaphore(%arg10 : memref<!tpu.dma_semaphore, #tpu.memory_space<semaphore_mem>>)
      } else {
      }
      %mul3A_143 = arith.constant 4 : i32
      %mul3A_144 = arith.muli %add3A_119, %mul3A_143 : i32
      %add3A_145 = arith.constant 0 : i32
      %add3A_146 = arith.addi %mul3A_144, %add3A_145 : i32
      %dma_start3A_147 = arith.constant 0 : i32
      %dma_start3A_148 = arith.constant 0 : i32
      %dma_start3A_149 = arith.constant 0 : i32
      %dma_start3A_150 = tpu.memref_slice %arg8[%dma_start3A_147, %dma_start3A_148, %dma_start3A_149] : memref<2x512x64xf32, #tpu.memory_space<vmem>> -> memref<1x128x64xf32, #tpu.memory_space<vmem>>
      %dma_start3A_151 = tpu.memref_squeeze %dma_start3A_150 : memref<1x128x64xf32, #tpu.memory_space<vmem>> -> memref<128x64xf32, #tpu.memory_space<vmem>>
      %dma_start3A_152 = arith.constant 0 : i32
      %dma_start3A_153 = tpu.memref_slice %arg7[%add3A_146, %dma_start3A_152] : memref<80x128xi32, #tpu.memory_space<vmem>> -> memref<1x128xi32, #tpu.memory_space<vmem>>
      %dma_start3A_154 = tpu.memref_squeeze %dma_start3A_153 : memref<1x128xi32, #tpu.memory_space<vmem>> -> memref<128xi32, #tpu.memory_space<vmem>>
      %dma_start3A_155 = arith.constant 0 : i32
      %dma_start3A_156 = arith.constant 0 : i32
      %dma_start3A_157 = tpu.memref_slice %arg9[%dma_start3A_155, %dma_start3A_156] : memref<10112x64xf32, #tpu.memory_space<vmem_shared>> -> memref<10112x64xf32, #tpu.memory_space<vmem_shared>>
      tpu.enqueue_indirect_dma source(%dma_start3A_151 : memref<128x64xf32, #tpu.memory_space<vmem>>) target(%dma_start3A_157 : memref<10112x64xf32, #tpu.memory_space<vmem_shared>>) offsets(%dma_start3A_154 : memref<128xi32, #tpu.memory_space<vmem>>) semaphore(%arg11 : memref<!tpu.dma_semaphore, #tpu.memory_space<semaphore_mem>>) {add = true}
      %mul3A_158 = arith.constant 4 : i32
      %mul3A_159 = arith.muli %add3A_119, %mul3A_158 : i32
      %add3A_160 = arith.constant 1 : i32
      %add3A_161 = arith.addi %mul3A_159, %add3A_160 : i32
      %dma_start3A_162 = arith.constant 0 : i32
      %dma_start3A_163 = arith.constant 128 : i32
      %dma_start3A_164 = arith.constant 0 : i32
      %dma_start3A_165 = tpu.memref_slice %arg8[%dma_start3A_162, %dma_start3A_163, %dma_start3A_164] : memref<2x512x64xf32, #tpu.memory_space<vmem>> -> memref<1x128x64xf32, #tpu.memory_space<vmem>>
      %dma_start3A_166 = tpu.memref_squeeze %dma_start3A_165 : memref<1x128x64xf32, #tpu.memory_space<vmem>> -> memref<128x64xf32, #tpu.memory_space<vmem>>
      %dma_start3A_167 = arith.constant 0 : i32
      %dma_start3A_168 = tpu.memref_slice %arg7[%add3A_161, %dma_start3A_167] : memref<80x128xi32, #tpu.memory_space<vmem>> -> memref<1x128xi32, #tpu.memory_space<vmem>>
      %dma_start3A_169 = tpu.memref_squeeze %dma_start3A_168 : memref<1x128xi32, #tpu.memory_space<vmem>> -> memref<128xi32, #tpu.memory_space<vmem>>
      %dma_start3A_170 = arith.constant 0 : i32
      %dma_start3A_171 = arith.constant 0 : i32
      %dma_start3A_172 = tpu.memref_slice %arg9[%dma_start3A_170, %dma_start3A_171] : memref<10112x64xf32, #tpu.memory_space<vmem_shared>> -> memref<10112x64xf32, #tpu.memory_space<vmem_shared>>
      tpu.enqueue_indirect_dma source(%dma_start3A_166 : memref<128x64xf32, #tpu.memory_space<vmem>>) target(%dma_start3A_172 : memref<10112x64xf32, #tpu.memory_space<vmem_shared>>) offsets(%dma_start3A_169 : memref<128xi32, #tpu.memory_space<vmem>>) semaphore(%arg11 : memref<!tpu.dma_semaphore, #tpu.memory_space<semaphore_mem>>) {add = true}
      %mul3A_173 = arith.constant 4 : i32
      %mul3A_174 = arith.muli %add3A_119, %mul3A_173 : i32
      %add3A_175 = arith.constant 2 : i32
      %add3A_176 = arith.addi %mul3A_174, %add3A_175 : i32
      %dma_start3A_177 = arith.constant 0 : i32
      %dma_start3A_178 = arith.constant 256 : i32
      %dma_start3A_179 = arith.constant 0 : i32
      %dma_start3A_180 = tpu.memref_slice %arg8[%dma_start3A_177, %dma_start3A_178, %dma_start3A_179] : memref<2x512x64xf32, #tpu.memory_space<vmem>> -> memref<1x128x64xf32, #tpu.memory_space<vmem>>
      %dma_start3A_181 = tpu.memref_squeeze %dma_start3A_180 : memref<1x128x64xf32, #tpu.memory_space<vmem>> -> memref<128x64xf32, #tpu.memory_space<vmem>>
      %dma_start3A_182 = arith.constant 0 : i32
      %dma_start3A_183 = tpu.memref_slice %arg7[%add3A_176, %dma_start3A_182] : memref<80x128xi32, #tpu.memory_space<vmem>> -> memref<1x128xi32, #tpu.memory_space<vmem>>
      %dma_start3A_184 = tpu.memref_squeeze %dma_start3A_183 : memref<1x128xi32, #tpu.memory_space<vmem>> -> memref<128xi32, #tpu.memory_space<vmem>>
      %dma_start3A_185 = arith.constant 0 : i32
      %dma_start3A_186 = arith.constant 0 : i32
      %dma_start3A_187 = tpu.memref_slice %arg9[%dma_start3A_185, %dma_start3A_186] : memref<10112x64xf32, #tpu.memory_space<vmem_shared>> -> memref<10112x64xf32, #tpu.memory_space<vmem_shared>>
      tpu.enqueue_indirect_dma source(%dma_start3A_181 : memref<128x64xf32, #tpu.memory_space<vmem>>) target(%dma_start3A_187 : memref<10112x64xf32, #tpu.memory_space<vmem_shared>>) offsets(%dma_start3A_184 : memref<128xi32, #tpu.memory_space<vmem>>) semaphore(%arg11 : memref<!tpu.dma_semaphore, #tpu.memory_space<semaphore_mem>>) {add = true}
      %mul3A_188 = arith.constant 4 : i32
      %mul3A_189 = arith.muli %add3A_119, %mul3A_188 : i32
      %add3A_190 = arith.constant 3 : i32
      %add3A_191 = arith.addi %mul3A_189, %add3A_190 : i32
      %dma_start3A_192 = arith.constant 0 : i32
      %dma_start3A_193 = arith.constant 384 : i32
      %dma_start3A_194 = arith.constant 0 : i32
      %dma_start3A_195 = tpu.memref_slice %arg8[%dma_start3A_192, %dma_start3A_193, %dma_start3A_194] : memref<2x512x64xf32, #tpu.memory_space<vmem>> -> memref<1x128x64xf32, #tpu.memory_space<vmem>>
      %dma_start3A_196 = tpu.memref_squeeze %dma_start3A_195 : memref<1x128x64xf32, #tpu.memory_space<vmem>> -> memref<128x64xf32, #tpu.memory_space<vmem>>
      %dma_start3A_197 = arith.constant 0 : i32
      %dma_start3A_198 = tpu.memref_slice %arg7[%add3A_191, %dma_start3A_197] : memref<80x128xi32, #tpu.memory_space<vmem>> -> memref<1x128xi32, #tpu.memory_space<vmem>>
      %dma_start3A_199 = tpu.memref_squeeze %dma_start3A_198 : memref<1x128xi32, #tpu.memory_space<vmem>> -> memref<128xi32, #tpu.memory_space<vmem>>
      %dma_start3A_200 = arith.constant 0 : i32
      %dma_start3A_201 = arith.constant 0 : i32
      %dma_start3A_202 = tpu.memref_slice %arg9[%dma_start3A_200, %dma_start3A_201] : memref<10112x64xf32, #tpu.memory_space<vmem_shared>> -> memref<10112x64xf32, #tpu.memory_space<vmem_shared>>
      tpu.enqueue_indirect_dma source(%dma_start3A_196 : memref<128x64xf32, #tpu.memory_space<vmem>>) target(%dma_start3A_202 : memref<10112x64xf32, #tpu.memory_space<vmem_shared>>) offsets(%dma_start3A_199 : memref<128xi32, #tpu.memory_space<vmem>>) semaphore(%arg11 : memref<!tpu.dma_semaphore, #tpu.memory_space<semaphore_mem>>) {add = true}
      %add3A_203 = arith.constant 1 : i32
      %add3A_204 = arith.addi %add3A_117, %add3A_203 : i32
      %dma_wait3A_205 = arith.constant 1 : i32
      %dma_wait3A_206 = arith.constant 0 : i32
      %dma_wait3A_207 = arith.constant 0 : i32
      %dma_wait3A_208 = tpu.memref_slice %arg8[%dma_wait3A_205, %dma_wait3A_206, %dma_wait3A_207] : memref<2x512x64xf32, #tpu.memory_space<vmem>> -> memref<1x512x64xf32, #tpu.memory_space<vmem>>
      %dma_wait3A_209 = tpu.memref_squeeze %dma_wait3A_208 : memref<1x512x64xf32, #tpu.memory_space<vmem>> -> memref<512x64xf32, #tpu.memory_space<vmem>>
      %dma_wait3A_210 = arith.constant 0 : i32
      %dma_wait3A_211 = arith.constant 0 : i32
      %dma_wait3A_212 = tpu.memref_slice %arg2[%dma_wait3A_210, %dma_wait3A_211] : memref<20000x64xf32, #tpu.memory_space<hbm>> -> memref<512x64xf32, #tpu.memory_space<hbm>>
      %dma_wait3A_213 = arith.constant 0 : i32
      %dma_wait3A_214 = arith.constant 0 : i32
      %dma_wait3A_215 = tpu.memref_slice %arg8[%dma_wait3A_205, %dma_wait3A_213, %dma_wait3A_214] : memref<2x512x64xf32, #tpu.memory_space<vmem>> -> memref<1x512x64xf32, #tpu.memory_space<vmem>>
      %dma_wait3A_216 = tpu.memref_squeeze %dma_wait3A_215 : memref<1x512x64xf32, #tpu.memory_space<vmem>> -> memref<512x64xf32, #tpu.memory_space<vmem>>
      %dma_wait3A_217 = arith.constant 0 : i32
      %dma_wait3A_218 = arith.constant 0 : i32
      %dma_wait3A_219 = tpu.memref_slice %arg2[%dma_wait3A_217, %dma_wait3A_218] : memref<20000x64xf32, #tpu.memory_space<hbm>> -> memref<512x64xf32, #tpu.memory_space<hbm>>
      tpu.wait_dma2 semaphore(%arg10 : memref<!tpu.dma_semaphore, #tpu.memory_space<semaphore_mem>>) src(%dma_wait3A_219 : memref<512x64xf32, #tpu.memory_space<hbm>>) dst(%dma_wait3A_216 : memref<512x64xf32, #tpu.memory_space<vmem>>)
      %gt3A_220 = arith.constant 0 : i32
      %gt3A_221 = arith.cmpi sgt, %add3A_204, %gt3A_220 : i32
      %convert_element_type3A_222 = arith.extui %gt3A_221 : i1 to i32
      %cond3A_223 = arith.constant 0 : i32
      %cond3A_224 = arith.cmpi ne, %convert_element_type3A_222, %cond3A_223 : i32
      scf.if %cond3A_224 {
        %dma_wait3A_292 = arith.constant 0 : i32
        %dma_wait3A_293 = arith.constant 0 : i32
        %dma_wait3A_294 = arith.constant 0 : i32
        %dma_wait3A_295 = tpu.memref_slice %arg8[%dma_wait3A_292, %dma_wait3A_293, %dma_wait3A_294] : memref<2x512x64xf32, #tpu.memory_space<vmem>> -> memref<1x512x64xf32, #tpu.memory_space<vmem>>
        %dma_wait3A_296 = tpu.memref_squeeze %dma_wait3A_295 : memref<1x512x64xf32, #tpu.memory_space<vmem>> -> memref<512x64xf32, #tpu.memory_space<vmem>>
        %dma_wait3A_297 = arith.constant 0 : i32
        %dma_wait3A_298 = arith.constant 0 : i32
        %dma_wait3A_299 = tpu.memref_slice %arg2[%dma_wait3A_297, %dma_wait3A_298] : memref<20000x64xf32, #tpu.memory_space<hbm>> -> memref<512x64xf32, #tpu.memory_space<hbm>>
        %dma_wait3A_300 = arith.constant 0 : i32
        %dma_wait3A_301 = arith.constant 0 : i32
        %dma_wait3A_302 = tpu.memref_slice %arg8[%dma_wait3A_292, %dma_wait3A_300, %dma_wait3A_301] : memref<2x512x64xf32, #tpu.memory_space<vmem>> -> memref<1x512x64xf32, #tpu.memory_space<vmem>>
        %dma_wait3A_303 = tpu.memref_squeeze %dma_wait3A_302 : memref<1x512x64xf32, #tpu.memory_space<vmem>> -> memref<512x64xf32, #tpu.memory_space<vmem>>
        %dma_wait3A_304 = arith.constant 0 : i32
        %dma_wait3A_305 = arith.constant 0 : i32
        %dma_wait3A_306 = tpu.memref_slice %arg2[%dma_wait3A_304, %dma_wait3A_305] : memref<20000x64xf32, #tpu.memory_space<hbm>> -> memref<512x64xf32, #tpu.memory_space<hbm>>
        tpu.wait_dma2 semaphore(%arg11 : memref<!tpu.dma_semaphore, #tpu.memory_space<semaphore_mem>>) src(%dma_wait3A_306 : memref<512x64xf32, #tpu.memory_space<hbm>>) dst(%dma_wait3A_303 : memref<512x64xf32, #tpu.memory_space<vmem>>)
      } else {
      }
      %add3A_225 = arith.constant 1 : i32
      %add3A_226 = arith.addi %add3A_204, %add3A_225 : i32
      %lt3A_227 = arith.constant 20 : i32
      %lt3A_228 = arith.cmpi slt, %add3A_226, %lt3A_227 : i32
      %convert_element_type3A_229 = arith.extui %lt3A_228 : i1 to i32
      %cond3A_230 = arith.constant 0 : i32
      %cond3A_231 = arith.cmpi ne, %convert_element_type3A_229, %cond3A_230 : i32
      scf.if %cond3A_231 {
        %add3A_292 = arith.constant 1 : i32
        %add3A_293 = arith.addi %add3A_204, %add3A_292 : i32
        %mul3A_294 = arith.constant 4 : i32
        %mul3A_295 = arith.muli %add3A_293, %mul3A_294 : i32
        %add3A_296 = arith.constant 0 : i32
        %add3A_297 = arith.addi %mul3A_295, %add3A_296 : i32
        %dma_start3A_298 = arith.constant 0 : i32
        %dma_start3A_299 = arith.constant 0 : i32
        %dma_start3A_300 = arith.constant 0 : i32
        %dma_start3A_301 = tpu.memref_slice %arg8[%dma_start3A_298, %dma_start3A_299, %dma_start3A_300] : memref<2x512x64xf32, #tpu.memory_space<vmem>> -> memref<1x128x64xf32, #tpu.memory_space<vmem>>
        %dma_start3A_302 = tpu.memref_squeeze %dma_start3A_301 : memref<1x128x64xf32, #tpu.memory_space<vmem>> -> memref<128x64xf32, #tpu.memory_space<vmem>>
        %dma_start3A_303 = arith.constant 0 : i32
        %dma_start3A_304 = tpu.memref_slice %arg6[%add3A_297, %dma_start3A_303] : memref<80x128xi32, #tpu.memory_space<vmem>> -> memref<1x128xi32, #tpu.memory_space<vmem>>
        %dma_start3A_305 = tpu.memref_squeeze %dma_start3A_304 : memref<1x128xi32, #tpu.memory_space<vmem>> -> memref<128xi32, #tpu.memory_space<vmem>>
        %dma_start3A_306 = arith.constant 0 : i32
        %dma_start3A_307 = arith.constant 0 : i32
        %dma_start3A_308 = tpu.memref_slice %arg2[%dma_start3A_306, %dma_start3A_307] : memref<20000x64xf32, #tpu.memory_space<hbm>> -> memref<20000x64xf32, #tpu.memory_space<hbm>>
        tpu.enqueue_indirect_dma source(%dma_start3A_308 : memref<20000x64xf32, #tpu.memory_space<hbm>>) target(%dma_start3A_302 : memref<128x64xf32, #tpu.memory_space<vmem>>) offsets(%dma_start3A_305 : memref<128xi32, #tpu.memory_space<vmem>>) semaphore(%arg10 : memref<!tpu.dma_semaphore, #tpu.memory_space<semaphore_mem>>)
        %mul3A_309 = arith.constant 4 : i32
        %mul3A_310 = arith.muli %add3A_293, %mul3A_309 : i32
        %add3A_311 = arith.constant 1 : i32
        %add3A_312 = arith.addi %mul3A_310, %add3A_311 : i32
        %dma_start3A_313 = arith.constant 0 : i32
        %dma_start3A_314 = arith.constant 128 : i32
        %dma_start3A_315 = arith.constant 0 : i32
        %dma_start3A_316 = tpu.memref_slice %arg8[%dma_start3A_313, %dma_start3A_314, %dma_start3A_315] : memref<2x512x64xf32, #tpu.memory_space<vmem>> -> memref<1x128x64xf32, #tpu.memory_space<vmem>>
        %dma_start3A_317 = tpu.memref_squeeze %dma_start3A_316 : memref<1x128x64xf32, #tpu.memory_space<vmem>> -> memref<128x64xf32, #tpu.memory_space<vmem>>
        %dma_start3A_318 = arith.constant 0 : i32
        %dma_start3A_319 = tpu.memref_slice %arg6[%add3A_312, %dma_start3A_318] : memref<80x128xi32, #tpu.memory_space<vmem>> -> memref<1x128xi32, #tpu.memory_space<vmem>>
        %dma_start3A_320 = tpu.memref_squeeze %dma_start3A_319 : memref<1x128xi32, #tpu.memory_space<vmem>> -> memref<128xi32, #tpu.memory_space<vmem>>
        %dma_start3A_321 = arith.constant 0 : i32
        %dma_start3A_322 = arith.constant 0 : i32
        %dma_start3A_323 = tpu.memref_slice %arg2[%dma_start3A_321, %dma_start3A_322] : memref<20000x64xf32, #tpu.memory_space<hbm>> -> memref<20000x64xf32, #tpu.memory_space<hbm>>
        tpu.enqueue_indirect_dma source(%dma_start3A_323 : memref<20000x64xf32, #tpu.memory_space<hbm>>) target(%dma_start3A_317 : memref<128x64xf32, #tpu.memory_space<vmem>>) offsets(%dma_start3A_320 : memref<128xi32, #tpu.memory_space<vmem>>) semaphore(%arg10 : memref<!tpu.dma_semaphore, #tpu.memory_space<semaphore_mem>>)
        %mul3A_324 = arith.constant 4 : i32
        %mul3A_325 = arith.muli %add3A_293, %mul3A_324 : i32
        %add3A_326 = arith.constant 2 : i32
        %add3A_327 = arith.addi %mul3A_325, %add3A_326 : i32
        %dma_start3A_328 = arith.constant 0 : i32
        %dma_start3A_329 = arith.constant 256 : i32
        %dma_start3A_330 = arith.constant 0 : i32
        %dma_start3A_331 = tpu.memref_slice %arg8[%dma_start3A_328, %dma_start3A_329, %dma_start3A_330] : memref<2x512x64xf32, #tpu.memory_space<vmem>> -> memref<1x128x64xf32, #tpu.memory_space<vmem>>
        %dma_start3A_332 = tpu.memref_squeeze %dma_start3A_331 : memref<1x128x64xf32, #tpu.memory_space<vmem>> -> memref<128x64xf32, #tpu.memory_space<vmem>>
        %dma_start3A_333 = arith.constant 0 : i32
        %dma_start3A_334 = tpu.memref_slice %arg6[%add3A_327, %dma_start3A_333] : memref<80x128xi32, #tpu.memory_space<vmem>> -> memref<1x128xi32, #tpu.memory_space<vmem>>
        %dma_start3A_335 = tpu.memref_squeeze %dma_start3A_334 : memref<1x128xi32, #tpu.memory_space<vmem>> -> memref<128xi32, #tpu.memory_space<vmem>>
        %dma_start3A_336 = arith.constant 0 : i32
        %dma_start3A_337 = arith.constant 0 : i32
        %dma_start3A_338 = tpu.memref_slice %arg2[%dma_start3A_336, %dma_start3A_337] : memref<20000x64xf32, #tpu.memory_space<hbm>> -> memref<20000x64xf32, #tpu.memory_space<hbm>>
        tpu.enqueue_indirect_dma source(%dma_start3A_338 : memref<20000x64xf32, #tpu.memory_space<hbm>>) target(%dma_start3A_332 : memref<128x64xf32, #tpu.memory_space<vmem>>) offsets(%dma_start3A_335 : memref<128xi32, #tpu.memory_space<vmem>>) semaphore(%arg10 : memref<!tpu.dma_semaphore, #tpu.memory_space<semaphore_mem>>)
        %mul3A_339 = arith.constant 4 : i32
        %mul3A_340 = arith.muli %add3A_293, %mul3A_339 : i32
        %add3A_341 = arith.constant 3 : i32
        %add3A_342 = arith.addi %mul3A_340, %add3A_341 : i32
        %dma_start3A_343 = arith.constant 0 : i32
        %dma_start3A_344 = arith.constant 384 : i32
        %dma_start3A_345 = arith.constant 0 : i32
        %dma_start3A_346 = tpu.memref_slice %arg8[%dma_start3A_343, %dma_start3A_344, %dma_start3A_345] : memref<2x512x64xf32, #tpu.memory_space<vmem>> -> memref<1x128x64xf32, #tpu.memory_space<vmem>>
        %dma_start3A_347 = tpu.memref_squeeze %dma_start3A_346 : memref<1x128x64xf32, #tpu.memory_space<vmem>> -> memref<128x64xf32, #tpu.memory_space<vmem>>
        %dma_start3A_348 = arith.constant 0 : i32
        %dma_start3A_349 = tpu.memref_slice %arg6[%add3A_342, %dma_start3A_348] : memref<80x128xi32, #tpu.memory_space<vmem>> -> memref<1x128xi32, #tpu.memory_space<vmem>>
        %dma_start3A_350 = tpu.memref_squeeze %dma_start3A_349 : memref<1x128xi32, #tpu.memory_space<vmem>> -> memref<128xi32, #tpu.memory_space<vmem>>
        %dma_start3A_351 = arith.constant 0 : i32
        %dma_start3A_352 = arith.constant 0 : i32
        %dma_start3A_353 = tpu.memref_slice %arg2[%dma_start3A_351, %dma_start3A_352] : memref<20000x64xf32, #tpu.memory_space<hbm>> -> memref<20000x64xf32, #tpu.memory_space<hbm>>
        tpu.enqueue_indirect_dma source(%dma_start3A_353 : memref<20000x64xf32, #tpu.memory_space<hbm>>) target(%dma_start3A_347 : memref<128x64xf32, #tpu.memory_space<vmem>>) offsets(%dma_start3A_350 : memref<128xi32, #tpu.memory_space<vmem>>) semaphore(%arg10 : memref<!tpu.dma_semaphore, #tpu.memory_space<semaphore_mem>>)
      } else {
      }
      %mul3A_232 = arith.constant 4 : i32
      %mul3A_233 = arith.muli %add3A_204, %mul3A_232 : i32
      %add3A_234 = arith.constant 0 : i32
      %add3A_235 = arith.addi %mul3A_233, %add3A_234 : i32
      %dma_start3A_236 = arith.constant 1 : i32
      %dma_start3A_237 = arith.constant 0 : i32
      %dma_start3A_238 = arith.constant 0 : i32
      %dma_start3A_239 = tpu.memref_slice %arg8[%dma_start3A_236, %dma_start3A_237, %dma_start3A_238] : memref<2x512x64xf32, #tpu.memory_space<vmem>> -> memref<1x128x64xf32, #tpu.memory_space<vmem>>
      %dma_start3A_240 = tpu.memref_squeeze %dma_start3A_239 : memref<1x128x64xf32, #tpu.memory_space<vmem>> -> memref<128x64xf32, #tpu.memory_space<vmem>>
      %dma_start3A_241 = arith.constant 0 : i32
      %dma_start3A_242 = tpu.memref_slice %arg7[%add3A_235, %dma_start3A_241] : memref<80x128xi32, #tpu.memory_space<vmem>> -> memref<1x128xi32, #tpu.memory_space<vmem>>
      %dma_start3A_243 = tpu.memref_squeeze %dma_start3A_242 : memref<1x128xi32, #tpu.memory_space<vmem>> -> memref<128xi32, #tpu.memory_space<vmem>>
      %dma_start3A_244 = arith.constant 0 : i32
      %dma_start3A_245 = arith.constant 0 : i32
      %dma_start3A_246 = tpu.memref_slice %arg9[%dma_start3A_244, %dma_start3A_245] : memref<10112x64xf32, #tpu.memory_space<vmem_shared>> -> memref<10112x64xf32, #tpu.memory_space<vmem_shared>>
      tpu.enqueue_indirect_dma source(%dma_start3A_240 : memref<128x64xf32, #tpu.memory_space<vmem>>) target(%dma_start3A_246 : memref<10112x64xf32, #tpu.memory_space<vmem_shared>>) offsets(%dma_start3A_243 : memref<128xi32, #tpu.memory_space<vmem>>) semaphore(%arg11 : memref<!tpu.dma_semaphore, #tpu.memory_space<semaphore_mem>>) {add = true}
      %mul3A_247 = arith.constant 4 : i32
      %mul3A_248 = arith.muli %add3A_204, %mul3A_247 : i32
      %add3A_249 = arith.constant 1 : i32
      %add3A_250 = arith.addi %mul3A_248, %add3A_249 : i32
      %dma_start3A_251 = arith.constant 1 : i32
      %dma_start3A_252 = arith.constant 128 : i32
      %dma_start3A_253 = arith.constant 0 : i32
      %dma_start3A_254 = tpu.memref_slice %arg8[%dma_start3A_251, %dma_start3A_252, %dma_start3A_253] : memref<2x512x64xf32, #tpu.memory_space<vmem>> -> memref<1x128x64xf32, #tpu.memory_space<vmem>>
      %dma_start3A_255 = tpu.memref_squeeze %dma_start3A_254 : memref<1x128x64xf32, #tpu.memory_space<vmem>> -> memref<128x64xf32, #tpu.memory_space<vmem>>
      %dma_start3A_256 = arith.constant 0 : i32
      %dma_start3A_257 = tpu.memref_slice %arg7[%add3A_250, %dma_start3A_256] : memref<80x128xi32, #tpu.memory_space<vmem>> -> memref<1x128xi32, #tpu.memory_space<vmem>>
      %dma_start3A_258 = tpu.memref_squeeze %dma_start3A_257 : memref<1x128xi32, #tpu.memory_space<vmem>> -> memref<128xi32, #tpu.memory_space<vmem>>
      %dma_start3A_259 = arith.constant 0 : i32
      %dma_start3A_260 = arith.constant 0 : i32
      %dma_start3A_261 = tpu.memref_slice %arg9[%dma_start3A_259, %dma_start3A_260] : memref<10112x64xf32, #tpu.memory_space<vmem_shared>> -> memref<10112x64xf32, #tpu.memory_space<vmem_shared>>
      tpu.enqueue_indirect_dma source(%dma_start3A_255 : memref<128x64xf32, #tpu.memory_space<vmem>>) target(%dma_start3A_261 : memref<10112x64xf32, #tpu.memory_space<vmem_shared>>) offsets(%dma_start3A_258 : memref<128xi32, #tpu.memory_space<vmem>>) semaphore(%arg11 : memref<!tpu.dma_semaphore, #tpu.memory_space<semaphore_mem>>) {add = true}
      %mul3A_262 = arith.constant 4 : i32
      %mul3A_263 = arith.muli %add3A_204, %mul3A_262 : i32
      %add3A_264 = arith.constant 2 : i32
      %add3A_265 = arith.addi %mul3A_263, %add3A_264 : i32
      %dma_start3A_266 = arith.constant 1 : i32
      %dma_start3A_267 = arith.constant 256 : i32
      %dma_start3A_268 = arith.constant 0 : i32
      %dma_start3A_269 = tpu.memref_slice %arg8[%dma_start3A_266, %dma_start3A_267, %dma_start3A_268] : memref<2x512x64xf32, #tpu.memory_space<vmem>> -> memref<1x128x64xf32, #tpu.memory_space<vmem>>
      %dma_start3A_270 = tpu.memref_squeeze %dma_start3A_269 : memref<1x128x64xf32, #tpu.memory_space<vmem>> -> memref<128x64xf32, #tpu.memory_space<vmem>>
      %dma_start3A_271 = arith.constant 0 : i32
      %dma_start3A_272 = tpu.memref_slice %arg7[%add3A_265, %dma_start3A_271] : memref<80x128xi32, #tpu.memory_space<vmem>> -> memref<1x128xi32, #tpu.memory_space<vmem>>
      %dma_start3A_273 = tpu.memref_squeeze %dma_start3A_272 : memref<1x128xi32, #tpu.memory_space<vmem>> -> memref<128xi32, #tpu.memory_space<vmem>>
      %dma_start3A_274 = arith.constant 0 : i32
      %dma_start3A_275 = arith.constant 0 : i32
      %dma_start3A_276 = tpu.memref_slice %arg9[%dma_start3A_274, %dma_start3A_275] : memref<10112x64xf32, #tpu.memory_space<vmem_shared>> -> memref<10112x64xf32, #tpu.memory_space<vmem_shared>>
      tpu.enqueue_indirect_dma source(%dma_start3A_270 : memref<128x64xf32, #tpu.memory_space<vmem>>) target(%dma_start3A_276 : memref<10112x64xf32, #tpu.memory_space<vmem_shared>>) offsets(%dma_start3A_273 : memref<128xi32, #tpu.memory_space<vmem>>) semaphore(%arg11 : memref<!tpu.dma_semaphore, #tpu.memory_space<semaphore_mem>>) {add = true}
      %mul3A_277 = arith.constant 4 : i32
      %mul3A_278 = arith.muli %add3A_204, %mul3A_277 : i32
      %add3A_279 = arith.constant 3 : i32
      %add3A_280 = arith.addi %mul3A_278, %add3A_279 : i32
      %dma_start3A_281 = arith.constant 1 : i32
      %dma_start3A_282 = arith.constant 384 : i32
      %dma_start3A_283 = arith.constant 0 : i32
      %dma_start3A_284 = tpu.memref_slice %arg8[%dma_start3A_281, %dma_start3A_282, %dma_start3A_283] : memref<2x512x64xf32, #tpu.memory_space<vmem>> -> memref<1x128x64xf32, #tpu.memory_space<vmem>>
      %dma_start3A_285 = tpu.memref_squeeze %dma_start3A_284 : memref<1x128x64xf32, #tpu.memory_space<vmem>> -> memref<128x64xf32, #tpu.memory_space<vmem>>
      %dma_start3A_286 = arith.constant 0 : i32
      %dma_start3A_287 = tpu.memref_slice %arg7[%add3A_280, %dma_start3A_286] : memref<80x128xi32, #tpu.memory_space<vmem>> -> memref<1x128xi32, #tpu.memory_space<vmem>>
      %dma_start3A_288 = tpu.memref_squeeze %dma_start3A_287 : memref<1x128xi32, #tpu.memory_space<vmem>> -> memref<128xi32, #tpu.memory_space<vmem>>
      %dma_start3A_289 = arith.constant 0 : i32
      %dma_start3A_290 = arith.constant 0 : i32
      %dma_start3A_291 = tpu.memref_slice %arg9[%dma_start3A_289, %dma_start3A_290] : memref<10112x64xf32, #tpu.memory_space<vmem_shared>> -> memref<10112x64xf32, #tpu.memory_space<vmem_shared>>
      tpu.enqueue_indirect_dma source(%dma_start3A_285 : memref<128x64xf32, #tpu.memory_space<vmem>>) target(%dma_start3A_291 : memref<10112x64xf32, #tpu.memory_space<vmem_shared>>) offsets(%dma_start3A_288 : memref<128xi32, #tpu.memory_space<vmem>>) semaphore(%arg11 : memref<!tpu.dma_semaphore, #tpu.memory_space<semaphore_mem>>) {add = true}
    }
    %scan3A_92 = arith.constant 10 : i32
    %dma_wait3A_93 = arith.constant 1 : i32
    %dma_wait3A_94 = arith.constant 0 : i32
    %dma_wait3A_95 = arith.constant 0 : i32
    %dma_wait3A_96 = tpu.memref_slice %arg8[%dma_wait3A_93, %dma_wait3A_94, %dma_wait3A_95] : memref<2x512x64xf32, #tpu.memory_space<vmem>> -> memref<1x512x64xf32, #tpu.memory_space<vmem>>
    %dma_wait3A_97 = tpu.memref_squeeze %dma_wait3A_96 : memref<1x512x64xf32, #tpu.memory_space<vmem>> -> memref<512x64xf32, #tpu.memory_space<vmem>>
    %dma_wait3A_98 = arith.constant 0 : i32
    %dma_wait3A_99 = arith.constant 0 : i32
    %dma_wait3A_100 = tpu.memref_slice %arg2[%dma_wait3A_98, %dma_wait3A_99] : memref<20000x64xf32, #tpu.memory_space<hbm>> -> memref<512x64xf32, #tpu.memory_space<hbm>>
    %dma_wait3A_101 = arith.constant 0 : i32
    %dma_wait3A_102 = arith.constant 0 : i32
    %dma_wait3A_103 = tpu.memref_slice %arg8[%dma_wait3A_93, %dma_wait3A_101, %dma_wait3A_102] : memref<2x512x64xf32, #tpu.memory_space<vmem>> -> memref<1x512x64xf32, #tpu.memory_space<vmem>>
    %dma_wait3A_104 = tpu.memref_squeeze %dma_wait3A_103 : memref<1x512x64xf32, #tpu.memory_space<vmem>> -> memref<512x64xf32, #tpu.memory_space<vmem>>
    %dma_wait3A_105 = arith.constant 0 : i32
    %dma_wait3A_106 = arith.constant 0 : i32
    %dma_wait3A_107 = tpu.memref_slice %arg2[%dma_wait3A_105, %dma_wait3A_106] : memref<20000x64xf32, #tpu.memory_space<hbm>> -> memref<512x64xf32, #tpu.memory_space<hbm>>
    tpu.wait_dma2 semaphore(%arg11 : memref<!tpu.dma_semaphore, #tpu.memory_space<semaphore_mem>>) src(%dma_wait3A_107 : memref<512x64xf32, #tpu.memory_space<hbm>>) dst(%dma_wait3A_104 : memref<512x64xf32, #tpu.memory_space<vmem>>)
    %barrier3A_108 = arith.constant 0 : index
    tpu.barrier barrier_id(%barrier3A_108)
    %mul3A_109 = arith.constant 632 : i32
    %mul3A_110 = arith.muli %arg1, %mul3A_109 : i32
    %mul3A_111 = arith.constant 632 : i32
    %mul3A_112 = arith.muli %arg1, %mul3A_111 : i32
    "tpu.region"() ({
      %run_scoped3A = tpu.sem_alloc : memref<!tpu.dma_semaphore, #tpu.memory_space<semaphore_mem>>
      %dma_start3A_113 = arith.constant 0 : i32
      %dma_start3A_114 = tpu.memref_slice %arg5[%arg0, %mul3A_112, %dma_start3A_113] : memref<2x10112x128xf32, #tpu.memory_space<hbm>> -> memref<1x632x64xf32, #tpu.memory_space<hbm>>
      %dma_start3A_115 = tpu.memref_squeeze %dma_start3A_114 : memref<1x632x64xf32, #tpu.memory_space<hbm>> -> memref<632x64xf32, #tpu.memory_space<hbm>>
      %dma_start3A_116 = arith.constant 0 : i32
      %dma_start3A_117 = tpu.memref_slice %arg9[%mul3A_110, %dma_start3A_116] : memref<10112x64xf32, #tpu.memory_space<vmem_shared>> -> memref<632x64xf32, #tpu.memory_space<vmem_shared>>
      tpu.enqueue_dma source(%dma_start3A_117 : memref<632x64xf32, #tpu.memory_space<vmem_shared>>) target(%dma_start3A_115 : memref<632x64xf32, #tpu.memory_space<hbm>>) target_semaphore(%run_scoped3A : memref<!tpu.dma_semaphore, #tpu.memory_space<semaphore_mem>>)
      %dma_wait3A_118 = arith.constant 0 : i32
      %dma_wait3A_119 = tpu.memref_slice %arg5[%arg0, %mul3A_112, %dma_wait3A_118] : memref<2x10112x128xf32, #tpu.memory_space<hbm>> -> memref<1x632x64xf32, #tpu.memory_space<hbm>>
      %dma_wait3A_120 = tpu.memref_squeeze %dma_wait3A_119 : memref<1x632x64xf32, #tpu.memory_space<hbm>> -> memref<632x64xf32, #tpu.memory_space<hbm>>
      %dma_wait3A_121 = arith.constant 0 : i32
      %dma_wait3A_122 = tpu.memref_slice %arg9[%mul3A_110, %dma_wait3A_121] : memref<10112x64xf32, #tpu.memory_space<vmem_shared>> -> memref<632x64xf32, #tpu.memory_space<vmem_shared>>
      tpu.wait_dma2 semaphore(%run_scoped3A : memref<!tpu.dma_semaphore, #tpu.memory_space<semaphore_mem>>) src(%dma_wait3A_122 : memref<632x64xf32, #tpu.memory_space<vmem_shared>>) dst(%dma_wait3A_120 : memref<632x64xf32, #tpu.memory_space<hbm>>)
      tpu.yield
    }) : () -> ()
    return
  }
}

module attributes {stable_mosaic.version = 14 : i64} {
  func.func @body(%arg0: i32, %arg1: memref<10000x128xf32, #tpu.memory_space<vmem>>, %arg2: memref<128x128xf32, #tpu.memory_space<vmem>>, %arg3: memref<10000x128xf32, #tpu.memory_space<vmem>>) attributes {dimension_semantics = [#tpu.dimension_semantics<arbitrary>], iteration_bounds = array<i64: 1>, scalar_prefetch = 0 : i64, scratch_operands = 0 : i64, tpu.core_type = #tpu.core_type<tc>, window_params = [{transform_indices = @transform_0, window_bounds = array<i64: 10000, 128>}, {pipeline_mode = #tpu.pipeline_mode<synchronous>, transform_indices = @transform_1, window_bounds = array<i64: 128, 128>}, {transform_indices = @transform_2, window_bounds = array<i64: 10000, 128>}]} {
    %get3A = arith.constant 0 : index
    %get3A_0 = arith.constant 0 : index
    %get3A_1 = vector.load %arg1[%get3A, %get3A_0] : memref<10000x128xf32, #tpu.memory_space<vmem>>, vector<10000x128xf32>
    %get3A_2 = arith.constant 0 : index
    %get3A_3 = arith.constant 0 : index
    %get3A_4 = vector.load %arg2[%get3A_2, %get3A_3] : memref<128x128xf32, #tpu.memory_space<vmem>>, vector<128x128xf32>
    %dot_general3A = arith.constant dense<0.000000e+00> : vector<10000x128xf32>
    %dot_general3A_5 = tpu.matmul %get3A_1, %get3A_4, %dot_general3A {dimension_numbers = #tpu.dot_dimension_numbers<[1], [0], [0], [1], [0, 0, 1, 1], [], []>, transpose_lhs_hint = false} : vector<10000x128xf32>, vector<128x128xf32>, vector<10000x128xf32> -> vector<10000x128xf32>
    %swap3A = arith.constant 0 : index
    %swap3A_6 = arith.constant 0 : index
    %swap3A_7 = vector.load %arg3[%swap3A, %swap3A_6] : memref<10000x128xf32, #tpu.memory_space<vmem>>, vector<10000x128xf32>
    tpu.vector_store %arg3[%swap3A, %swap3A_6], %dot_general3A_5 {strides = array<i32>} : memref<10000x128xf32, #tpu.memory_space<vmem>>, vector<10000x128xf32>,
    return
  }
  func.func @transform_0(%arg0: i32) -> (i32, i32) {
    %c0_i32 = arith.constant 0 : i32
    %c0_i32_0 = arith.constant 0 : i32
    return %arg0, %c0_i32 : i32, i32
  }
  func.func @transform_1(%arg0: i32) -> (i32, i32) {
    %c0_i32 = arith.constant 0 : i32
    %c0_i32_0 = arith.constant 0 : i32
    %c0_i32_1 = arith.constant 0 : i32
    return %c0_i32, %c0_i32_0 : i32, i32
  }
  func.func @transform_2(%arg0: i32) -> (i32, i32) {
    %c0_i32 = arith.constant 0 : i32
    %c0_i32_0 = arith.constant 0 : i32
    return %arg0, %c0_i32 : i32, i32
  }
}

module attributes {stable_mosaic.version = 14 : i64} {
  func.func @body(%arg0: i32, %arg1: memref<1000x128xf32, #tpu.memory_space<vmem>>, %arg2: memref<128x64xf32, #tpu.memory_space<vmem>>, %arg3: memref<128x64xf32, #tpu.memory_space<vmem>>, %arg4: memref<128x64xf32, #tpu.memory_space<vmem>>, %arg5: memref<1x64xf32, #tpu.memory_space<vmem>>, %arg6: memref<1x64xf32, #tpu.memory_space<vmem>>, %arg7: memref<1x64xf32, #tpu.memory_space<vmem>>, %arg8: memref<1x64xf32, #tpu.memory_space<vmem>>, %arg9: memref<1000x64xf32, #tpu.memory_space<vmem>>) attributes {dimension_semantics = [#tpu.dimension_semantics<arbitrary>], iteration_bounds = array<i64: 10>, scalar_prefetch = 0 : i64, scratch_operands = 0 : i64, tpu.core_type = #tpu.core_type<tc>, window_params = [{transform_indices = @transform_0, window_bounds = array<i64: 1000, 128>}, {pipeline_mode = #tpu.pipeline_mode<synchronous>, transform_indices = @transform_1, window_bounds = array<i64: 128, 64>}, {pipeline_mode = #tpu.pipeline_mode<synchronous>, transform_indices = @transform_2, window_bounds = array<i64: 128, 64>}, {pipeline_mode = #tpu.pipeline_mode<synchronous>, transform_indices = @transform_3, window_bounds = array<i64: 128, 64>}, {pipeline_mode = #tpu.pipeline_mode<synchronous>, transform_indices = @transform_4, window_bounds = array<i64: 1, 64>}, {pipeline_mode = #tpu.pipeline_mode<synchronous>, transform_indices = @transform_5, window_bounds = array<i64: 1, 64>}, {pipeline_mode = #tpu.pipeline_mode<synchronous>, transform_indices = @transform_6, window_bounds = array<i64: 1, 64>}, {pipeline_mode = #tpu.pipeline_mode<synchronous>, transform_indices = @transform_7, window_bounds = array<i64: 1, 64>}, {transform_indices = @transform_8, window_bounds = array<i64: 1000, 64>}]} {
    %get3A = arith.constant 0 : index
    %get3A_0 = arith.constant 0 : index
    %get3A_1 = vector.load %arg1[%get3A, %get3A_0] : memref<1000x128xf32, #tpu.memory_space<vmem>>, vector<1000x128xf32>
    %get3A_2 = arith.constant 0 : index
    %get3A_3 = arith.constant 0 : index
    %get3A_4 = vector.load %arg2[%get3A_2, %get3A_3] : memref<128x64xf32, #tpu.memory_space<vmem>>, vector<128x64xf32>
    %dot_general3A = arith.constant dense<0.000000e+00> : vector<1000x64xf32>
    %dot_general3A_5 = tpu.matmul %get3A_1, %get3A_4, %dot_general3A {dimension_numbers = #tpu.dot_dimension_numbers<[1], [0], [0], [1], [0, 0, 1, 1], [], []>, transpose_lhs_hint = false} : vector<1000x128xf32>, vector<128x64xf32>, vector<1000x64xf32> -> vector<1000x64xf32>
    %get3A_6 = arith.constant 0 : index
    %get3A_7 = arith.constant 0 : index
    %get3A_8 = vector.load %arg5[%get3A_6, %get3A_7] : memref<1x64xf32, #tpu.memory_space<vmem>>, vector<1x64xf32>
    %add3A = vector.broadcast %get3A_8 : vector<1x64xf32> to vector<1000x64xf32>
    %add3A_9 = arith.addf %dot_general3A_5, %add3A : vector<1000x64xf32>
    %get3A_10 = arith.constant 0 : index
    %get3A_11 = arith.constant 0 : index
    %get3A_12 = vector.load %arg3[%get3A_10, %get3A_11] : memref<128x64xf32, #tpu.memory_space<vmem>>, vector<128x64xf32>
    %dot_general3A_13 = arith.constant dense<0.000000e+00> : vector<1000x64xf32>
    %dot_general3A_14 = tpu.matmul %get3A_1, %get3A_12, %dot_general3A_13 {dimension_numbers = #tpu.dot_dimension_numbers<[1], [0], [0], [1], [0, 0, 1, 1], [], []>, transpose_lhs_hint = false} : vector<1000x128xf32>, vector<128x64xf32>, vector<1000x64xf32> -> vector<1000x64xf32>
    %get3A_15 = arith.constant 0 : index
    %get3A_16 = arith.constant 0 : index
    %get3A_17 = vector.load %arg6[%get3A_15, %get3A_16] : memref<1x64xf32, #tpu.memory_space<vmem>>, vector<1x64xf32>
    %add3A_18 = vector.broadcast %get3A_17 : vector<1x64xf32> to vector<1000x64xf32>
    %add3A_19 = arith.addf %dot_general3A_14, %add3A_18 : vector<1000x64xf32>
    %get3A_20 = arith.constant 0 : index
    %get3A_21 = arith.constant 0 : index
    %get3A_22 = vector.load %arg4[%get3A_20, %get3A_21] : memref<128x64xf32, #tpu.memory_space<vmem>>, vector<128x64xf32>
    %dot_general3A_23 = arith.constant dense<0.000000e+00> : vector<1000x64xf32>
    %dot_general3A_24 = tpu.matmul %get3A_1, %get3A_22, %dot_general3A_23 {dimension_numbers = #tpu.dot_dimension_numbers<[1], [0], [0], [1], [0, 0, 1, 1], [], []>, transpose_lhs_hint = false} : vector<1000x128xf32>, vector<128x64xf32>, vector<1000x64xf32> -> vector<1000x64xf32>
    %get3A_25 = arith.constant 0 : index
    %get3A_26 = arith.constant 0 : index
    %get3A_27 = vector.load %arg7[%get3A_25, %get3A_26] : memref<1x64xf32, #tpu.memory_space<vmem>>, vector<1x64xf32>
    %add3A_28 = vector.broadcast %get3A_27 : vector<1x64xf32> to vector<1000x64xf32>
    %add3A_29 = arith.addf %dot_general3A_24, %add3A_28 : vector<1000x64xf32>
    %mul3A = arith.mulf %add3A_19, %add3A_29 : vector<1000x64xf32>
    %add3A_30 = arith.addf %add3A_9, %mul3A : vector<1000x64xf32>
    %get3A_31 = arith.constant 0 : index
    %get3A_32 = arith.constant 0 : index
    %get3A_33 = vector.load %arg8[%get3A_31, %get3A_32] : memref<1x64xf32, #tpu.memory_space<vmem>>, vector<1x64xf32>
    %add3A_34 = vector.broadcast %get3A_33 : vector<1x64xf32> to vector<1000x64xf32>
    %add3A_35 = arith.addf %add3A_30, %add3A_34 : vector<1000x64xf32>
    %swap3A = arith.constant 0 : index
    %swap3A_36 = arith.constant 0 : index
    %swap3A_37 = vector.load %arg9[%swap3A, %swap3A_36] : memref<1000x64xf32, #tpu.memory_space<vmem>>, vector<1000x64xf32>
    tpu.vector_store %arg9[%swap3A, %swap3A_36], %add3A_35 {strides = array<i32>} : memref<1000x64xf32, #tpu.memory_space<vmem>>, vector<1000x64xf32>,
    return
  }
  func.func @transform_0(%arg0: i32) -> (i32, i32) {
    %c0_i32 = arith.constant 0 : i32
    %c0_i32_0 = arith.constant 0 : i32
    return %arg0, %c0_i32 : i32, i32
  }
  func.func @transform_1(%arg0: i32) -> (i32, i32) {
    %c0_i32 = arith.constant 0 : i32
    %c0_i32_0 = arith.constant 0 : i32
    %c0_i32_1 = arith.constant 0 : i32
    return %c0_i32, %c0_i32_0 : i32, i32
  }
  func.func @transform_2(%arg0: i32) -> (i32, i32) {
    %c0_i32 = arith.constant 0 : i32
    %c0_i32_0 = arith.constant 0 : i32
    %c0_i32_1 = arith.constant 0 : i32
    return %c0_i32, %c0_i32_0 : i32, i32
  }
  func.func @transform_3(%arg0: i32) -> (i32, i32) {
    %c0_i32 = arith.constant 0 : i32
    %c0_i32_0 = arith.constant 0 : i32
    %c0_i32_1 = arith.constant 0 : i32
    return %c0_i32, %c0_i32_0 : i32, i32
  }
  func.func @transform_4(%arg0: i32) -> (i32, i32) {
    %c0_i32 = arith.constant 0 : i32
    %c0_i32_0 = arith.constant 0 : i32
    %c0_i32_1 = arith.constant 0 : i32
    return %c0_i32, %c0_i32_0 : i32, i32
  }
  func.func @transform_5(%arg0: i32) -> (i32, i32) {
    %c0_i32 = arith.constant 0 : i32
    %c0_i32_0 = arith.constant 0 : i32
    %c0_i32_1 = arith.constant 0 : i32
    return %c0_i32, %c0_i32_0 : i32, i32
  }
  func.func @transform_6(%arg0: i32) -> (i32, i32) {
    %c0_i32 = arith.constant 0 : i32
    %c0_i32_0 = arith.constant 0 : i32
    %c0_i32_1 = arith.constant 0 : i32
    return %c0_i32, %c0_i32_0 : i32, i32
  }
  func.func @transform_7(%arg0: i32) -> (i32, i32) {
    %c0_i32 = arith.constant 0 : i32
    %c0_i32_0 = arith.constant 0 : i32
    %c0_i32_1 = arith.constant 0 : i32
    return %c0_i32, %c0_i32_0 : i32, i32
  }
  func.func @transform_8(%arg0: i32) -> (i32, i32) {
    %c0_i32 = arith.constant 0 : i32
    %c0_i32_0 = arith.constant 0 : i32
    return %arg0, %c0_i32 : i32, i32
  }
}

module attributes {stable_mosaic.version = 14 : i64} {
  func.func @body(%arg0: i32, %arg1: memref<10000x64xf32, #tpu.memory_space<vmem>>, %arg2: memref<1x10000x128xf32, #tpu.memory_space<vmem>>, %arg3: memref<1x10000x128xf32, #tpu.memory_space<vmem>>, %arg4: memref<64x128xf32, #tpu.memory_space<vmem>>, %arg5: memref<10000x128xf32, #tpu.memory_space<vmem>>) attributes {dimension_semantics = [#tpu.dimension_semantics<arbitrary>], iteration_bounds = array<i64: 1>, scalar_prefetch = 0 : i64, scratch_operands = 0 : i64, tpu.core_type = #tpu.core_type<tc>, window_params = [{transform_indices = @transform_0, window_bounds = array<i64: 10000, 64>}, {transform_indices = @transform_1, window_bounds = array<i64: 1, 10000, 128>}, {transform_indices = @transform_2, window_bounds = array<i64: 1, 10000, 128>}, {pipeline_mode = #tpu.pipeline_mode<synchronous>, transform_indices = @transform_3, window_bounds = array<i64: 64, 128>}, {transform_indices = @transform_4, window_bounds = array<i64: 10000, 128>}]} {
    %get3A = arith.constant 0 : index
    %get3A_0 = arith.constant 0 : index
    %get3A_1 = vector.load %arg1[%get3A, %get3A_0] : memref<10000x64xf32, #tpu.memory_space<vmem>>, vector<10000x64xf32>
    %get3A_2 = arith.constant 0 : index
    %get3A_3 = arith.constant 0 : index
    %get3A_4 = arith.constant 0 : index
    %get3A_5 = vector.load %arg2[%get3A_2, %get3A_3, %get3A_4] : memref<1x10000x128xf32, #tpu.memory_space<vmem>>, vector<1x10000x64xf32>
    %get3A_6 = vector.shape_cast %get3A_5 : vector<1x10000x64xf32> to vector<10000x64xf32>
    %add3A = arith.addf %get3A_1, %get3A_6 : vector<10000x64xf32>
    %get3A_7 = arith.constant 0 : index
    %get3A_8 = arith.constant 0 : index
    %get3A_9 = arith.constant 0 : index
    %get3A_10 = vector.load %arg3[%get3A_7, %get3A_8, %get3A_9] : memref<1x10000x128xf32, #tpu.memory_space<vmem>>, vector<1x10000x64xf32>
    %get3A_11 = vector.shape_cast %get3A_10 : vector<1x10000x64xf32> to vector<10000x64xf32>
    %add3A_12 = arith.addf %add3A, %get3A_11 : vector<10000x64xf32>
    %max3A = arith.constant 0.000000e+00 : f32
    %max3A_13 = vector.broadcast %max3A : f32 to vector<10000x64xf32>
    %max3A_14 = arith.maximumf %add3A_12, %max3A_13 : vector<10000x64xf32>
    %get3A_15 = arith.constant 0 : index
    %get3A_16 = arith.constant 0 : index
    %get3A_17 = vector.load %arg4[%get3A_15, %get3A_16] : memref<64x128xf32, #tpu.memory_space<vmem>>, vector<64x128xf32>
    %dot_general3A = arith.constant dense<0.000000e+00> : vector<10000x128xf32>
    %dot_general3A_18 = tpu.matmul %max3A_14, %get3A_17, %dot_general3A {dimension_numbers = #tpu.dot_dimension_numbers<[1], [0], [0], [1], [0, 0, 1, 1], [], []>, transpose_lhs_hint = false} : vector<10000x64xf32>, vector<64x128xf32>, vector<10000x128xf32> -> vector<10000x128xf32>
    %swap3A = arith.constant 0 : index
    %swap3A_19 = arith.constant 0 : index
    %swap3A_20 = vector.load %arg5[%swap3A, %swap3A_19] : memref<10000x128xf32, #tpu.memory_space<vmem>>, vector<10000x128xf32>
    tpu.vector_store %arg5[%swap3A, %swap3A_19], %dot_general3A_18 {strides = array<i32>} : memref<10000x128xf32, #tpu.memory_space<vmem>>, vector<10000x128xf32>,
    return
  }
  func.func @transform_0(%arg0: i32) -> (i32, i32) {
    %c0_i32 = arith.constant 0 : i32
    %c0_i32_0 = arith.constant 0 : i32
    return %arg0, %c0_i32 : i32, i32
  }
  func.func @transform_1(%arg0: i32) -> (i32, i32, i32) {
    %c0_i32 = arith.constant 0 : i32
    %c0_i32_0 = arith.constant 0 : i32
    %c0_i32_1 = arith.constant 0 : i32
    %c0_i32_2 = arith.constant 0 : i32
    return %c0_i32, %c0_i32_0, %c0_i32_1 : i32, i32, i32
  }
  func.func @transform_2(%arg0: i32) -> (i32, i32, i32) {
    %c1_i32 = arith.constant 1 : i32
    %c0_i32 = arith.constant 0 : i32
    %c0_i32_0 = arith.constant 0 : i32
    %c0_i32_1 = arith.constant 0 : i32
    return %c1_i32, %c0_i32, %c0_i32_0 : i32, i32, i32
  }
  func.func @transform_3(%arg0: i32) -> (i32, i32) {
    %c0_i32 = arith.constant 0 : i32
    %c0_i32_0 = arith.constant 0 : i32
    %c0_i32_1 = arith.constant 0 : i32
    return %c0_i32, %c0_i32_0 : i32, i32
  }
  func.func @transform_4(%arg0: i32) -> (i32, i32) {
    %c0_i32 = arith.constant 0 : i32
    %c0_i32_0 = arith.constant 0 : i32
    return %arg0, %c0_i32 : i32, i32
  }
}

module attributes {stable_mosaic.version = 14 : i64} {
  func.func @body(%arg0: i32, %arg1: memref<1000x64xf32, #tpu.memory_space<vmem>>, %arg2: memref<1x1000x128xf32, #tpu.memory_space<vmem>>, %arg3: memref<1x1000x128xf32, #tpu.memory_space<vmem>>, %arg4: memref<64x64xf32, #tpu.memory_space<vmem>>, %arg5: memref<64x64xf32, #tpu.memory_space<vmem>>, %arg6: memref<64x64xf32, #tpu.memory_space<vmem>>, %arg7: memref<1x64xf32, #tpu.memory_space<vmem>>, %arg8: memref<1x64xf32, #tpu.memory_space<vmem>>, %arg9: memref<1x64xf32, #tpu.memory_space<vmem>>, %arg10: memref<1x64xf32, #tpu.memory_space<vmem>>, %arg11: memref<1000x64xf32, #tpu.memory_space<vmem>>) attributes {dimension_semantics = [#tpu.dimension_semantics<arbitrary>], iteration_bounds = array<i64: 10>, scalar_prefetch = 0 : i64, scratch_operands = 0 : i64, tpu.core_type = #tpu.core_type<tc>, window_params = [{transform_indices = @transform_0, window_bounds = array<i64: 1000, 64>}, {transform_indices = @transform_1, window_bounds = array<i64: 1, 1000, 128>}, {transform_indices = @transform_2, window_bounds = array<i64: 1, 1000, 128>}, {pipeline_mode = #tpu.pipeline_mode<synchronous>, transform_indices = @transform_3, window_bounds = array<i64: 64, 64>}, {pipeline_mode = #tpu.pipeline_mode<synchronous>, transform_indices = @transform_4, window_bounds = array<i64: 64, 64>}, {pipeline_mode = #tpu.pipeline_mode<synchronous>, transform_indices = @transform_5, window_bounds = array<i64: 64, 64>}, {pipeline_mode = #tpu.pipeline_mode<synchronous>, transform_indices = @transform_6, window_bounds = array<i64: 1, 64>}, {pipeline_mode = #tpu.pipeline_mode<synchronous>, transform_indices = @transform_7, window_bounds = array<i64: 1, 64>}, {pipeline_mode = #tpu.pipeline_mode<synchronous>, transform_indices = @transform_8, window_bounds = array<i64: 1, 64>}, {pipeline_mode = #tpu.pipeline_mode<synchronous>, transform_indices = @transform_9, window_bounds = array<i64: 1, 64>}, {transform_indices = @transform_10, window_bounds = array<i64: 1000, 64>}]} {
    %get3A = arith.constant 0 : index
    %get3A_0 = arith.constant 0 : index
    %get3A_1 = vector.load %arg1[%get3A, %get3A_0] : memref<1000x64xf32, #tpu.memory_space<vmem>>, vector<1000x64xf32>
    %get3A_2 = arith.constant 0 : index
    %get3A_3 = arith.constant 0 : index
    %get3A_4 = arith.constant 0 : index
    %get3A_5 = vector.load %arg2[%get3A_2, %get3A_3, %get3A_4] : memref<1x1000x128xf32, #tpu.memory_space<vmem>>, vector<1x1000x64xf32>
    %get3A_6 = vector.shape_cast %get3A_5 : vector<1x1000x64xf32> to vector<1000x64xf32>
    %add3A = arith.addf %get3A_1, %get3A_6 : vector<1000x64xf32>
    %get3A_7 = arith.constant 0 : index
    %get3A_8 = arith.constant 0 : index
    %get3A_9 = arith.constant 0 : index
    %get3A_10 = vector.load %arg3[%get3A_7, %get3A_8, %get3A_9] : memref<1x1000x128xf32, #tpu.memory_space<vmem>>, vector<1x1000x64xf32>
    %get3A_11 = vector.shape_cast %get3A_10 : vector<1x1000x64xf32> to vector<1000x64xf32>
    %add3A_12 = arith.addf %add3A, %get3A_11 : vector<1000x64xf32>
    %max3A = arith.constant 0.000000e+00 : f32
    %max3A_13 = vector.broadcast %max3A : f32 to vector<1000x64xf32>
    %max3A_14 = arith.maximumf %add3A_12, %max3A_13 : vector<1000x64xf32>
    %get3A_15 = arith.constant 0 : index
    %get3A_16 = arith.constant 0 : index
    %get3A_17 = vector.load %arg4[%get3A_15, %get3A_16] : memref<64x64xf32, #tpu.memory_space<vmem>>, vector<64x64xf32>
    %dot_general3A = arith.constant dense<0.000000e+00> : vector<1000x64xf32>
    %dot_general3A_18 = tpu.matmul %max3A_14, %get3A_17, %dot_general3A {dimension_numbers = #tpu.dot_dimension_numbers<[1], [0], [0], [1], [0, 0, 1, 1], [], []>, transpose_lhs_hint = false} : vector<1000x64xf32>, vector<64x64xf32>, vector<1000x64xf32> -> vector<1000x64xf32>
    %get3A_19 = arith.constant 0 : index
    %get3A_20 = arith.constant 0 : index
    %get3A_21 = vector.load %arg7[%get3A_19, %get3A_20] : memref<1x64xf32, #tpu.memory_space<vmem>>, vector<1x64xf32>
    %add3A_22 = vector.broadcast %get3A_21 : vector<1x64xf32> to vector<1000x64xf32>
    %add3A_23 = arith.addf %dot_general3A_18, %add3A_22 : vector<1000x64xf32>
    %get3A_24 = arith.constant 0 : index
    %get3A_25 = arith.constant 0 : index
    %get3A_26 = vector.load %arg5[%get3A_24, %get3A_25] : memref<64x64xf32, #tpu.memory_space<vmem>>, vector<64x64xf32>
    %dot_general3A_27 = arith.constant dense<0.000000e+00> : vector<1000x64xf32>
    %dot_general3A_28 = tpu.matmul %max3A_14, %get3A_26, %dot_general3A_27 {dimension_numbers = #tpu.dot_dimension_numbers<[1], [0], [0], [1], [0, 0, 1, 1], [], []>, transpose_lhs_hint = false} : vector<1000x64xf32>, vector<64x64xf32>, vector<1000x64xf32> -> vector<1000x64xf32>
    %get3A_29 = arith.constant 0 : index
    %get3A_30 = arith.constant 0 : index
    %get3A_31 = vector.load %arg8[%get3A_29, %get3A_30] : memref<1x64xf32, #tpu.memory_space<vmem>>, vector<1x64xf32>
    %add3A_32 = vector.broadcast %get3A_31 : vector<1x64xf32> to vector<1000x64xf32>
    %add3A_33 = arith.addf %dot_general3A_28, %add3A_32 : vector<1000x64xf32>
    %get3A_34 = arith.constant 0 : index
    %get3A_35 = arith.constant 0 : index
    %get3A_36 = vector.load %arg6[%get3A_34, %get3A_35] : memref<64x64xf32, #tpu.memory_space<vmem>>, vector<64x64xf32>
    %dot_general3A_37 = arith.constant dense<0.000000e+00> : vector<1000x64xf32>
    %dot_general3A_38 = tpu.matmul %max3A_14, %get3A_36, %dot_general3A_37 {dimension_numbers = #tpu.dot_dimension_numbers<[1], [0], [0], [1], [0, 0, 1, 1], [], []>, transpose_lhs_hint = false} : vector<1000x64xf32>, vector<64x64xf32>, vector<1000x64xf32> -> vector<1000x64xf32>
    %get3A_39 = arith.constant 0 : index
    %get3A_40 = arith.constant 0 : index
    %get3A_41 = vector.load %arg9[%get3A_39, %get3A_40] : memref<1x64xf32, #tpu.memory_space<vmem>>, vector<1x64xf32>
    %add3A_42 = vector.broadcast %get3A_41 : vector<1x64xf32> to vector<1000x64xf32>
    %add3A_43 = arith.addf %dot_general3A_38, %add3A_42 : vector<1000x64xf32>
    %mul3A = arith.mulf %add3A_33, %add3A_43 : vector<1000x64xf32>
    %add3A_44 = arith.addf %add3A_23, %mul3A : vector<1000x64xf32>
    %get3A_45 = arith.constant 0 : index
    %get3A_46 = arith.constant 0 : index
    %get3A_47 = vector.load %arg10[%get3A_45, %get3A_46] : memref<1x64xf32, #tpu.memory_space<vmem>>, vector<1x64xf32>
    %add3A_48 = vector.broadcast %get3A_47 : vector<1x64xf32> to vector<1000x64xf32>
    %add3A_49 = arith.addf %add3A_44, %add3A_48 : vector<1000x64xf32>
    %swap3A = arith.constant 0 : index
    %swap3A_50 = arith.constant 0 : index
    %swap3A_51 = vector.load %arg11[%swap3A, %swap3A_50] : memref<1000x64xf32, #tpu.memory_space<vmem>>, vector<1000x64xf32>
    tpu.vector_store %arg11[%swap3A, %swap3A_50], %add3A_49 {strides = array<i32>} : memref<1000x64xf32, #tpu.memory_space<vmem>>, vector<1000x64xf32>,
    return
  }
  func.func @transform_0(%arg0: i32) -> (i32, i32) {
    %c0_i32 = arith.constant 0 : i32
    %c0_i32_0 = arith.constant 0 : i32
    return %arg0, %c0_i32 : i32, i32
  }
  func.func @transform_1(%arg0: i32) -> (i32, i32, i32) {
    %c0_i32 = arith.constant 0 : i32
    %c0_i32_0 = arith.constant 0 : i32
    %c0_i32_1 = arith.constant 0 : i32
    return %c0_i32, %arg0, %c0_i32_0 : i32, i32, i32
  }
  func.func @transform_2(%arg0: i32) -> (i32, i32, i32) {
    %c1_i32 = arith.constant 1 : i32
    %c0_i32 = arith.constant 0 : i32
    %c0_i32_0 = arith.constant 0 : i32
    return %c1_i32, %arg0, %c0_i32 : i32, i32, i32
  }
  func.func @transform_3(%arg0: i32) -> (i32, i32) {
    %c0_i32 = arith.constant 0 : i32
    %c0_i32_0 = arith.constant 0 : i32
    %c0_i32_1 = arith.constant 0 : i32
    return %c0_i32, %c0_i32_0 : i32, i32
  }
  func.func @transform_4(%arg0: i32) -> (i32, i32) {
    %c0_i32 = arith.constant 0 : i32
    %c0_i32_0 = arith.constant 0 : i32
    %c0_i32_1 = arith.constant 0 : i32
    return %c0_i32, %c0_i32_0 : i32, i32
  }
  func.func @transform_5(%arg0: i32) -> (i32, i32) {
    %c0_i32 = arith.constant 0 : i32
    %c0_i32_0 = arith.constant 0 : i32
    %c0_i32_1 = arith.constant 0 : i32
    return %c0_i32, %c0_i32_0 : i32, i32
  }
  func.func @transform_6(%arg0: i32) -> (i32, i32) {
    %c0_i32 = arith.constant 0 : i32
    %c0_i32_0 = arith.constant 0 : i32
    %c0_i32_1 = arith.constant 0 : i32
    return %c0_i32, %c0_i32_0 : i32, i32
  }
  func.func @transform_7(%arg0: i32) -> (i32, i32) {
    %c0_i32 = arith.constant 0 : i32
    %c0_i32_0 = arith.constant 0 : i32
    %c0_i32_1 = arith.constant 0 : i32
    return %c0_i32, %c0_i32_0 : i32, i32
  }
  func.func @transform_8(%arg0: i32) -> (i32, i32) {
    %c0_i32 = arith.constant 0 : i32
    %c0_i32_0 = arith.constant 0 : i32
    %c0_i32_1 = arith.constant 0 : i32
    return %c0_i32, %c0_i32_0 : i32, i32
  }
  func.func @transform_9(%arg0: i32) -> (i32, i32) {
    %c0_i32 = arith.constant 0 : i32
    %c0_i32_0 = arith.constant 0 : i32
    %c0_i32_1 = arith.constant 0 : i32
    return %c0_i32, %c0_i32_0 : i32, i32
  }
  func.func @transform_10(%arg0: i32) -> (i32, i32) {
    %c0_i32 = arith.constant 0 : i32
    %c0_i32_0 = arith.constant 0 : i32
    return %arg0, %c0_i32 : i32, i32
  }
}

module attributes {stable_mosaic.version = 14 : i64} {
  func.func @_pool_body(%arg0: i32, %arg1: memref<10000x64xf32, #tpu.memory_space<vmem>>, %arg2: memref<1x10000x128xf32, #tpu.memory_space<vmem>>, %arg3: memref<1x10000x128xf32, #tpu.memory_space<vmem>>, %arg4: memref<1x10000xi32, #tpu.memory_space<vmem>>, %arg5: memref<64x32xf32, #tpu.memory_space<vmem>>, %arg6: memref<1x32xf32, #tpu.memory_space<vmem>>, %arg7: memref<32x10xf32, #tpu.memory_space<vmem>>, %arg8: memref<1x10xf32, #tpu.memory_space<vmem>>, %arg9: memref<128x10xf32, #tpu.memory_space<vmem>>) attributes {dimension_semantics = [#tpu.dimension_semantics<arbitrary>], iteration_bounds = array<i64: 1>, scalar_prefetch = 0 : i64, scratch_operands = 0 : i64, tpu.core_type = #tpu.core_type<tc>, window_params = [{transform_indices = @transform_0, window_bounds = array<i64: 10000, 64>}, {transform_indices = @transform_1, window_bounds = array<i64: 1, 10000, 128>}, {transform_indices = @transform_2, window_bounds = array<i64: 1, 10000, 128>}, {pipeline_mode = #tpu.pipeline_mode<synchronous>, transform_indices = @transform_3, window_bounds = array<i64: 1, 10000>}, {pipeline_mode = #tpu.pipeline_mode<synchronous>, transform_indices = @transform_4, window_bounds = array<i64: 64, 32>}, {pipeline_mode = #tpu.pipeline_mode<synchronous>, transform_indices = @transform_5, window_bounds = array<i64: 1, 32>}, {pipeline_mode = #tpu.pipeline_mode<synchronous>, transform_indices = @transform_6, window_bounds = array<i64: 32, 10>}, {pipeline_mode = #tpu.pipeline_mode<synchronous>, transform_indices = @transform_7, window_bounds = array<i64: 1, 10>}, {pipeline_mode = #tpu.pipeline_mode<synchronous>, transform_indices = @transform_8, window_bounds = array<i64: 128, 10>}]} {
    %get3A = arith.constant 0 : index
    %get3A_0 = arith.constant 0 : index
    %get3A_1 = vector.load %arg1[%get3A, %get3A_0] : memref<10000x64xf32, #tpu.memory_space<vmem>>, vector<10000x64xf32>
    %get3A_2 = arith.constant 0 : index
    %get3A_3 = arith.constant 0 : index
    %get3A_4 = arith.constant 0 : index
    %get3A_5 = vector.load %arg2[%get3A_2, %get3A_3, %get3A_4] : memref<1x10000x128xf32, #tpu.memory_space<vmem>>, vector<1x10000x64xf32>
    %get3A_6 = vector.shape_cast %get3A_5 : vector<1x10000x64xf32> to vector<10000x64xf32>
    %add3A = arith.addf %get3A_1, %get3A_6 : vector<10000x64xf32>
    %get3A_7 = arith.constant 0 : index
    %get3A_8 = arith.constant 0 : index
    %get3A_9 = arith.constant 0 : index
    %get3A_10 = vector.load %arg3[%get3A_7, %get3A_8, %get3A_9] : memref<1x10000x128xf32, #tpu.memory_space<vmem>>, vector<1x10000x64xf32>
    %get3A_11 = vector.shape_cast %get3A_10 : vector<1x10000x64xf32> to vector<10000x64xf32>
    %add3A_12 = arith.addf %add3A, %get3A_11 : vector<10000x64xf32>
    %max3A = arith.constant 0.000000e+00 : f32
    %max3A_13 = vector.broadcast %max3A : f32 to vector<10000x64xf32>
    %max3A_14 = arith.maximumf %add3A_12, %max3A_13 : vector<10000x64xf32>
    %get3A_15 = arith.constant 0 : index
    %get3A_16 = arith.constant 0 : index
    %get3A_17 = vector.load %arg4[%get3A_15, %get3A_16] : memref<1x10000xi32, #tpu.memory_space<vmem>>, vector<1x10000xi32>
    %get3A_18 = vector.shape_cast %get3A_17 : vector<1x10000xi32> to vector<10000xi32>
    %broadcast_in_dim3A = vector.shape_cast %get3A_18 : vector<10000xi32> to vector<1x10000xi32>
    %iota3A = tpu.iota {dimensions = array<i32: 0>} : vector<128x10000xi32>
    %eq3A = vector.broadcast %broadcast_in_dim3A : vector<1x10000xi32> to vector<128x10000xi32>
    %eq3A_19 = arith.cmpi eq, %eq3A, %iota3A : vector<128x10000xi32>
    %convert_element_type3A = arith.extui %eq3A_19 : vector<128x10000xi1> to vector<128x10000xi32>
    %convert_element_type3A_20 = arith.sitofp %convert_element_type3A : vector<128x10000xi32> to vector<128x10000xf32>
    %dot_general3A = arith.constant dense<0.000000e+00> : vector<128x64xf32>
    %dot_general3A_21 = tpu.matmul %convert_element_type3A_20, %max3A_14, %dot_general3A {dimension_numbers = #tpu.dot_dimension_numbers<[1], [0], [0], [1], [0, 0, 1, 1], [], []>, transpose_lhs_hint = false} : vector<128x10000xf32>, vector<10000x64xf32>, vector<128x64xf32> -> vector<128x64xf32>
    %reduce_sum3A = arith.constant dense<0.000000e+00> : vector<128xf32>
    %reduce_sum3A_22 = vector.multi_reduction <add>, %convert_element_type3A_20, %reduce_sum3A [1] : vector<128x10000xf32> to vector<128xf32>
    %broadcast_in_dim3A_23 = vector.shape_cast %reduce_sum3A_22 : vector<128xf32> to vector<128x1xf32>
    %max3A_24 = arith.constant 1.000000e+00 : f32
    %max3A_25 = vector.broadcast %max3A_24 : f32 to vector<128x1xf32>
    %max3A_26 = arith.maximumf %broadcast_in_dim3A_23, %max3A_25 : vector<128x1xf32>
    %div3A = vector.broadcast %max3A_26 : vector<128x1xf32> to vector<128x64xf32>
    %div3A_27 = arith.divf %dot_general3A_21, %div3A : vector<128x64xf32>
    %sqrt3A = arith.constant 1.000010e+00 : f32
    %sqrt3A_28 = math.sqrt %sqrt3A : f32
    %div3A_29 = arith.constant 1.000000e+00 : f32
    %div3A_30 = arith.divf %div3A_29, %sqrt3A_28 : f32
    %mul3A = vector.broadcast %div3A_30 : f32 to vector<128x64xf32>
    %mul3A_31 = arith.mulf %div3A_27, %mul3A : vector<128x64xf32>
    %get3A_32 = arith.constant 0 : index
    %get3A_33 = arith.constant 0 : index
    %get3A_34 = vector.load %arg5[%get3A_32, %get3A_33] : memref<64x32xf32, #tpu.memory_space<vmem>>, vector<64x32xf32>
    %dot_general3A_35 = arith.constant dense<0.000000e+00> : vector<128x32xf32>
    %dot_general3A_36 = tpu.matmul %mul3A_31, %get3A_34, %dot_general3A_35 {dimension_numbers = #tpu.dot_dimension_numbers<[1], [0], [0], [1], [0, 0, 1, 1], [], []>, transpose_lhs_hint = false} : vector<128x64xf32>, vector<64x32xf32>, vector<128x32xf32> -> vector<128x32xf32>
    %get3A_37 = arith.constant 0 : index
    %get3A_38 = arith.constant 0 : index
    %get3A_39 = vector.load %arg6[%get3A_37, %get3A_38] : memref<1x32xf32, #tpu.memory_space<vmem>>, vector<1x32xf32>
    %add3A_40 = vector.broadcast %get3A_39 : vector<1x32xf32> to vector<128x32xf32>
    %add3A_41 = arith.addf %dot_general3A_36, %add3A_40 : vector<128x32xf32>
    %max3A_42 = arith.constant 0.000000e+00 : f32
    %max3A_43 = vector.broadcast %max3A_42 : f32 to vector<128x32xf32>
    %max3A_44 = arith.maximumf %add3A_41, %max3A_43 : vector<128x32xf32>
    %get3A_45 = arith.constant 0 : index
    %get3A_46 = arith.constant 0 : index
    %get3A_47 = vector.load %arg7[%get3A_45, %get3A_46] : memref<32x10xf32, #tpu.memory_space<vmem>>, vector<32x10xf32>
    %dot_general3A_48 = arith.constant dense<0.000000e+00> : vector<128x10xf32>
    %dot_general3A_49 = tpu.matmul %max3A_44, %get3A_47, %dot_general3A_48 {dimension_numbers = #tpu.dot_dimension_numbers<[1], [0], [0], [1], [0, 0, 1, 1], [], []>, transpose_lhs_hint = false} : vector<128x32xf32>, vector<32x10xf32>, vector<128x10xf32> -> vector<128x10xf32>
    %get3A_50 = arith.constant 0 : index
    %get3A_51 = arith.constant 0 : index
    %get3A_52 = vector.load %arg8[%get3A_50, %get3A_51] : memref<1x10xf32, #tpu.memory_space<vmem>>, vector<1x10xf32>
    %add3A_53 = vector.broadcast %get3A_52 : vector<1x10xf32> to vector<128x10xf32>
    %add3A_54 = arith.addf %dot_general3A_49, %add3A_53 : vector<128x10xf32>
    %reduce_max3A = arith.constant dense<0xFF800000> : vector<128xf32>
    %reduce_max3A_55 = vector.multi_reduction <maximumf>, %add3A_54, %reduce_max3A [1] : vector<128x10xf32> to vector<128xf32>
    %broadcast_in_dim3A_56 = vector.shape_cast %reduce_max3A_55 : vector<128xf32> to vector<128x1xf32>
    %sub3A = vector.broadcast %broadcast_in_dim3A_56 : vector<128x1xf32> to vector<128x10xf32>
    %sub3A_57 = arith.subf %add3A_54, %sub3A : vector<128x10xf32>
    %exp3A = math.exp %sub3A_57 : vector<128x10xf32>
    %reduce_sum3A_58 = arith.constant dense<0.000000e+00> : vector<128xf32>
    %reduce_sum3A_59 = vector.multi_reduction <add>, %exp3A, %reduce_sum3A_58 [1] : vector<128x10xf32> to vector<128xf32>
    %broadcast_in_dim3A_60 = vector.shape_cast %reduce_sum3A_59 : vector<128xf32> to vector<128x1xf32>
    %log3A = math.log %broadcast_in_dim3A_60 : vector<128x1xf32>
    %add3A_61 = arith.addf %log3A, %broadcast_in_dim3A_56 : vector<128x1xf32>
    %sub3A_62 = vector.broadcast %add3A_61 : vector<128x1xf32> to vector<128x10xf32>
    %sub3A_63 = arith.subf %add3A_54, %sub3A_62 : vector<128x10xf32>
    %swap3A = arith.constant 0 : index
    %swap3A_64 = arith.constant 0 : index
    %swap3A_65 = vector.load %arg9[%swap3A, %swap3A_64] : memref<128x10xf32, #tpu.memory_space<vmem>>, vector<128x10xf32>
    tpu.vector_store %arg9[%swap3A, %swap3A_64], %sub3A_63 {strides = array<i32>} : memref<128x10xf32, #tpu.memory_space<vmem>>, vector<128x10xf32>,
    return
  }
  func.func @transform_0(%arg0: i32) -> (i32, i32) {
    %c0_i32 = arith.constant 0 : i32
    %c0_i32_0 = arith.constant 0 : i32
    return %arg0, %c0_i32 : i32, i32
  }
  func.func @transform_1(%arg0: i32) -> (i32, i32, i32) {
    %c0_i32 = arith.constant 0 : i32
    %c0_i32_0 = arith.constant 0 : i32
    %c0_i32_1 = arith.constant 0 : i32
    %c0_i32_2 = arith.constant 0 : i32
    return %c0_i32, %c0_i32_0, %c0_i32_1 : i32, i32, i32
  }
  func.func @transform_2(%arg0: i32) -> (i32, i32, i32) {
    %c1_i32 = arith.constant 1 : i32
    %c0_i32 = arith.constant 0 : i32
    %c0_i32_0 = arith.constant 0 : i32
    %c0_i32_1 = arith.constant 0 : i32
    return %c1_i32, %c0_i32, %c0_i32_0 : i32, i32, i32
  }
  func.func @transform_3(%arg0: i32) -> (i32, i32) {
    %c0_i32 = arith.constant 0 : i32
    %c0_i32_0 = arith.constant 0 : i32
    %c0_i32_1 = arith.constant 0 : i32
    return %c0_i32, %c0_i32_0 : i32, i32
  }
  func.func @transform_4(%arg0: i32) -> (i32, i32) {
    %c0_i32 = arith.constant 0 : i32
    %c0_i32_0 = arith.constant 0 : i32
    %c0_i32_1 = arith.constant 0 : i32
    return %c0_i32, %c0_i32_0 : i32, i32
  }
  func.func @transform_5(%arg0: i32) -> (i32, i32) {
    %c0_i32 = arith.constant 0 : i32
    %c0_i32_0 = arith.constant 0 : i32
    %c0_i32_1 = arith.constant 0 : i32
    return %c0_i32, %c0_i32_0 : i32, i32
  }
  func.func @transform_6(%arg0: i32) -> (i32, i32) {
    %c0_i32 = arith.constant 0 : i32
    %c0_i32_0 = arith.constant 0 : i32
    %c0_i32_1 = arith.constant 0 : i32
    return %c0_i32, %c0_i32_0 : i32, i32
  }
  func.func @transform_7(%arg0: i32) -> (i32, i32) {
    %c0_i32 = arith.constant 0 : i32
    %c0_i32_0 = arith.constant 0 : i32
    %c0_i32_1 = arith.constant 0 : i32
    return %c0_i32, %c0_i32_0 : i32, i32
  }
  func.func @transform_8(%arg0: i32) -> (i32, i32) {
    %c0_i32 = arith.constant 0 : i32
    %c0_i32_0 = arith.constant 0 : i32
    %c0_i32_1 = arith.constant 0 : i32
    return %c0_i32, %c0_i32_0 : i32, i32
  }
}

</mosaic_0001>

<sc_bundles>
// kernel: kernel.12.cloned.1.call-start
scs
__scs_entry_jumppad:
0x0: {  	(pc) =	sbr.rel $0x88, $3  }
0x1: {  	(tag) =	ssettag $0x0;
	lr =	simm.s32 $0x1  }
0x2: {  	[smem:$0x3F82] =	sst lr;
	_ =	strace $0xD0000000  }
0x3: {  	_ = 	snop  }
0x4: {  	_ = 	snop  }
0x5: {  	_ = 	snop  }
0x6: {  	_ = 	snop  }
0x7: {  	_ = 	snop  }
__scs_overlays_trampoline_lowered:
0x8: {  	[smem:$0x3F91] =	sst s0  }
0x9: {  	[smem:$0x3F92] =	sst s1  }
0xa: {  	[smem:$0x3F93] =	sst s2  }
0xb: {  	[smem:$0x3F94] =	sst s3  }
0xc: {  	[smem:$0x3F95] =	sst s4  }
0xd: {  	[smem:$0x3F96] =	sst s5  }
0xe: {  	[smem:$0x3F97] =	sst s6  }
0xf: {  	[smem:$0x3F98] =	sst s7  }
0x10: {  	[smem:$0x3F99] =	sst s8  }
0x11: {  	[smem:$0x3F9A] =	sst s9;
	s0 =	simm.s32 @!p0 $0x0  }
0x12: {  	s1 =	sld [smem:$0x3F80];
	s0 =	simm.s32 @p0 $0x1  }
0x13: {  	[smem:$0x3F9B] =	sst s0;
	s0 =	simm.s32 @!p1 $0x0  }
0x14: {  	s2 =	sld [smem:$0x3F7F];
	s0 =	simm.s32 @p1 $0x1  }
0x15: {  	[smem:$0x3F9C] =	sst s0;
	s0 =	simm.s32 @!p2 $0x0  }
0x16: {  	s3 =	sld [smem:$0x3FDB];
	s0 =	simm.s32 @p2 $0x1  }
0x17: {  	s4 =	simm.s32 $0x1BF5;
	[smem:$0x3F9E] =	sst s0  }
0x18: {  	s0 =	sld [smem:$0x3F81];
	_ =	swait.ge [sflag:s4], $0x0  }
0x19: {  	s7 =	sld [smem:$0x3F82]  }
0x1a: {  	s8 =	sadd.s32 $0xFFFFE003, lr  }
0x1b: {  	s9 =	sadd.s32 $0xFFFFFEF7, lr;
	s5 =	simm.s32 $0xFFFFFFFF;
	p2 =	slt.u32 s8, $0xFFFFF086  }
0x1c: {  	p1 =	slt.u32 s9, $0xF7A;
	s5 =	simm.s32 @!p2 $0x0  }
0x1d: {  	s5 =	simm.s32 @p1 $0x1;
	p0 =	seq.s32 s7, s2  }
0x1e: {  	s7 =	smul.u32 @!p0 $0xF7A, s2;
	p2 =	seq.s32 @!p0 s5, $0x0  }
0x1f: {  	s9 =	smul.u32 $0xF7A, s1;
	s8 =	simm.s32 @!p0 $0x1BF5;
	p2 =	por !p2, p0  }
0x20: {  	[sflag:s8] =	ssyncset.s32 @!p0 $0xFFFFF086;
	s6 =	sadd.s32 @!p0 s3, s7;
	s7 =	simm.s32 @!p0 $0x108  }
0x21: {  	s3 =	sadd.s32 s3, s9;
	s6 =	sadd.s32 @!p0 $0x88, s6;
	s7 =	simm.s32 @p2 $0x1082  }
0x22: {  	[simem:s7], [sflag:s8] =	dma.local @!p0 [hbm:s6], $0xF7A  }
0x23: {  	s9 =	sor.u32 $0xD0000000, s2;
	s6 =	simm.s32 $0x108;
	_ =	swait.ge @!p0 [sflag:s8], $0x0  }
0x24: {  	s3 =	sadd.s32 $0x88, s3;
	s6 =	simm.s32 @!p1 $0x1082;
	[sflag:s4] =	ssyncset.s32 $0xFFFFF086  }
0x25: {  	[simem:s6], [sflag:s4] =	dma.local [hbm:s3], $0xF7A  }
0x26: {  	[smem:$0x3F82] =	sst s1;
	(tag) =	ssettag s2;
	_ =	strace s9  }
0x27: {  	s1 =	sld [smem:$0x3F92]  }
0x28: {  	s2 =	sld [smem:$0x3F93]  }
0x29: {  	s4 =	sld [smem:$0x3F95]  }
0x2a: {  	p0 =	seq.s32 s5, $0x0;
	s5 =	sld [smem:$0x3F96]  }
0x2b: {  	s6 =	sld [smem:$0x3F97]  }
0x2c: {  	s7 =	sld [smem:$0x3F98]  }
0x2d: {  	s3 =	simm.s32 $0x108;
	s8 =	sld [smem:$0x3F99]  }
0x2e: {  	s3 =	simm.s32 @!p0 $0x1082;
	s9 =	sld [smem:$0x3F9A]  }
0x2f: {  	lr =	sadd.s32 s0, s3;
	s0 =	sld [smem:$0x3F91]  }
0x30: {  	s3 =	sld [smem:$0x3F94]  }
0x31: {  	[smem:$0x3F9D] =	sst s10  }
0x32: {  	s10 =	sld [smem:$0x3F9B];
	_ =	sdelay $0x3  }
0x33: {  	p0 =	seq.s32 s10, $0x1;
	s10 =	sld [smem:$0x3F9D];
	_ =	sdelay $0x3  }
0x34: {  	[smem:$0x3F9D] =	sst s10  }
0x35: {  	s10 =	sld [smem:$0x3F9C];
	_ =	sdelay $0x3  }
0x36: {  	p1 =	seq.s32 s10, $0x1;
	s10 =	sld [smem:$0x3F9D];
	_ =	sdelay $0x3  }
0x37: {  	[smem:$0x3F9D] =	sst s10  }
0x38: {  	s10 =	sld [smem:$0x3F9E]  }
0x39: {  	_ = 	snop;
	(pc) =	sbr.ind lr, $3  }
0x3a: {  	_ = 	snop  }
0x3b: {  	_ = 	snop  }
0x3c: {  	p2 =	seq.s32 s10, $0x1;
	s10 =	sld [smem:$0x3F9D]  }
0x3d: {  	_ =	shalt  }
0x3e: {  	_ =	shalt  }
0x3f: {  	_ =	shalt  }
0x40: {  	_ =	shalt  }
0x41: {  	_ =	shalt  }
0x42: {  	_ =	shalt  }
0x43: {  	_ =	shalt  }
0x44: {  	_ =	shalt  }
0x45: {  	_ =	shalt  }
0x46: {  	_ =	shalt  }
0x47: {  	_ =	shalt  }
0x48: {  	_ =	shalt  }
0x49: {  	_ =	shalt  }
0x4a: {  	_ =	shalt  }
0x4b: {  	_ =	shalt  }
0x4c: {  	_ =	shalt  }
0x4d: {  	_ =	shalt  }
0x4e: {  	_ =	shalt  }
0x4f: {  	_ =	shalt  }
0x50: {  	_ =	shalt  }
0x51: {  	_ =	shalt  }
0x52: {  	_ =	shalt  }
0x53: {  	_ =	shalt  }
0x54: {  	_ =	shalt  }
0x55: {  	_ =	shalt  }
0x56: {  	_ =	shalt  }
0x57: {  	_ =	shalt  }
0x58: {  	_ =	shalt  }
0x59: {  	_ =	shalt  }
0x5a: {  	_ =	shalt  }
0x5b: {  	_ =	shalt  }
0x5c: {  	_ =	shalt  }
0x5d: {  	_ =	shalt  }
0x5e: {  	_ =	shalt  }
0x5f: {  	_ =	shalt  }
0x60: {  	_ =	shalt  }
0x61: {  	_ =	shalt  }
0x62: {  	_ =	shalt  }
0x63: {  	_ =	shalt  }
0x64: {  	_ =	shalt  }
0x65: {  	_ =	shalt  }
0x66: {  	_ =	shalt  }
0x67: {  	_ =	shalt  }
0x68: {  	_ =	shalt  }
0x69: {  	_ =	shalt  }
0x6a: {  	_ =	shalt  }
0x6b: {  	_ =	shalt  }
0x6c: {  	_ =	shalt  }
0x6d: {  	_ =	shalt  }
0x6e: {  	_ =	shalt  }
0x6f: {  	_ =	shalt  }
0x70: {  	_ =	shalt  }
0x71: {  	_ =	shalt  }
0x72: {  	_ =	shalt  }
0x73: {  	_ =	shalt  }
0x74: {  	_ =	shalt  }
0x75: {  	_ =	shalt  }
0x76: {  	_ =	shalt  }
0x77: {  	_ =	shalt  }
0x78: {  	_ =	shalt  }
0x79: {  	_ =	shalt  }
0x7a: {  	_ =	shalt  }
0x7b: {  	_ =	shalt  }
0x7c: {  	_ =	shalt  }
0x7d: {  	_ =	shalt  }
0x7e: {  	_ =	shalt  }
0x7f: {  	_ =	shalt  }
0x80: {  	_ =	shalt  }
0x81: {  	_ =	shalt  }
0x82: {  	_ =	shalt  }
0x83: {  	_ =	shalt  }
0x84: {  	_ =	shalt  }
0x85: {  	_ =	shalt  }
0x86: {  	_ =	shalt  }
0x87: {  	_ =	shalt  }
.Lfunc_end0:
.L_simem_size_0:
called_computation_lowered:
.L_overlay_start_0:
0x88: {  	s2 =	sld [smem:$0x3FD9]  }
0x89: {  	s3 =	sld [smem:$0x3FFE];
	_ =	sdelay $0x1  }
0x8a: {  	s1 =	srdreg.scid  }
0x8b: {  	s0 =	sand.u32 $0x1, s1  }
0x8c: {  	s16 =	sshll.u32 s0, $0xA;
	s2 =	sadd.s32 s3, s2  }
0x8d: {  	s2 =	sadd.s32 s2, s16  }
0x8e: {  	[smem:$0x3FA9] =	sst s2  }
0x8f: {  	_ = 	snop  }
0x90: {  	(tm) =	ssettm $0x1  }
0x91: {  	s17 =	sld [smem:$0x3FFB];
	_ =	sdelay $0x3  }
0x92: {  	_ =	strace s17  }
0x93: {  	s2 =	sld [smem:$0x3FFC];
	_ =	sdelay $0x3  }
0x94: {  	_ =	strace s2  }
0x95: {  	s2 =	sld [smem:$0x3FFD];
	_ =	sdelay $0x3  }
0x96: {  	_ =	strace s2  }
0x97: {  	_ =	strace $0x8FFFFFFF  }
0x98: {  	s18 =	sld [smem:$0x3FDB];
	_ =	sdelay $0x1  }
0x99: {  	s19 =	simm.s32 $_scs_section_size  }
0x9a: {  	s4 =	simm.s32 $_size__tile_overlayer_lowered;
	s5 =	simm.s32 $_tile_overlayer_lowered  }
0x9b: {  	s22 =	simm.s32 $0x1BFF;
	s21 =	sshll.u32 s5, $0x1;
	s2 =	sadd.s32 s19, s18  }
0x9c: {  	s6 =	simm.s32 $0x0;
	s20 =	sshll.u32 s4, $0x1;
	s4 =	sadd.s32 s21, s2  }
0x9d: {  	[timem:s6], [sflag:s22] =	dma.local [hbm:s4], s20  }
0x9e: {  	_ =	swait.ge [sflag:s22], s20  }
0x9f: {  	s3 =	ssub.s32 $0x0, s20;
	[sflag:s22] =	ssyncset.done $0x0  }
0xa0: {  	[sflag:s22] =	ssyncadd.s32 s3;
	_ =	sdelay $0x1  }
0xa1: {  	s23 =	simm.s32 $0x1B8B  }
0xa2: {  	_ =	swait.ge [sflag:s23], $0x1  }
0xa3: {  	[sflag:s23] =	ssyncset.done $0x0  }
0xa4: {  	s25 =	simm.s32 $0x1B8E;
	s24 =	sld [smem:$0x3FFE];
	[sflag:s23] =	ssyncadd.s32 $0xFFFFFFFF  }
0xa5: {  	s26 =	simm.s32 $execute0_lowered;
	[smem:$0x3FD2] =	sst s25  }
0xa6: {  	s4 =	sshll.u32 s26, $0x1;
	_ =	strace $0x80000046;
	[dreg:$0x1] =	wrdreg $0xFFFFFFFF  }
0xa7: {  	s28 =	simm.s32 $_size_execute0_lowered;
	s2 =	sadd.s32 s2, s4;
	[dreg:$0x0] =	wrdreg $0x0  }
0xa8: {  	s4 =	sshll.u32 s28, $0x1;
	[dreg:$0x2] =	wrdreg s2  }
0xa9: {  	[dreg:$0x3] =	wrdreg s4  }
0xaa: {  	[dreg:$0x4] =	wrdreg $0xC0  }
0xab: {  	_ =	task [dreg:s6], $0x5FFFF  }
0xac: {  	[dreg:$0x1] =	wrdreg $0xFFFFFFFF  }
0xad: {  	[dreg:$0x0] =	wrdreg $0x60  }
0xae: {  	[dreg:$0x2] =	wrdreg s24  }
0xaf: {  	[dreg:$0x3] =	wrdreg $0x150000  }
0xb0: {  	[dreg:$0x4] =	wrdreg $0x9  }
0xb1: {  	_ =	task.clear_ibuf [dreg:s6], $0x5FFFF;
	_ =	strace $0x90000046  }
0xb2: {  	s29 =	simm.s32 $0x9;
	_ =	strace $0x80000048  }
0xb3: {  	_ =	swait.ge [sflag:s29], $0x1  }
0xb4: {  	[sflag:s29] =	ssyncadd.s32 $0xFFFFFFFF  }
0xb5: {  	_ =	strace $0x90000048  }
0xb6: {  	_ =	sfence  }
0xb7: {  	s30 =	sld [smem:$0x0];
	_ =	sdelay $0x2  }
0xb8: {  	s31 =	sshll.u32 s1, $0xD;
	s1 =	sshrl.u32 s1, $0x2  }
0xb9: {  	s3 =	sand.u32 $0x4000, s31;
	s1 =	sadd.s32 s1, s30  }
0xba: {  	s0 =	sor.u32 s3, s0;
	s1 =	sshll.u32 s1, $0x11  }
0xbb: {  	s0 =	sor.u32 s1, s0  }
0xbc: {  	s0 =	sadd.s32 $0x8F2B, s0  }
0xbd: {  	[sflag:s0] =	ssyncadd.remote.s32 $0x1  }
0xbe: {  	_ =	sfence.sel $0xFFFF  }
0xbf: {  	[dreg:$0x0] =	wrdreg $0xFFFFFFFF;
	(pc) =	sbr.abs _section_cstart, $3  }
0xc0: {  	[dreg:$0x1] =	wrdreg $0xFFFFFFFF  }
0xc1: {  	_ =	task.clear_ibuf [dreg:s6], $0x2FFFF;
	_ =	strace $0x9FFFFFFF  }
0xc2: {  	(tm) =	ssettm $0x7FFFFFFF  }
0xc3: {  	_ =	shalt  }
tec
execute0_lowered:
.L_overlay_start_1:
0x0: {  	(tag) =	ssettag $0x1  }
0x1: {  	s0 =	srdreg.scid;
	s6 =	rddreg [dreg:$0x0]  }
0x2: {  	s11 =	stileid.u32;
	s2 =	rddreg [dreg:$0x1];
	s3 =	simm.s32 $0x0  }
0x3: {  	s12 =	simm.s32 $0x2800;
	s14 =	simm.s32 $0x1;
	s15 =	simm.s32 $0x80  }
0x4: {  	s16 =	simm.s32 $0x5000;
	s17 =	simm.s32 $0x7000;
	s19 =	simm.s32 $0x9000  }
0x5: {  	s21 =	simm.s32 $0xB000;
	s22 =	simm.s32 $0x2;
	s24 =	simm.s32 $0xD000  }
0x6: {  	s29 =	simm.s32 $0x11000;
	s31 =	simm.s32 $0x13000;
	s28 =	simm.s32 $0x4F80  }
0x7: {  	s30 =	simm.s32 $0x10;
	s18 =	simm.s32 $0x0;
	s0 =	sand.u32 $0x1, s0  }
0x8: {  	s1 =	sshll.u32 s11, $0x1;
	[smem:$0x7FF] =	sst s3;
	s7 =	smul.u32 $0x13C00, s11  }
0x9: {  	s4 =	sadd.s32 $0x5000, s6;
	s9 =	smul.u32 $0x27800, s11;
	s1 =	sor.u32 s0, s1  }
0xa: {  	s5 =	smul.u32 $0x13C000, s0;
	_ =	strace $0x80000047;
	s0 =	ssub.s32 $0x2, s0  }
0xb: {  	s1 =	smul.u32 $0x2800, s1;
	s8 =	sshrl.u32 s0, $0x1;
	s9 =	sshrl.u32 s9, $0x2  }
0xc: {  	s5 =	sadd.s32 s7, s5;
	s0 =	ssub.s32 s0, s8;
	s26 =	sadd.s32 s9, s2  }
0xd: {  	s1 =	sshrl.u32 s1, $0x3;
	s7 =	sshrl.u32 s5, $0x3;
	s5 =	sadd.s32 $0x40200, s6  }
0xe: {  	s13 =	sshrl.u32 s26, $0x3;
	s26 =	simm.s32 $0xF000;
	s1 =	sadd.s32 s1, s6  }
0xf: {  	s10 =	sadd.s32 s7, s6;
	s7 =	sshll.u32 s11, $0x6;
	s11 =	smax.u32 s0, $0x1  }
0x10: {  	s0 =	simm.s32 $0x3;
	s6 =	sadd.s32 $0x2C200, s1;
	s8 =	sadd.s32 $0x36200, s1  }
0x11: {  	s9 =	sor.u32 $0x1C02, s7;
	s10 =	sadd.s32 $0x41600, s10;
	s1 =	simm.s32 $0x8  }
.LBB2_1:
0x12: {  	[tilespmem:s3], [sflag:$0x1] =	stream.linear.gather [hbm4b:s6+s3], $0x2800, $0x38;
	[tilespmem:$0x1EE00] =	vst v63  }
0x13: {  	_ = 	snop  }
0x14: {  	[tilespmem:s12], [sflag:$0x1] =	stream.linear.gather [hbm4b:s8+s3], $0x2800, $0x38;
	[tilespmem:$0x1EE00] =	vst v63  }
0x15: {  	[spmem:s13], [sflag:s9] =	dma.local [hbm:s5], $0x13C0  }
0x16: {  	_ =	swait.ge [sflag:s14], $0x2800  }
0x17: {  	[sflag:s14] =	ssyncset.done $0x0  }
0x18: {  	[sflag:s14] =	ssyncadd.s32 $0xFFFFD800  }
0x19: {  	_ =	swait.ge [sflag:s14], $0x2800  }
0x1a: {  	[sflag:s14] =	ssyncset.done $0x0  }
0x1b: {  	[sflag:s14] =	ssyncadd.s32 $0xFFFFD800  }
0x1c: {  	[tilespmem:s16], [sflag:$0x1] =	stream.indirect.gather [hbm4b:s4+s15], $0x40, s3, s15, $0xb8;
	[tilespmem:$0x1EE00] =	vst v63  }
0x1d: {  	_ = 	snop  }
0x1e: {  	[tilespmem:s17], [sflag:$0x1] =	stream.indirect.gather [hbm4b:s4+s15], $0x40, s15, s15, $0xb8;
	[tilespmem:$0x1EE00] =	vst v63  }
0x1f: {  	s20 =	simm.s32 $0x100  }
0x20: {  	[tilespmem:s19], [sflag:$0x1] =	stream.indirect.gather [hbm4b:s4+s15], $0x40, s20, s15, $0xb8;
	[tilespmem:$0x1EE00] =	vst v63  }
0x21: {  	s25 =	simm.s32 $0x180  }
0x22: {  	[tilespmem:s21], [sflag:$0x1] =	stream.indirect.gather [hbm4b:s4+s15], $0x40, s25, s15, $0xb8;
	[tilespmem:$0x1EE00] =	vst v63  }
0x23: {  	_ =	swait.ge [sflag:s22], $0x13C0  }
0x24: {  	[sflag:s22] =	ssyncset.done $0x0  }
0x25: {  	[sflag:s22] =	ssyncadd.s32 $0xFFFFEC40  }
0x26: {  	[bflag:$0x0] =	sbarrier.arrive $0xFFFF  }
0x27: {  	_ =	swait.ge [sflag:s14], $0x8000  }
0x28: {  	[sflag:s14] =	ssyncset.done $0x0  }
0x29: {  	s23 =	simm.s32 $0x200;
	[sflag:s14] =	ssyncadd.s32 $0xFFFF8000  }
0x2a: {  	[tilespmem:s24], [sflag:$0x1] =	stream.indirect.gather [hbm4b:s4+s15], $0x40, s23, s15, $0xb8;
	[tilespmem:$0x1EE00] =	vst v63  }
0x2b: {  	s25 =	simm.s32 $0x280  }
0x2c: {  	[tilespmem:s26], [sflag:$0x1] =	stream.indirect.gather [hbm4b:s4+s15], $0x40, s25, s15, $0xb8;
	[tilespmem:$0x1EE00] =	vst v63  }
0x2d: {  	s23 =	simm.s32 $0x300  }
0x2e: {  	[tilespmem:s29], [sflag:$0x1] =	stream.indirect.gather [hbm4b:s4+s15], $0x40, s23, s15, $0xb8;
	[tilespmem:$0x1EE00] =	vst v63  }
0x2f: {  	s25 =	simm.s32 $0x380  }
0x30: {  	[tilespmem:s31], [sflag:$0x1] =	stream.indirect.gather [hbm4b:s4+s15], $0x40, s25, s15, $0xb8;
	[tilespmem:$0x1EE00] =	vst v63  }
0x31: {  	_ = 	snop  }
0x32: {  	[spmem:s2] =	stream.indirect.scatter.add.f32 [tilespmem:s16], [sflag:$0x2], $0x40, s12, s15, $0xb8;
	[tilespmem:$0x1EE00] =	vst v63  }
0x33: {  	s23 =	simm.s32 $0x2880  }
0x34: {  	[spmem:s2] =	stream.indirect.scatter.add.f32 [tilespmem:s17], [sflag:$0x2], $0x40, s23, s15, $0xb8;
	[tilespmem:$0x1EE00] =	vst v63  }
0x35: {  	s25 =	simm.s32 $0x2900  }
0x36: {  	[spmem:s2] =	stream.indirect.scatter.add.f32 [tilespmem:s19], [sflag:$0x2], $0x40, s25, s15, $0xb8;
	[tilespmem:$0x1EE00] =	vst v63  }
0x37: {  	s23 =	simm.s32 $0x2980  }
0x38: {  	[spmem:s2] =	stream.indirect.scatter.add.f32 [tilespmem:s21], [sflag:$0x2], $0x40, s23, s15, $0xb8;
	[tilespmem:$0x1EE00] =	vst v63  }
0x39: {  	_ =	swait.ge [sflag:s14], $0x8000  }
0x3a: {  	[sflag:s14] =	ssyncset.done $0x0  }
0x3b: {  	[sflag:s14] =	ssyncadd.s32 $0xFFFF8000  }
0x3c: {  	_ =	swait.ge [sflag:s22], $0x8000  }
0x3d: {  	[sflag:s22] =	ssyncset.done $0x0  }
0x3e: {  	s25 =	simm.s32 $0x400;
	[sflag:s22] =	ssyncadd.s32 $0xFFFF8000  }
0x3f: {  	[tilespmem:s16], [sflag:$0x1] =	stream.indirect.gather [hbm4b:s4+s15], $0x40, s25, s15, $0xb8;
	[tilespmem:$0x1EE00] =	vst v63  }
0x40: {  	s23 =	simm.s32 $0x480  }
0x41: {  	[tilespmem:s17], [sflag:$0x1] =	stream.indirect.gather [hbm4b:s4+s15], $0x40, s23, s15, $0xb8;
	[tilespmem:$0x1EE00] =	vst v63  }
0x42: {  	s25 =	simm.s32 $0x500  }
0x43: {  	[tilespmem:s19], [sflag:$0x1] =	stream.indirect.gather [hbm4b:s4+s15], $0x40, s25, s15, $0xb8;
	[tilespmem:$0x1EE00] =	vst v63  }
0x44: {  	s23 =	simm.s32 $0x580  }
0x45: {  	[tilespmem:s21], [sflag:$0x1] =	stream.indirect.gather [hbm4b:s4+s15], $0x40, s23, s15, $0xb8;
	[tilespmem:$0x1EE00] =	vst v63  }
0x46: {  	s25 =	simm.s32 $0x2A00  }
0x47: {  	[spmem:s2] =	stream.indirect.scatter.add.f32 [tilespmem:s24], [sflag:$0x2], $0x40, s25, s15, $0xb8;
	[tilespmem:$0x1EE00] =	vst v63  }
0x48: {  	s23 =	simm.s32 $0x2A80  }
0x49: {  	[spmem:s2] =	stream.indirect.scatter.add.f32 [tilespmem:s26], [sflag:$0x2], $0x40, s23, s15, $0xb8;
	[tilespmem:$0x1EE00] =	vst v63  }
0x4a: {  	s25 =	simm.s32 $0x2B00  }
0x4b: {  	[spmem:s2] =	stream.indirect.scatter.add.f32 [tilespmem:s29], [sflag:$0x2], $0x40, s25, s15, $0xb8;
	[tilespmem:$0x1EE00] =	vst v63  }
0x4c: {  	s23 =	simm.s32 $0x2B80  }
0x4d: {  	[spmem:s2] =	stream.indirect.scatter.add.f32 [tilespmem:s31], [sflag:$0x2], $0x40, s23, s15, $0xb8;
	[tilespmem:$0x1EE00] =	vst v63  }
0x4e: {  	_ =	swait.ge [sflag:s14], $0x8000  }
0x4f: {  	[sflag:s14] =	ssyncset.done $0x0  }
0x50: {  	[sflag:s14] =	ssyncadd.s32 $0xFFFF8000  }
0x51: {  	_ =	swait.ge [sflag:s22], $0x8000  }
0x52: {  	[sflag:s22] =	ssyncset.done $0x0  }
0x53: {  	s25 =	simm.s32 $0x600;
	[sflag:s22] =	ssyncadd.s32 $0xFFFF8000  }
0x54: {  	[tilespmem:s24], [sflag:$0x1] =	stream.indirect.gather [hbm4b:s4+s15], $0x40, s25, s15, $0xb8;
	[tilespmem:$0x1EE00] =	vst v63  }
0x55: {  	s23 =	simm.s32 $0x680  }
0x56: {  	[tilespmem:s26], [sflag:$0x1] =	stream.indirect.gather [hbm4b:s4+s15], $0x40, s23, s15, $0xb8;
	[tilespmem:$0x1EE00] =	vst v63  }
0x57: {  	s25 =	simm.s32 $0x700  }
0x58: {  	[tilespmem:s29], [sflag:$0x1] =	stream.indirect.gather [hbm4b:s4+s15], $0x40, s25, s15, $0xb8;
	[tilespmem:$0x1EE00] =	vst v63  }
0x59: {  	s23 =	simm.s32 $0x780  }
0x5a: {  	[tilespmem:s31], [sflag:$0x1] =	stream.indirect.gather [hbm4b:s4+s15], $0x40, s23, s15, $0xb8;
	[tilespmem:$0x1EE00] =	vst v63  }
0x5b: {  	s25 =	simm.s32 $0x2C00  }
0x5c: {  	[spmem:s2] =	stream.indirect.scatter.add.f32 [tilespmem:s16], [sflag:$0x2], $0x40, s25, s15, $0xb8;
	[tilespmem:$0x1EE00] =	vst v63  }
0x5d: {  	s23 =	simm.s32 $0x2C80  }
0x5e: {  	[spmem:s2] =	stream.indirect.scatter.add.f32 [tilespmem:s17], [sflag:$0x2], $0x40, s23, s15, $0xb8;
	[tilespmem:$0x1EE00] =	vst v63  }
0x5f: {  	s25 =	simm.s32 $0x2D00  }
0x60: {  	[spmem:s2] =	stream.indirect.scatter.add.f32 [tilespmem:s19], [sflag:$0x2], $0x40, s25, s15, $0xb8;
	[tilespmem:$0x1EE00] =	vst v63  }
0x61: {  	s23 =	simm.s32 $0x2D80  }
0x62: {  	[spmem:s2] =	stream.indirect.scatter.add.f32 [tilespmem:s21], [sflag:$0x2], $0x40, s23, s15, $0xb8;
	[tilespmem:$0x1EE00] =	vst v63  }
0x63: {  	_ =	swait.ge [sflag:s14], $0x8000  }
0x64: {  	[sflag:s14] =	ssyncset.done $0x0  }
0x65: {  	[sflag:s14] =	ssyncadd.s32 $0xFFFF8000  }
0x66: {  	_ =	swait.ge [sflag:s22], $0x8000  }
0x67: {  	[sflag:s22] =	ssyncset.done $0x0  }
0x68: {  	s25 =	simm.s32 $0x800;
	[sflag:s22] =	ssyncadd.s32 $0xFFFF8000  }
0x69: {  	[tilespmem:s16], [sflag:$0x1] =	stream.indirect.gather [hbm4b:s4+s15], $0x40, s25, s15, $0xb8;
	[tilespmem:$0x1EE00] =	vst v63  }
0x6a: {  	s23 =	simm.s32 $0x880  }
0x6b: {  	[tilespmem:s17], [sflag:$0x1] =	stream.indirect.gather [hbm4b:s4+s15], $0x40, s23, s15, $0xb8;
	[tilespmem:$0x1EE00] =	vst v63  }
0x6c: {  	s25 =	simm.s32 $0x900  }
0x6d: {  	[tilespmem:s19], [sflag:$0x1] =	stream.indirect.gather [hbm4b:s4+s15], $0x40, s25, s15, $0xb8;
	[tilespmem:$0x1EE00] =	vst v63  }
0x6e: {  	s23 =	simm.s32 $0x980  }
0x6f: {  	[tilespmem:s21], [sflag:$0x1] =	stream.indirect.gather [hbm4b:s4+s15], $0x40, s23, s15, $0xb8;
	[tilespmem:$0x1EE00] =	vst v63  }
0x70: {  	s25 =	simm.s32 $0x2E00  }
0x71: {  	[spmem:s2] =	stream.indirect.scatter.add.f32 [tilespmem:s24], [sflag:$0x2], $0x40, s25, s15, $0xb8;
	[tilespmem:$0x1EE00] =	vst v63  }
0x72: {  	s23 =	simm.s32 $0x2E80  }
0x73: {  	[spmem:s2] =	stream.indirect.scatter.add.f32 [tilespmem:s26], [sflag:$0x2], $0x40, s23, s15, $0xb8;
	[tilespmem:$0x1EE00] =	vst v63  }
0x74: {  	s20 =	simm.s32 $0x1000;
	s25 =	simm.s32 $0x2F00;
	s23 =	simm.s32 $0x2F80  }
0x75: {  	[spmem:s2] =	stream.indirect.scatter.add.f32 [tilespmem:s29], [sflag:$0x2], $0x40, s25, s15, $0xb8;
	[tilespmem:$0x1EE00] =	vst v63  }
.LBB2_2:
0x76: {  	[spmem:s2] =	stream.indirect.scatter.add.f32 [tilespmem:s31], [sflag:$0x2], $0x40, s23, s15, $0xb8;
	[tilespmem:$0x1EE00] =	vst v63  }
0x77: {  	s23 =	smov.u32 s20  }
0x78: {  	p0 =	sne.s32 s20, $0x7000;
	s20 =	sadd.s32 $0x1000, s20;
	_ =	swait.ge [sflag:s14], $0x8000  }
0x79: {  	[sflag:s14] =	ssyncset.done $0x0  }
0x7a: {  	[sflag:s14] =	ssyncadd.s32 $0xFFFF8000  }
0x7b: {  	_ =	swait.ge [sflag:s22], $0x8000  }
0x7c: {  	s23 =	sshra.s32 s23, $0x2;
	[sflag:s22] =	ssyncset.done $0x0  }
0x7d: {  	s25 =	sadd.s32 $0x600, s23;
	[sflag:s22] =	ssyncadd.s32 $0xFFFF8000  }
0x7e: {  	[tilespmem:s24], [sflag:$0x1] =	stream.indirect.gather [hbm4b:s4+s15], $0x40, s25, s15, $0xb8;
	[tilespmem:$0x1EE00] =	vst v63  }
0x7f: {  	s25 =	sadd.s32 $0x680, s23  }
0x80: {  	[tilespmem:s26], [sflag:$0x1] =	stream.indirect.gather [hbm4b:s4+s15], $0x40, s25, s15, $0xb8;
	[tilespmem:$0x1EE00] =	vst v63  }
0x81: {  	s25 =	sadd.s32 $0x700, s23  }
0x82: {  	[tilespmem:s29], [sflag:$0x1] =	stream.indirect.gather [hbm4b:s4+s15], $0x40, s25, s15, $0xb8;
	[tilespmem:$0x1EE00] =	vst v63  }
0x83: {  	s25 =	sadd.s32 $0x780, s23  }
0x84: {  	[tilespmem:s31], [sflag:$0x1] =	stream.indirect.gather [hbm4b:s4+s15], $0x40, s25, s15, $0xb8;
	[tilespmem:$0x1EE00] =	vst v63  }
0x85: {  	s25 =	sadd.s32 $0x2C00, s23  }
0x86: {  	[spmem:s2] =	stream.indirect.scatter.add.f32 [tilespmem:s16], [sflag:$0x2], $0x40, s25, s15, $0xb8;
	[tilespmem:$0x1EE00] =	vst v63  }
0x87: {  	s25 =	sadd.s32 $0x2C80, s23  }
0x88: {  	[spmem:s2] =	stream.indirect.scatter.add.f32 [tilespmem:s17], [sflag:$0x2], $0x40, s25, s15, $0xb8;
	[tilespmem:$0x1EE00] =	vst v63  }
0x89: {  	s25 =	sadd.s32 $0x2D00, s23  }
0x8a: {  	[spmem:s2] =	stream.indirect.scatter.add.f32 [tilespmem:s19], [sflag:$0x2], $0x40, s25, s15, $0xb8;
	[tilespmem:$0x1EE00] =	vst v63  }
0x8b: {  	s25 =	sadd.s32 $0x2D80, s23  }
0x8c: {  	[spmem:s2] =	stream.indirect.scatter.add.f32 [tilespmem:s21], [sflag:$0x2], $0x40, s25, s15, $0xb8;
	[tilespmem:$0x1EE00] =	vst v63  }
0x8d: {  	_ =	swait.ge [sflag:s14], $0x8000  }
0x8e: {  	[sflag:s14] =	ssyncset.done $0x0  }
0x8f: {  	[sflag:s14] =	ssyncadd.s32 $0xFFFF8000  }
0x90: {  	_ =	swait.ge [sflag:s22], $0x8000  }
0x91: {  	[sflag:s22] =	ssyncset.done $0x0  }
0x92: {  	s25 =	sadd.s32 $0x800, s23;
	[sflag:s22] =	ssyncadd.s32 $0xFFFF8000  }
0x93: {  	[tilespmem:s16], [sflag:$0x1] =	stream.indirect.gather [hbm4b:s4+s15], $0x40, s25, s15, $0xb8;
	[tilespmem:$0x1EE00] =	vst v63  }
0x94: {  	s25 =	sadd.s32 $0x880, s23  }
0x95: {  	[tilespmem:s17], [sflag:$0x1] =	stream.indirect.gather [hbm4b:s4+s15], $0x40, s25, s15, $0xb8;
	[tilespmem:$0x1EE00] =	vst v63  }
0x96: {  	s25 =	sadd.s32 $0x900, s23  }
0x97: {  	[tilespmem:s19], [sflag:$0x1] =	stream.indirect.gather [hbm4b:s4+s15], $0x40, s25, s15, $0xb8;
	[tilespmem:$0x1EE00] =	vst v63  }
0x98: {  	s25 =	sadd.s32 $0x980, s23  }
0x99: {  	[tilespmem:s21], [sflag:$0x1] =	stream.indirect.gather [hbm4b:s4+s15], $0x40, s25, s15, $0xb8;
	[tilespmem:$0x1EE00] =	vst v63  }
0x9a: {  	s25 =	sadd.s32 $0x2E00, s23  }
0x9b: {  	[spmem:s2] =	stream.indirect.scatter.add.f32 [tilespmem:s24], [sflag:$0x2], $0x40, s25, s15, $0xb8;
	[tilespmem:$0x1EE00] =	vst v63  }
.Ltmp0:
0x9c: {  	s25 =	sadd.s32 $0x2E80, s23;
	(pc) =	sbr.rel @p0 .LBB2_2-.Ltmp0, $4  }
0x9d: {  	[spmem:s2] =	stream.indirect.scatter.add.f32 [tilespmem:s26], [sflag:$0x2], $0x40, s25, s15, $0xb8;
	[tilespmem:$0x1EE00] =	vst v63  }
0x9e: {  	s25 =	sadd.s32 $0x2F00, s23  }
0x9f: {  	[spmem:s2] =	stream.indirect.scatter.add.f32 [tilespmem:s29], [sflag:$0x2], $0x40, s25, s15, $0xb8;
	[tilespmem:$0x1EE00] =	vst v63  }
0xa0: {  	s23 =	sadd.s32 $0x2F80, s23  }
0xa1: {  	[spmem:s2] =	stream.indirect.scatter.add.f32 [tilespmem:s31], [sflag:$0x2], $0x40, s23, s15, $0xb8;
	[tilespmem:$0x1EE00] =	vst v63  }
0xa2: {  	_ =	swait.ge [sflag:s14], $0x8000  }
0xa3: {  	[sflag:s14] =	ssyncset.done $0x0  }
0xa4: {  	[sflag:s14] =	ssyncadd.s32 $0xFFFF8000  }
0xa5: {  	_ =	swait.ge [sflag:s22], $0x8000  }
0xa6: {  	[sflag:s22] =	ssyncset.done $0x0  }
0xa7: {  	s20 =	simm.s32 $0x2600;
	[sflag:s22] =	ssyncadd.s32 $0xFFFF8000  }
0xa8: {  	[tilespmem:s24], [sflag:$0x1] =	stream.indirect.gather [hbm4b:s4+s15], $0x40, s20, s15, $0xb8;
	[tilespmem:$0x1EE00] =	vst v63  }
0xa9: {  	s25 =	simm.s32 $0x2680  }
0xaa: {  	[tilespmem:s26], [sflag:$0x1] =	stream.indirect.gather [hbm4b:s4+s15], $0x40, s25, s15, $0xb8;
	[tilespmem:$0x1EE00] =	vst v63  }
0xab: {  	s23 =	simm.s32 $0x2700  }
0xac: {  	[tilespmem:s29], [sflag:$0x1] =	stream.indirect.gather [hbm4b:s4+s15], $0x40, s23, s15, $0xb8;
	[tilespmem:$0x1EE00] =	vst v63  }
0xad: {  	s25 =	simm.s32 $0x2780  }
0xae: {  	[tilespmem:s31], [sflag:$0x1] =	stream.indirect.gather [hbm4b:s4+s15], $0x40, s25, s15, $0xb8;
	[tilespmem:$0x1EE00] =	vst v63  }
0xaf: {  	s23 =	simm.s32 $0x4C00  }
0xb0: {  	[spmem:s2] =	stream.indirect.scatter.add.f32 [tilespmem:s16], [sflag:$0x2], $0x40, s23, s15, $0xb8;
	[tilespmem:$0x1EE00] =	vst v63  }
0xb1: {  	s25 =	simm.s32 $0x4C80  }
0xb2: {  	[spmem:s2] =	stream.indirect.scatter.add.f32 [tilespmem:s17], [sflag:$0x2], $0x40, s25, s15, $0xb8;
	[tilespmem:$0x1EE00] =	vst v63  }
0xb3: {  	s23 =	simm.s32 $0x4D00  }
0xb4: {  	[spmem:s2] =	stream.indirect.scatter.add.f32 [tilespmem:s19], [sflag:$0x2], $0x40, s23, s15, $0xb8;
	[tilespmem:$0x1EE00] =	vst v63  }
0xb5: {  	s25 =	simm.s32 $0x4D80  }
0xb6: {  	[spmem:s2] =	stream.indirect.scatter.add.f32 [tilespmem:s21], [sflag:$0x2], $0x40, s25, s15, $0xb8;
	[tilespmem:$0x1EE00] =	vst v63  }
0xb7: {  	_ =	swait.ge [sflag:s14], $0x8000  }
0xb8: {  	[sflag:s14] =	ssyncset.done $0x0  }
0xb9: {  	[sflag:s14] =	ssyncadd.s32 $0xFFFF8000  }
0xba: {  	_ =	swait.ge [sflag:s22], $0x8000  }
0xbb: {  	[sflag:s22] =	ssyncset.done $0x0  }
0xbc: {  	s23 =	simm.s32 $0x4E00;
	[sflag:s22] =	ssyncadd.s32 $0xFFFF8000  }
0xbd: {  	[spmem:s2] =	stream.indirect.scatter.add.f32 [tilespmem:s24], [sflag:$0x2], $0x40, s23, s15, $0xb8;
	[tilespmem:$0x1EE00] =	vst v63  }
0xbe: {  	s25 =	simm.s32 $0x4E80  }
0xbf: {  	[spmem:s2] =	stream.indirect.scatter.add.f32 [tilespmem:s26], [sflag:$0x2], $0x40, s25, s15, $0xb8;
	[tilespmem:$0x1EE00] =	vst v63  }
0xc0: {  	s23 =	simm.s32 $0x4F00  }
0xc1: {  	[spmem:s2] =	stream.indirect.scatter.add.f32 [tilespmem:s29], [sflag:$0x2], $0x40, s23, s15, $0xb8;
	[tilespmem:$0x1EE00] =	vst v63  }
0xc2: {  	_ = 	snop  }
0xc3: {  	[spmem:s2] =	stream.indirect.scatter.add.f32 [tilespmem:s31], [sflag:$0x2], $0x40, s28, s15, $0xb8;
	[tilespmem:$0x1EE00] =	vst v63  }
0xc4: {  	_ =	swait.ge [sflag:s22], $0x8000  }
0xc5: {  	s18 =	sadd.s32 $0x1, s18;
	[sflag:s22] =	ssyncset.done $0x0  }
0xc6: {  	p0 =	sne.s32 s18, s11;
	[sflag:s22] =	ssyncadd.s32 $0xFFFF8000  }
.Ltmp1:
0xc7: {  	s25 =	sor.u32 $0x1C03, s7;
	[bflag:$0x0] =	sbarrier.arrive $0xFFFF;
	(pc) =	sbr.rel @p0 .LBB2_1-.Ltmp1, $4  }
0xc8: {  	[hbm:s10@s30], [sflag:s25] =	dma.strided [spmem:s13@s1], $0x13C0, s14, $0x8   }
0xc9: {  	_ =	swait.ge [sflag:s0], $0x13C0  }
0xca: {  	[sflag:s0] =	ssyncset.done $0x0  }
0xcb: {  	[sflag:s0] =	ssyncadd.s32 $0xFFFFEC40  }
0xcc: {  	_ =	sfence.sel $0x180000  }
0xcd: {  	[bflag:$0x0] =	sbarrier.arrive $0xFFFF  }
0xce: {  	_ =	strace $0x90000047  }
0xcf: {  	s0 =	stileid.u32;
	[bflag:$0x2] =	sbarrier.arrive $0xFFFF  }
0xd0: {  	p0 =	sne.s32 s0, $0x0;
	s0 =	rddreg [dreg:$0x2]  }
0xd1: {  	s0 =	sadd.s32 @!p0 $0x100000, s0  }
0xd2: {  	[sflag:s0] =	ssyncadd.tile.s32 @!p0 $0x1;
	_ =	shalt  }
.Lfunc_end2:
_tile_overlayer_lowered:
.L_overlay_start_2:
0xd3: {  	(tag) =	ssettag $0x2  }
0xd4: {  	s0 =	rddreg [dreg:$0x0];
	s2 =	stileid.u32  }
0xd5: {  	s1 =	rddreg [dreg:$0x1];
	p0 =	sne.s32 s2, $0x0  }
0xd6: {  	s3 =	rddreg [dreg:$0x2];
	[bflag:$0x3] =	sbarrier.arrive $0xFFFF;
	s2 =	simm.s32 @!p0 $0x1C03  }
0xd7: {  	[timem:s3], [sflag:s2] =	dma.local @!p0 [hbm:s0], s1  }
0xd8: {  	s0 =	simm.s32 @!p0 $0x3  }
0xd9: {  	_ =	swait.ge @!p0 [sflag:s0], s1  }
0xda: {  	s1 =	ssub.s32 @!p0 $0x0, s1;
	[sflag:s0] =	ssyncset.done @!p0 $0x0  }
0xdb: {  	[sflag:s0] =	ssyncadd.s32 @!p0 s1  }
0xdc: {  	[bflag:$0x3] =	sbarrier.arrive $0xFFFF  }
0xdd: {  	_ =	shalt  }

// kernel: kernel.15.cloned.1.call-start
scs
__scs_entry_jumppad:
0x0: {  	(pc) =	sbr.rel $0x88, $3  }
0x1: {  	(tag) =	ssettag $0x0;
	lr =	simm.s32 $0x1  }
0x2: {  	[smem:$0x3F82] =	sst lr;
	_ =	strace $0xD0000000  }
0x3: {  	_ = 	snop  }
0x4: {  	_ = 	snop  }
0x5: {  	_ = 	snop  }
0x6: {  	_ = 	snop  }
0x7: {  	_ = 	snop  }
__scs_overlays_trampoline_lowered:
0x8: {  	[smem:$0x3F91] =	sst s0  }
0x9: {  	[smem:$0x3F92] =	sst s1  }
0xa: {  	[smem:$0x3F93] =	sst s2  }
0xb: {  	[smem:$0x3F94] =	sst s3  }
0xc: {  	[smem:$0x3F95] =	sst s4  }
0xd: {  	[smem:$0x3F96] =	sst s5  }
0xe: {  	[smem:$0x3F97] =	sst s6  }
0xf: {  	[smem:$0x3F98] =	sst s7  }
0x10: {  	[smem:$0x3F99] =	sst s8  }
0x11: {  	[smem:$0x3F9A] =	sst s9;
	s0 =	simm.s32 @!p0 $0x0  }
0x12: {  	s1 =	sld [smem:$0x3F80];
	s0 =	simm.s32 @p0 $0x1  }
0x13: {  	[smem:$0x3F9B] =	sst s0;
	s0 =	simm.s32 @!p1 $0x0  }
0x14: {  	s2 =	sld [smem:$0x3F7F];
	s0 =	simm.s32 @p1 $0x1  }
0x15: {  	[smem:$0x3F9C] =	sst s0;
	s0 =	simm.s32 @!p2 $0x0  }
0x16: {  	s3 =	sld [smem:$0x3FDB];
	s0 =	simm.s32 @p2 $0x1  }
0x17: {  	s4 =	simm.s32 $0x1BF5;
	[smem:$0x3F9E] =	sst s0  }
0x18: {  	s0 =	sld [smem:$0x3F81];
	_ =	swait.ge [sflag:s4], $0x0  }
0x19: {  	s7 =	sld [smem:$0x3F82]  }
0x1a: {  	s8 =	sadd.s32 $0xFFFFE003, lr  }
0x1b: {  	s9 =	sadd.s32 $0xFFFFFEF7, lr;
	s5 =	simm.s32 $0xFFFFFFFF;
	p2 =	slt.u32 s8, $0xFFFFF086  }
0x1c: {  	p1 =	slt.u32 s9, $0xF7A;
	s5 =	simm.s32 @!p2 $0x0  }
0x1d: {  	s5 =	simm.s32 @p1 $0x1;
	p0 =	seq.s32 s7, s2  }
0x1e: {  	s7 =	smul.u32 @!p0 $0xF7A, s2;
	p2 =	seq.s32 @!p0 s5, $0x0  }
0x1f: {  	s9 =	smul.u32 $0xF7A, s1;
	s8 =	simm.s32 @!p0 $0x1BF5;
	p2 =	por !p2, p0  }
0x20: {  	[sflag:s8] =	ssyncset.s32 @!p0 $0xFFFFF086;
	s6 =	sadd.s32 @!p0 s3, s7;
	s7 =	simm.s32 @!p0 $0x108  }
0x21: {  	s3 =	sadd.s32 s3, s9;
	s6 =	sadd.s32 @!p0 $0x88, s6;
	s7 =	simm.s32 @p2 $0x1082  }
0x22: {  	[simem:s7], [sflag:s8] =	dma.local @!p0 [hbm:s6], $0xF7A  }
0x23: {  	s9 =	sor.u32 $0xD0000000, s2;
	s6 =	simm.s32 $0x108;
	_ =	swait.ge @!p0 [sflag:s8], $0x0  }
0x24: {  	s3 =	sadd.s32 $0x88, s3;
	s6 =	simm.s32 @!p1 $0x1082;
	[sflag:s4] =	ssyncset.s32 $0xFFFFF086  }
0x25: {  	[simem:s6], [sflag:s4] =	dma.local [hbm:s3], $0xF7A  }
0x26: {  	[smem:$0x3F82] =	sst s1;
	(tag) =	ssettag s2;
	_ =	strace s9  }
0x27: {  	s1 =	sld [smem:$0x3F92]  }
0x28: {  	s2 =	sld [smem:$0x3F93]  }
0x29: {  	s4 =	sld [smem:$0x3F95]  }
0x2a: {  	p0 =	seq.s32 s5, $0x0;
	s5 =	sld [smem:$0x3F96]  }
0x2b: {  	s6 =	sld [smem:$0x3F97]  }
0x2c: {  	s7 =	sld [smem:$0x3F98]  }
0x2d: {  	s3 =	simm.s32 $0x108;
	s8 =	sld [smem:$0x3F99]  }
0x2e: {  	s3 =	simm.s32 @!p0 $0x1082;
	s9 =	sld [smem:$0x3F9A]  }
0x2f: {  	lr =	sadd.s32 s0, s3;
	s0 =	sld [smem:$0x3F91]  }
0x30: {  	s3 =	sld [smem:$0x3F94]  }
0x31: {  	[smem:$0x3F9D] =	sst s10  }
0x32: {  	s10 =	sld [smem:$0x3F9B];
	_ =	sdelay $0x3  }
0x33: {  	p0 =	seq.s32 s10, $0x1;
	s10 =	sld [smem:$0x3F9D];
	_ =	sdelay $0x3  }
0x34: {  	[smem:$0x3F9D] =	sst s10  }
0x35: {  	s10 =	sld [smem:$0x3F9C];
	_ =	sdelay $0x3  }
0x36: {  	p1 =	seq.s32 s10, $0x1;
	s10 =	sld [smem:$0x3F9D];
	_ =	sdelay $0x3  }
0x37: {  	[smem:$0x3F9D] =	sst s10  }
0x38: {  	s10 =	sld [smem:$0x3F9E]  }
0x39: {  	_ = 	snop;
	(pc) =	sbr.ind lr, $3  }
0x3a: {  	_ = 	snop  }
0x3b: {  	_ = 	snop  }
0x3c: {  	p2 =	seq.s32 s10, $0x1;
	s10 =	sld [smem:$0x3F9D]  }
0x3d: {  	_ =	shalt  }
0x3e: {  	_ =	shalt  }
0x3f: {  	_ =	shalt  }
0x40: {  	_ =	shalt  }
0x41: {  	_ =	shalt  }
0x42: {  	_ =	shalt  }
0x43: {  	_ =	shalt  }
0x44: {  	_ =	shalt  }
0x45: {  	_ =	shalt  }
0x46: {  	_ =	shalt  }
0x47: {  	_ =	shalt  }
0x48: {  	_ =	shalt  }
0x49: {  	_ =	shalt  }
0x4a: {  	_ =	shalt  }
0x4b: {  	_ =	shalt  }
0x4c: {  	_ =	shalt  }
0x4d: {  	_ =	shalt  }
0x4e: {  	_ =	shalt  }
0x4f: {  	_ =	shalt  }
0x50: {  	_ =	shalt  }
0x51: {  	_ =	shalt  }
0x52: {  	_ =	shalt  }
0x53: {  	_ =	shalt  }
0x54: {  	_ =	shalt  }
0x55: {  	_ =	shalt  }
0x56: {  	_ =	shalt  }
0x57: {  	_ =	shalt  }
0x58: {  	_ =	shalt  }
0x59: {  	_ =	shalt  }
0x5a: {  	_ =	shalt  }
0x5b: {  	_ =	shalt  }
0x5c: {  	_ =	shalt  }
0x5d: {  	_ =	shalt  }
0x5e: {  	_ =	shalt  }
0x5f: {  	_ =	shalt  }
0x60: {  	_ =	shalt  }
0x61: {  	_ =	shalt  }
0x62: {  	_ =	shalt  }
0x63: {  	_ =	shalt  }
0x64: {  	_ =	shalt  }
0x65: {  	_ =	shalt  }
0x66: {  	_ =	shalt  }
0x67: {  	_ =	shalt  }
0x68: {  	_ =	shalt  }
0x69: {  	_ =	shalt  }
0x6a: {  	_ =	shalt  }
0x6b: {  	_ =	shalt  }
0x6c: {  	_ =	shalt  }
0x6d: {  	_ =	shalt  }
0x6e: {  	_ =	shalt  }
0x6f: {  	_ =	shalt  }
0x70: {  	_ =	shalt  }
0x71: {  	_ =	shalt  }
0x72: {  	_ =	shalt  }
0x73: {  	_ =	shalt  }
0x74: {  	_ =	shalt  }
0x75: {  	_ =	shalt  }
0x76: {  	_ =	shalt  }
0x77: {  	_ =	shalt  }
0x78: {  	_ =	shalt  }
0x79: {  	_ =	shalt  }
0x7a: {  	_ =	shalt  }
0x7b: {  	_ =	shalt  }
0x7c: {  	_ =	shalt  }
0x7d: {  	_ =	shalt  }
0x7e: {  	_ =	shalt  }
0x7f: {  	_ =	shalt  }
0x80: {  	_ =	shalt  }
0x81: {  	_ =	shalt  }
0x82: {  	_ =	shalt  }
0x83: {  	_ =	shalt  }
0x84: {  	_ =	shalt  }
0x85: {  	_ =	shalt  }
0x86: {  	_ =	shalt  }
0x87: {  	_ =	shalt  }
.Lfunc_end0:
.L_simem_size_0:
called_computation.1_lowered:
.L_overlay_start_0:
0x88: {  	s2 =	sld [smem:$0x3FD9]  }
0x89: {  	s3 =	sld [smem:$0x3FFE];
	_ =	sdelay $0x1  }
0x8a: {  	s1 =	srdreg.scid  }
0x8b: {  	s0 =	sand.u32 $0x1, s1  }
0x8c: {  	s16 =	sshll.u32 s0, $0xA;
	s2 =	sadd.s32 s3, s2  }
0x8d: {  	s2 =	sadd.s32 s2, s16  }
0x8e: {  	[smem:$0x3FA9] =	sst s2  }
0x8f: {  	_ = 	snop  }
0x90: {  	(tm) =	ssettm $0x1  }
0x91: {  	s17 =	sld [smem:$0x3FFB];
	_ =	sdelay $0x3  }
0x92: {  	_ =	strace s17  }
0x93: {  	s2 =	sld [smem:$0x3FFC];
	_ =	sdelay $0x3  }
0x94: {  	_ =	strace s2  }
0x95: {  	s2 =	sld [smem:$0x3FFD];
	_ =	sdelay $0x3  }
0x96: {  	_ =	strace s2  }
0x97: {  	_ =	strace $0x8FFFFFFF  }
0x98: {  	s18 =	sld [smem:$0x3FDB];
	_ =	sdelay $0x1  }
0x99: {  	s19 =	simm.s32 $_scs_section_size  }
0x9a: {  	s4 =	simm.s32 $_size__tile_overlayer_lowered;
	s5 =	simm.s32 $_tile_overlayer_lowered  }
0x9b: {  	s22 =	simm.s32 $0x1BFF;
	s21 =	sshll.u32 s5, $0x1;
	s2 =	sadd.s32 s19, s18  }
0x9c: {  	s6 =	simm.s32 $0x0;
	s20 =	sshll.u32 s4, $0x1;
	s4 =	sadd.s32 s21, s2  }
0x9d: {  	[timem:s6], [sflag:s22] =	dma.local [hbm:s4], s20  }
0x9e: {  	_ =	swait.ge [sflag:s22], s20  }
0x9f: {  	s3 =	ssub.s32 $0x0, s20;
	[sflag:s22] =	ssyncset.done $0x0  }
0xa0: {  	[sflag:s22] =	ssyncadd.s32 s3;
	_ =	sdelay $0x1  }
0xa1: {  	s23 =	simm.s32 $0x1B8B  }
0xa2: {  	_ =	swait.ge [sflag:s23], $0x1  }
0xa3: {  	[sflag:s23] =	ssyncset.done $0x0  }
0xa4: {  	s25 =	simm.s32 $0x1B8E;
	s24 =	sld [smem:$0x3FFE];
	[sflag:s23] =	ssyncadd.s32 $0xFFFFFFFF  }
0xa5: {  	s26 =	simm.s32 $execute0_lowered;
	[smem:$0x3FD2] =	sst s25  }
0xa6: {  	s4 =	sshll.u32 s26, $0x1;
	_ =	strace $0x80000049;
	[dreg:$0x1] =	wrdreg $0xFFFFFFFF  }
0xa7: {  	s28 =	simm.s32 $_size_execute0_lowered;
	s2 =	sadd.s32 s2, s4;
	[dreg:$0x0] =	wrdreg $0x0  }
0xa8: {  	s4 =	sshll.u32 s28, $0x1;
	[dreg:$0x2] =	wrdreg s2  }
0xa9: {  	[dreg:$0x3] =	wrdreg s4  }
0xaa: {  	[dreg:$0x4] =	wrdreg $0xC0  }
0xab: {  	_ =	task [dreg:s6], $0x5FFFF  }
0xac: {  	[dreg:$0x1] =	wrdreg $0xFFFFFFFF  }
0xad: {  	[dreg:$0x0] =	wrdreg $0x60  }
0xae: {  	[dreg:$0x2] =	wrdreg s24  }
0xaf: {  	[dreg:$0x3] =	wrdreg $0x150000  }
0xb0: {  	[dreg:$0x4] =	wrdreg $0x9  }
0xb1: {  	_ =	task.clear_ibuf [dreg:s6], $0x5FFFF;
	_ =	strace $0x90000049  }
0xb2: {  	s29 =	simm.s32 $0x9;
	_ =	strace $0x8000004B  }
0xb3: {  	_ =	swait.ge [sflag:s29], $0x1  }
0xb4: {  	[sflag:s29] =	ssyncadd.s32 $0xFFFFFFFF  }
0xb5: {  	_ =	strace $0x9000004B  }
0xb6: {  	_ =	sfence  }
0xb7: {  	s30 =	sld [smem:$0x0];
	_ =	sdelay $0x2  }
0xb8: {  	s31 =	sshll.u32 s1, $0xD;
	s1 =	sshrl.u32 s1, $0x2  }
0xb9: {  	s3 =	sand.u32 $0x4000, s31;
	s1 =	sadd.s32 s1, s30  }
0xba: {  	s0 =	sor.u32 s3, s0;
	s1 =	sshll.u32 s1, $0x11  }
0xbb: {  	s0 =	sor.u32 s1, s0  }
0xbc: {  	s0 =	sadd.s32 $0x8F2B, s0  }
0xbd: {  	[sflag:s0] =	ssyncadd.remote.s32 $0x1  }
0xbe: {  	_ =	sfence.sel $0xFFFF  }
0xbf: {  	[dreg:$0x0] =	wrdreg $0xFFFFFFFF;
	(pc) =	sbr.abs _section_cstart, $3  }
0xc0: {  	[dreg:$0x1] =	wrdreg $0xFFFFFFFF  }
0xc1: {  	_ =	task.clear_ibuf [dreg:s6], $0x2FFFF;
	_ =	strace $0x9FFFFFFF  }
0xc2: {  	(tm) =	ssettm $0x7FFFFFFF  }
0xc3: {  	_ =	shalt  }
tec
execute0_lowered:
.L_overlay_start_1:
0x0: {  	(tag) =	ssettag $0x1  }
0x1: {  	s0 =	srdreg.scid;
	s6 =	rddreg [dreg:$0x0]  }
0x2: {  	s11 =	stileid.u32;
	s2 =	rddreg [dreg:$0x1];
	s3 =	simm.s32 $0x0  }
0x3: {  	s12 =	simm.s32 $0x2800;
	s14 =	simm.s32 $0x1;
	s15 =	simm.s32 $0x80  }
0x4: {  	s16 =	simm.s32 $0x5000;
	s17 =	simm.s32 $0x7000;
	s19 =	simm.s32 $0x9000  }
0x5: {  	s21 =	simm.s32 $0xB000;
	s22 =	simm.s32 $0x2;
	s24 =	simm.s32 $0xD000  }
0x6: {  	s29 =	simm.s32 $0x11000;
	s31 =	simm.s32 $0x13000;
	s28 =	simm.s32 $0x4F80  }
0x7: {  	s30 =	simm.s32 $0x10;
	s18 =	simm.s32 $0x0;
	s0 =	sand.u32 $0x1, s0  }
0x8: {  	s1 =	sshll.u32 s11, $0x1;
	[smem:$0x7FF] =	sst s3;
	s7 =	smul.u32 $0x13C00, s11  }
0x9: {  	s4 =	sadd.s32 $0x5000, s6;
	s9 =	smul.u32 $0x27800, s11;
	s1 =	sor.u32 s0, s1  }
0xa: {  	s5 =	smul.u32 $0x13C000, s0;
	_ =	strace $0x8000004A;
	s0 =	ssub.s32 $0x2, s0  }
0xb: {  	s1 =	smul.u32 $0x2800, s1;
	s8 =	sshrl.u32 s0, $0x1;
	s9 =	sshrl.u32 s9, $0x2  }
0xc: {  	s5 =	sadd.s32 s7, s5;
	s0 =	ssub.s32 s0, s8;
	s26 =	sadd.s32 s9, s2  }
0xd: {  	s1 =	sshrl.u32 s1, $0x3;
	s7 =	sshrl.u32 s5, $0x3;
	s5 =	sadd.s32 $0x40200, s6  }
0xe: {  	s13 =	sshrl.u32 s26, $0x3;
	s26 =	simm.s32 $0xF000;
	s1 =	sadd.s32 s1, s6  }
0xf: {  	s10 =	sadd.s32 s7, s6;
	s7 =	sshll.u32 s11, $0x6;
	s11 =	smax.u32 s0, $0x1  }
0x10: {  	s0 =	simm.s32 $0x3;
	s6 =	sadd.s32 $0x2C200, s1;
	s8 =	sadd.s32 $0x36200, s1  }
0x11: {  	s9 =	sor.u32 $0x1C02, s7;
	s10 =	sadd.s32 $0x41600, s10;
	s1 =	simm.s32 $0x8  }
.LBB2_1:
0x12: {  	[tilespmem:s3], [sflag:$0x1] =	stream.linear.gather [hbm4b:s6+s3], $0x2800, $0x38;
	[tilespmem:$0x1EE00] =	vst v63  }
0x13: {  	_ = 	snop  }
0x14: {  	[tilespmem:s12], [sflag:$0x1] =	stream.linear.gather [hbm4b:s8+s3], $0x2800, $0x38;
	[tilespmem:$0x1EE00] =	vst v63  }
0x15: {  	[spmem:s13], [sflag:s9] =	dma.local [hbm:s5], $0x13C0  }
0x16: {  	_ =	swait.ge [sflag:s14], $0x2800  }
0x17: {  	[sflag:s14] =	ssyncset.done $0x0  }
0x18: {  	[sflag:s14] =	ssyncadd.s32 $0xFFFFD800  }
0x19: {  	_ =	swait.ge [sflag:s14], $0x2800  }
0x1a: {  	[sflag:s14] =	ssyncset.done $0x0  }
0x1b: {  	[sflag:s14] =	ssyncadd.s32 $0xFFFFD800  }
0x1c: {  	[tilespmem:s16], [sflag:$0x1] =	stream.indirect.gather [hbm4b:s4+s15], $0x40, s3, s15, $0xb8;
	[tilespmem:$0x1EE00] =	vst v63  }
0x1d: {  	_ = 	snop  }
0x1e: {  	[tilespmem:s17], [sflag:$0x1] =	stream.indirect.gather [hbm4b:s4+s15], $0x40, s15, s15, $0xb8;
	[tilespmem:$0x1EE00] =	vst v63  }
0x1f: {  	s20 =	simm.s32 $0x100  }
0x20: {  	[tilespmem:s19], [sflag:$0x1] =	stream.indirect.gather [hbm4b:s4+s15], $0x40, s20, s15, $0xb8;
	[tilespmem:$0x1EE00] =	vst v63  }
0x21: {  	s25 =	simm.s32 $0x180  }
0x22: {  	[tilespmem:s21], [sflag:$0x1] =	stream.indirect.gather [hbm4b:s4+s15], $0x40, s25, s15, $0xb8;
	[tilespmem:$0x1EE00] =	vst v63  }
0x23: {  	_ =	swait.ge [sflag:s22], $0x13C0  }
0x24: {  	[sflag:s22] =	ssyncset.done $0x0  }
0x25: {  	[sflag:s22] =	ssyncadd.s32 $0xFFFFEC40  }
0x26: {  	[bflag:$0x0] =	sbarrier.arrive $0xFFFF  }
0x27: {  	_ =	swait.ge [sflag:s14], $0x8000  }
0x28: {  	[sflag:s14] =	ssyncset.done $0x0  }
0x29: {  	s23 =	simm.s32 $0x200;
	[sflag:s14] =	ssyncadd.s32 $0xFFFF8000  }
0x2a: {  	[tilespmem:s24], [sflag:$0x1] =	stream.indirect.gather [hbm4b:s4+s15], $0x40, s23, s15, $0xb8;
	[tilespmem:$0x1EE00] =	vst v63  }
0x2b: {  	s25 =	simm.s32 $0x280  }
0x2c: {  	[tilespmem:s26], [sflag:$0x1] =	stream.indirect.gather [hbm4b:s4+s15], $0x40, s25, s15, $0xb8;
	[tilespmem:$0x1EE00] =	vst v63  }
0x2d: {  	s23 =	simm.s32 $0x300  }
0x2e: {  	[tilespmem:s29], [sflag:$0x1] =	stream.indirect.gather [hbm4b:s4+s15], $0x40, s23, s15, $0xb8;
	[tilespmem:$0x1EE00] =	vst v63  }
0x2f: {  	s25 =	simm.s32 $0x380  }
0x30: {  	[tilespmem:s31], [sflag:$0x1] =	stream.indirect.gather [hbm4b:s4+s15], $0x40, s25, s15, $0xb8;
	[tilespmem:$0x1EE00] =	vst v63  }
0x31: {  	_ = 	snop  }
0x32: {  	[spmem:s2] =	stream.indirect.scatter.add.f32 [tilespmem:s16], [sflag:$0x2], $0x40, s12, s15, $0xb8;
	[tilespmem:$0x1EE00] =	vst v63  }
0x33: {  	s23 =	simm.s32 $0x2880  }
0x34: {  	[spmem:s2] =	stream.indirect.scatter.add.f32 [tilespmem:s17], [sflag:$0x2], $0x40, s23, s15, $0xb8;
	[tilespmem:$0x1EE00] =	vst v63  }
0x35: {  	s25 =	simm.s32 $0x2900  }
0x36: {  	[spmem:s2] =	stream.indirect.scatter.add.f32 [tilespmem:s19], [sflag:$0x2], $0x40, s25, s15, $0xb8;
	[tilespmem:$0x1EE00] =	vst v63  }
0x37: {  	s23 =	simm.s32 $0x2980  }
0x38: {  	[spmem:s2] =	stream.indirect.scatter.add.f32 [tilespmem:s21], [sflag:$0x2], $0x40, s23, s15, $0xb8;
	[tilespmem:$0x1EE00] =	vst v63  }
0x39: {  	_ =	swait.ge [sflag:s14], $0x8000  }
0x3a: {  	[sflag:s14] =	ssyncset.done $0x0  }
0x3b: {  	[sflag:s14] =	ssyncadd.s32 $0xFFFF8000  }
0x3c: {  	_ =	swait.ge [sflag:s22], $0x8000  }
0x3d: {  	[sflag:s22] =	ssyncset.done $0x0  }
0x3e: {  	s25 =	simm.s32 $0x400;
	[sflag:s22] =	ssyncadd.s32 $0xFFFF8000  }
0x3f: {  	[tilespmem:s16], [sflag:$0x1] =	stream.indirect.gather [hbm4b:s4+s15], $0x40, s25, s15, $0xb8;
	[tilespmem:$0x1EE00] =	vst v63  }
0x40: {  	s23 =	simm.s32 $0x480  }
0x41: {  	[tilespmem:s17], [sflag:$0x1] =	stream.indirect.gather [hbm4b:s4+s15], $0x40, s23, s15, $0xb8;
	[tilespmem:$0x1EE00] =	vst v63  }
0x42: {  	s25 =	simm.s32 $0x500  }
0x43: {  	[tilespmem:s19], [sflag:$0x1] =	stream.indirect.gather [hbm4b:s4+s15], $0x40, s25, s15, $0xb8;
	[tilespmem:$0x1EE00] =	vst v63  }
0x44: {  	s23 =	simm.s32 $0x580  }
0x45: {  	[tilespmem:s21], [sflag:$0x1] =	stream.indirect.gather [hbm4b:s4+s15], $0x40, s23, s15, $0xb8;
	[tilespmem:$0x1EE00] =	vst v63  }
0x46: {  	s25 =	simm.s32 $0x2A00  }
0x47: {  	[spmem:s2] =	stream.indirect.scatter.add.f32 [tilespmem:s24], [sflag:$0x2], $0x40, s25, s15, $0xb8;
	[tilespmem:$0x1EE00] =	vst v63  }
0x48: {  	s23 =	simm.s32 $0x2A80  }
0x49: {  	[spmem:s2] =	stream.indirect.scatter.add.f32 [tilespmem:s26], [sflag:$0x2], $0x40, s23, s15, $0xb8;
	[tilespmem:$0x1EE00] =	vst v63  }
0x4a: {  	s25 =	simm.s32 $0x2B00  }
0x4b: {  	[spmem:s2] =	stream.indirect.scatter.add.f32 [tilespmem:s29], [sflag:$0x2], $0x40, s25, s15, $0xb8;
	[tilespmem:$0x1EE00] =	vst v63  }
0x4c: {  	s23 =	simm.s32 $0x2B80  }
0x4d: {  	[spmem:s2] =	stream.indirect.scatter.add.f32 [tilespmem:s31], [sflag:$0x2], $0x40, s23, s15, $0xb8;
	[tilespmem:$0x1EE00] =	vst v63  }
0x4e: {  	_ =	swait.ge [sflag:s14], $0x8000  }
0x4f: {  	[sflag:s14] =	ssyncset.done $0x0  }
0x50: {  	[sflag:s14] =	ssyncadd.s32 $0xFFFF8000  }
0x51: {  	_ =	swait.ge [sflag:s22], $0x8000  }
0x52: {  	[sflag:s22] =	ssyncset.done $0x0  }
0x53: {  	s25 =	simm.s32 $0x600;
	[sflag:s22] =	ssyncadd.s32 $0xFFFF8000  }
0x54: {  	[tilespmem:s24], [sflag:$0x1] =	stream.indirect.gather [hbm4b:s4+s15], $0x40, s25, s15, $0xb8;
	[tilespmem:$0x1EE00] =	vst v63  }
0x55: {  	s23 =	simm.s32 $0x680  }
0x56: {  	[tilespmem:s26], [sflag:$0x1] =	stream.indirect.gather [hbm4b:s4+s15], $0x40, s23, s15, $0xb8;
	[tilespmem:$0x1EE00] =	vst v63  }
0x57: {  	s25 =	simm.s32 $0x700  }
0x58: {  	[tilespmem:s29], [sflag:$0x1] =	stream.indirect.gather [hbm4b:s4+s15], $0x40, s25, s15, $0xb8;
	[tilespmem:$0x1EE00] =	vst v63  }
0x59: {  	s23 =	simm.s32 $0x780  }
0x5a: {  	[tilespmem:s31], [sflag:$0x1] =	stream.indirect.gather [hbm4b:s4+s15], $0x40, s23, s15, $0xb8;
	[tilespmem:$0x1EE00] =	vst v63  }
0x5b: {  	s25 =	simm.s32 $0x2C00  }
0x5c: {  	[spmem:s2] =	stream.indirect.scatter.add.f32 [tilespmem:s16], [sflag:$0x2], $0x40, s25, s15, $0xb8;
	[tilespmem:$0x1EE00] =	vst v63  }
0x5d: {  	s23 =	simm.s32 $0x2C80  }
0x5e: {  	[spmem:s2] =	stream.indirect.scatter.add.f32 [tilespmem:s17], [sflag:$0x2], $0x40, s23, s15, $0xb8;
	[tilespmem:$0x1EE00] =	vst v63  }
0x5f: {  	s25 =	simm.s32 $0x2D00  }
0x60: {  	[spmem:s2] =	stream.indirect.scatter.add.f32 [tilespmem:s19], [sflag:$0x2], $0x40, s25, s15, $0xb8;
	[tilespmem:$0x1EE00] =	vst v63  }
0x61: {  	s23 =	simm.s32 $0x2D80  }
0x62: {  	[spmem:s2] =	stream.indirect.scatter.add.f32 [tilespmem:s21], [sflag:$0x2], $0x40, s23, s15, $0xb8;
	[tilespmem:$0x1EE00] =	vst v63  }
0x63: {  	_ =	swait.ge [sflag:s14], $0x8000  }
0x64: {  	[sflag:s14] =	ssyncset.done $0x0  }
0x65: {  	[sflag:s14] =	ssyncadd.s32 $0xFFFF8000  }
0x66: {  	_ =	swait.ge [sflag:s22], $0x8000  }
0x67: {  	[sflag:s22] =	ssyncset.done $0x0  }
0x68: {  	s25 =	simm.s32 $0x800;
	[sflag:s22] =	ssyncadd.s32 $0xFFFF8000  }
0x69: {  	[tilespmem:s16], [sflag:$0x1] =	stream.indirect.gather [hbm4b:s4+s15], $0x40, s25, s15, $0xb8;
	[tilespmem:$0x1EE00] =	vst v63  }
0x6a: {  	s23 =	simm.s32 $0x880  }
0x6b: {  	[tilespmem:s17], [sflag:$0x1] =	stream.indirect.gather [hbm4b:s4+s15], $0x40, s23, s15, $0xb8;
	[tilespmem:$0x1EE00] =	vst v63  }
0x6c: {  	s25 =	simm.s32 $0x900  }
0x6d: {  	[tilespmem:s19], [sflag:$0x1] =	stream.indirect.gather [hbm4b:s4+s15], $0x40, s25, s15, $0xb8;
	[tilespmem:$0x1EE00] =	vst v63  }
0x6e: {  	s23 =	simm.s32 $0x980  }
0x6f: {  	[tilespmem:s21], [sflag:$0x1] =	stream.indirect.gather [hbm4b:s4+s15], $0x40, s23, s15, $0xb8;
	[tilespmem:$0x1EE00] =	vst v63  }
0x70: {  	s25 =	simm.s32 $0x2E00  }
0x71: {  	[spmem:s2] =	stream.indirect.scatter.add.f32 [tilespmem:s24], [sflag:$0x2], $0x40, s25, s15, $0xb8;
	[tilespmem:$0x1EE00] =	vst v63  }
0x72: {  	s23 =	simm.s32 $0x2E80  }
0x73: {  	[spmem:s2] =	stream.indirect.scatter.add.f32 [tilespmem:s26], [sflag:$0x2], $0x40, s23, s15, $0xb8;
	[tilespmem:$0x1EE00] =	vst v63  }
0x74: {  	s20 =	simm.s32 $0x1000;
	s25 =	simm.s32 $0x2F00;
	s23 =	simm.s32 $0x2F80  }
0x75: {  	[spmem:s2] =	stream.indirect.scatter.add.f32 [tilespmem:s29], [sflag:$0x2], $0x40, s25, s15, $0xb8;
	[tilespmem:$0x1EE00] =	vst v63  }
.LBB2_2:
0x76: {  	[spmem:s2] =	stream.indirect.scatter.add.f32 [tilespmem:s31], [sflag:$0x2], $0x40, s23, s15, $0xb8;
	[tilespmem:$0x1EE00] =	vst v63  }
0x77: {  	s23 =	smov.u32 s20  }
0x78: {  	p0 =	sne.s32 s20, $0x7000;
	s20 =	sadd.s32 $0x1000, s20;
	_ =	swait.ge [sflag:s14], $0x8000  }
0x79: {  	[sflag:s14] =	ssyncset.done $0x0  }
0x7a: {  	[sflag:s14] =	ssyncadd.s32 $0xFFFF8000  }
0x7b: {  	_ =	swait.ge [sflag:s22], $0x8000  }
0x7c: {  	s23 =	sshra.s32 s23, $0x2;
	[sflag:s22] =	ssyncset.done $0x0  }
0x7d: {  	s25 =	sadd.s32 $0x600, s23;
	[sflag:s22] =	ssyncadd.s32 $0xFFFF8000  }
0x7e: {  	[tilespmem:s24], [sflag:$0x1] =	stream.indirect.gather [hbm4b:s4+s15], $0x40, s25, s15, $0xb8;
	[tilespmem:$0x1EE00] =	vst v63  }
0x7f: {  	s25 =	sadd.s32 $0x680, s23  }
0x80: {  	[tilespmem:s26], [sflag:$0x1] =	stream.indirect.gather [hbm4b:s4+s15], $0x40, s25, s15, $0xb8;
	[tilespmem:$0x1EE00] =	vst v63  }
0x81: {  	s25 =	sadd.s32 $0x700, s23  }
0x82: {  	[tilespmem:s29], [sflag:$0x1] =	stream.indirect.gather [hbm4b:s4+s15], $0x40, s25, s15, $0xb8;
	[tilespmem:$0x1EE00] =	vst v63  }
0x83: {  	s25 =	sadd.s32 $0x780, s23  }
0x84: {  	[tilespmem:s31], [sflag:$0x1] =	stream.indirect.gather [hbm4b:s4+s15], $0x40, s25, s15, $0xb8;
	[tilespmem:$0x1EE00] =	vst v63  }
0x85: {  	s25 =	sadd.s32 $0x2C00, s23  }
0x86: {  	[spmem:s2] =	stream.indirect.scatter.add.f32 [tilespmem:s16], [sflag:$0x2], $0x40, s25, s15, $0xb8;
	[tilespmem:$0x1EE00] =	vst v63  }
0x87: {  	s25 =	sadd.s32 $0x2C80, s23  }
0x88: {  	[spmem:s2] =	stream.indirect.scatter.add.f32 [tilespmem:s17], [sflag:$0x2], $0x40, s25, s15, $0xb8;
	[tilespmem:$0x1EE00] =	vst v63  }
0x89: {  	s25 =	sadd.s32 $0x2D00, s23  }
0x8a: {  	[spmem:s2] =	stream.indirect.scatter.add.f32 [tilespmem:s19], [sflag:$0x2], $0x40, s25, s15, $0xb8;
	[tilespmem:$0x1EE00] =	vst v63  }
0x8b: {  	s25 =	sadd.s32 $0x2D80, s23  }
0x8c: {  	[spmem:s2] =	stream.indirect.scatter.add.f32 [tilespmem:s21], [sflag:$0x2], $0x40, s25, s15, $0xb8;
	[tilespmem:$0x1EE00] =	vst v63  }
0x8d: {  	_ =	swait.ge [sflag:s14], $0x8000  }
0x8e: {  	[sflag:s14] =	ssyncset.done $0x0  }
0x8f: {  	[sflag:s14] =	ssyncadd.s32 $0xFFFF8000  }
0x90: {  	_ =	swait.ge [sflag:s22], $0x8000  }
0x91: {  	[sflag:s22] =	ssyncset.done $0x0  }
0x92: {  	s25 =	sadd.s32 $0x800, s23;
	[sflag:s22] =	ssyncadd.s32 $0xFFFF8000  }
0x93: {  	[tilespmem:s16], [sflag:$0x1] =	stream.indirect.gather [hbm4b:s4+s15], $0x40, s25, s15, $0xb8;
	[tilespmem:$0x1EE00] =	vst v63  }
0x94: {  	s25 =	sadd.s32 $0x880, s23  }
0x95: {  	[tilespmem:s17], [sflag:$0x1] =	stream.indirect.gather [hbm4b:s4+s15], $0x40, s25, s15, $0xb8;
	[tilespmem:$0x1EE00] =	vst v63  }
0x96: {  	s25 =	sadd.s32 $0x900, s23  }
0x97: {  	[tilespmem:s19], [sflag:$0x1] =	stream.indirect.gather [hbm4b:s4+s15], $0x40, s25, s15, $0xb8;
	[tilespmem:$0x1EE00] =	vst v63  }
0x98: {  	s25 =	sadd.s32 $0x980, s23  }
0x99: {  	[tilespmem:s21], [sflag:$0x1] =	stream.indirect.gather [hbm4b:s4+s15], $0x40, s25, s15, $0xb8;
	[tilespmem:$0x1EE00] =	vst v63  }
0x9a: {  	s25 =	sadd.s32 $0x2E00, s23  }
0x9b: {  	[spmem:s2] =	stream.indirect.scatter.add.f32 [tilespmem:s24], [sflag:$0x2], $0x40, s25, s15, $0xb8;
	[tilespmem:$0x1EE00] =	vst v63  }
.Ltmp0:
0x9c: {  	s25 =	sadd.s32 $0x2E80, s23;
	(pc) =	sbr.rel @p0 .LBB2_2-.Ltmp0, $4  }
0x9d: {  	[spmem:s2] =	stream.indirect.scatter.add.f32 [tilespmem:s26], [sflag:$0x2], $0x40, s25, s15, $0xb8;
	[tilespmem:$0x1EE00] =	vst v63  }
0x9e: {  	s25 =	sadd.s32 $0x2F00, s23  }
0x9f: {  	[spmem:s2] =	stream.indirect.scatter.add.f32 [tilespmem:s29], [sflag:$0x2], $0x40, s25, s15, $0xb8;
	[tilespmem:$0x1EE00] =	vst v63  }
0xa0: {  	s23 =	sadd.s32 $0x2F80, s23  }
0xa1: {  	[spmem:s2] =	stream.indirect.scatter.add.f32 [tilespmem:s31], [sflag:$0x2], $0x40, s23, s15, $0xb8;
	[tilespmem:$0x1EE00] =	vst v63  }
0xa2: {  	_ =	swait.ge [sflag:s14], $0x8000  }
0xa3: {  	[sflag:s14] =	ssyncset.done $0x0  }
0xa4: {  	[sflag:s14] =	ssyncadd.s32 $0xFFFF8000  }
0xa5: {  	_ =	swait.ge [sflag:s22], $0x8000  }
0xa6: {  	[sflag:s22] =	ssyncset.done $0x0  }
0xa7: {  	s20 =	simm.s32 $0x2600;
	[sflag:s22] =	ssyncadd.s32 $0xFFFF8000  }
0xa8: {  	[tilespmem:s24], [sflag:$0x1] =	stream.indirect.gather [hbm4b:s4+s15], $0x40, s20, s15, $0xb8;
	[tilespmem:$0x1EE00] =	vst v63  }
0xa9: {  	s25 =	simm.s32 $0x2680  }
0xaa: {  	[tilespmem:s26], [sflag:$0x1] =	stream.indirect.gather [hbm4b:s4+s15], $0x40, s25, s15, $0xb8;
	[tilespmem:$0x1EE00] =	vst v63  }
0xab: {  	s23 =	simm.s32 $0x2700  }
0xac: {  	[tilespmem:s29], [sflag:$0x1] =	stream.indirect.gather [hbm4b:s4+s15], $0x40, s23, s15, $0xb8;
	[tilespmem:$0x1EE00] =	vst v63  }
0xad: {  	s25 =	simm.s32 $0x2780  }
0xae: {  	[tilespmem:s31], [sflag:$0x1] =	stream.indirect.gather [hbm4b:s4+s15], $0x40, s25, s15, $0xb8;
	[tilespmem:$0x1EE00] =	vst v63  }
0xaf: {  	s23 =	simm.s32 $0x4C00  }
0xb0: {  	[spmem:s2] =	stream.indirect.scatter.add.f32 [tilespmem:s16], [sflag:$0x2], $0x40, s23, s15, $0xb8;
	[tilespmem:$0x1EE00] =	vst v63  }
0xb1: {  	s25 =	simm.s32 $0x4C80  }
0xb2: {  	[spmem:s2] =	stream.indirect.scatter.add.f32 [tilespmem:s17], [sflag:$0x2], $0x40, s25, s15, $0xb8;
	[tilespmem:$0x1EE00] =	vst v63  }
0xb3: {  	s23 =	simm.s32 $0x4D00  }
0xb4: {  	[spmem:s2] =	stream.indirect.scatter.add.f32 [tilespmem:s19], [sflag:$0x2], $0x40, s23, s15, $0xb8;
	[tilespmem:$0x1EE00] =	vst v63  }
0xb5: {  	s25 =	simm.s32 $0x4D80  }
0xb6: {  	[spmem:s2] =	stream.indirect.scatter.add.f32 [tilespmem:s21], [sflag:$0x2], $0x40, s25, s15, $0xb8;
	[tilespmem:$0x1EE00] =	vst v63  }
0xb7: {  	_ =	swait.ge [sflag:s14], $0x8000  }
0xb8: {  	[sflag:s14] =	ssyncset.done $0x0  }
0xb9: {  	[sflag:s14] =	ssyncadd.s32 $0xFFFF8000  }
0xba: {  	_ =	swait.ge [sflag:s22], $0x8000  }
0xbb: {  	[sflag:s22] =	ssyncset.done $0x0  }
0xbc: {  	s23 =	simm.s32 $0x4E00;
	[sflag:s22] =	ssyncadd.s32 $0xFFFF8000  }
0xbd: {  	[spmem:s2] =	stream.indirect.scatter.add.f32 [tilespmem:s24], [sflag:$0x2], $0x40, s23, s15, $0xb8;
	[tilespmem:$0x1EE00] =	vst v63  }
0xbe: {  	s25 =	simm.s32 $0x4E80  }
0xbf: {  	[spmem:s2] =	stream.indirect.scatter.add.f32 [tilespmem:s26], [sflag:$0x2], $0x40, s25, s15, $0xb8;
	[tilespmem:$0x1EE00] =	vst v63  }
0xc0: {  	s23 =	simm.s32 $0x4F00  }
0xc1: {  	[spmem:s2] =	stream.indirect.scatter.add.f32 [tilespmem:s29], [sflag:$0x2], $0x40, s23, s15, $0xb8;
	[tilespmem:$0x1EE00] =	vst v63  }
0xc2: {  	_ = 	snop  }
0xc3: {  	[spmem:s2] =	stream.indirect.scatter.add.f32 [tilespmem:s31], [sflag:$0x2], $0x40, s28, s15, $0xb8;
	[tilespmem:$0x1EE00] =	vst v63  }
0xc4: {  	_ =	swait.ge [sflag:s22], $0x8000  }
0xc5: {  	s18 =	sadd.s32 $0x1, s18;
	[sflag:s22] =	ssyncset.done $0x0  }
0xc6: {  	p0 =	sne.s32 s18, s11;
	[sflag:s22] =	ssyncadd.s32 $0xFFFF8000  }
.Ltmp1:
0xc7: {  	s25 =	sor.u32 $0x1C03, s7;
	[bflag:$0x0] =	sbarrier.arrive $0xFFFF;
	(pc) =	sbr.rel @p0 .LBB2_1-.Ltmp1, $4  }
0xc8: {  	[hbm:s10@s30], [sflag:s25] =	dma.strided [spmem:s13@s1], $0x13C0, s14, $0x8   }
0xc9: {  	_ =	swait.ge [sflag:s0], $0x13C0  }
0xca: {  	[sflag:s0] =	ssyncset.done $0x0  }
0xcb: {  	[sflag:s0] =	ssyncadd.s32 $0xFFFFEC40  }
0xcc: {  	_ =	sfence.sel $0x180000  }
0xcd: {  	[bflag:$0x0] =	sbarrier.arrive $0xFFFF  }
0xce: {  	_ =	strace $0x9000004A  }
0xcf: {  	s0 =	stileid.u32;
	[bflag:$0x2] =	sbarrier.arrive $0xFFFF  }
0xd0: {  	p0 =	sne.s32 s0, $0x0;
	s0 =	rddreg [dreg:$0x2]  }
0xd1: {  	s0 =	sadd.s32 @!p0 $0x100000, s0  }
0xd2: {  	[sflag:s0] =	ssyncadd.tile.s32 @!p0 $0x1;
	_ =	shalt  }
.Lfunc_end2:
_tile_overlayer_lowered:
.L_overlay_start_2:
0xd3: {  	(tag) =	ssettag $0x2  }
0xd4: {  	s0 =	rddreg [dreg:$0x0];
	s2 =	stileid.u32  }
0xd5: {  	s1 =	rddreg [dreg:$0x1];
	p0 =	sne.s32 s2, $0x0  }
0xd6: {  	s3 =	rddreg [dreg:$0x2];
	[bflag:$0x3] =	sbarrier.arrive $0xFFFF;
	s2 =	simm.s32 @!p0 $0x1C03  }
0xd7: {  	[timem:s3], [sflag:s2] =	dma.local @!p0 [hbm:s0], s1  }
0xd8: {  	s0 =	simm.s32 @!p0 $0x3  }
0xd9: {  	_ =	swait.ge @!p0 [sflag:s0], s1  }
0xda: {  	s1 =	ssub.s32 @!p0 $0x0, s1;
	[sflag:s0] =	ssyncset.done @!p0 $0x0  }
0xdb: {  	[sflag:s0] =	ssyncadd.s32 @!p0 s1  }
0xdc: {  	[bflag:$0x3] =	sbarrier.arrive $0xFFFF  }
0xdd: {  	_ =	shalt  }

// kernel: kernel.18.cloned.1.call-start
scs
__scs_entry_jumppad:
0x0: {  	(pc) =	sbr.rel $0x88, $3  }
0x1: {  	(tag) =	ssettag $0x0;
	lr =	simm.s32 $0x1  }
0x2: {  	[smem:$0x3F82] =	sst lr;
	_ =	strace $0xD0000000  }
0x3: {  	_ = 	snop  }
0x4: {  	_ = 	snop  }
0x5: {  	_ = 	snop  }
0x6: {  	_ = 	snop  }
0x7: {  	_ = 	snop  }
__scs_overlays_trampoline_lowered:
0x8: {  	[smem:$0x3F91] =	sst s0  }
0x9: {  	[smem:$0x3F92] =	sst s1  }
0xa: {  	[smem:$0x3F93] =	sst s2  }
0xb: {  	[smem:$0x3F94] =	sst s3  }
0xc: {  	[smem:$0x3F95] =	sst s4  }
0xd: {  	[smem:$0x3F96] =	sst s5  }
0xe: {  	[smem:$0x3F97] =	sst s6  }
0xf: {  	[smem:$0x3F98] =	sst s7  }
0x10: {  	[smem:$0x3F99] =	sst s8  }
0x11: {  	[smem:$0x3F9A] =	sst s9;
	s0 =	simm.s32 @!p0 $0x0  }
0x12: {  	s1 =	sld [smem:$0x3F80];
	s0 =	simm.s32 @p0 $0x1  }
0x13: {  	[smem:$0x3F9B] =	sst s0;
	s0 =	simm.s32 @!p1 $0x0  }
0x14: {  	s2 =	sld [smem:$0x3F7F];
	s0 =	simm.s32 @p1 $0x1  }
0x15: {  	[smem:$0x3F9C] =	sst s0;
	s0 =	simm.s32 @!p2 $0x0  }
0x16: {  	s3 =	sld [smem:$0x3FDB];
	s0 =	simm.s32 @p2 $0x1  }
0x17: {  	s4 =	simm.s32 $0x1BF5;
	[smem:$0x3F9E] =	sst s0  }
0x18: {  	s0 =	sld [smem:$0x3F81];
	_ =	swait.ge [sflag:s4], $0x0  }
0x19: {  	s7 =	sld [smem:$0x3F82]  }
0x1a: {  	s8 =	sadd.s32 $0xFFFFE003, lr  }
0x1b: {  	s9 =	sadd.s32 $0xFFFFFEF7, lr;
	s5 =	simm.s32 $0xFFFFFFFF;
	p2 =	slt.u32 s8, $0xFFFFF086  }
0x1c: {  	p1 =	slt.u32 s9, $0xF7A;
	s5 =	simm.s32 @!p2 $0x0  }
0x1d: {  	s5 =	simm.s32 @p1 $0x1;
	p0 =	seq.s32 s7, s2  }
0x1e: {  	s7 =	smul.u32 @!p0 $0xF7A, s2;
	p2 =	seq.s32 @!p0 s5, $0x0  }
0x1f: {  	s9 =	smul.u32 $0xF7A, s1;
	s8 =	simm.s32 @!p0 $0x1BF5;
	p2 =	por !p2, p0  }
0x20: {  	[sflag:s8] =	ssyncset.s32 @!p0 $0xFFFFF086;
	s6 =	sadd.s32 @!p0 s3, s7;
	s7 =	simm.s32 @!p0 $0x108  }
0x21: {  	s3 =	sadd.s32 s3, s9;
	s6 =	sadd.s32 @!p0 $0x88, s6;
	s7 =	simm.s32 @p2 $0x1082  }
0x22: {  	[simem:s7], [sflag:s8] =	dma.local @!p0 [hbm:s6], $0xF7A  }
0x23: {  	s9 =	sor.u32 $0xD0000000, s2;
	s6 =	simm.s32 $0x108;
	_ =	swait.ge @!p0 [sflag:s8], $0x0  }
0x24: {  	s3 =	sadd.s32 $0x88, s3;
	s6 =	simm.s32 @!p1 $0x1082;
	[sflag:s4] =	ssyncset.s32 $0xFFFFF086  }
0x25: {  	[simem:s6], [sflag:s4] =	dma.local [hbm:s3], $0xF7A  }
0x26: {  	[smem:$0x3F82] =	sst s1;
	(tag) =	ssettag s2;
	_ =	strace s9  }
0x27: {  	s1 =	sld [smem:$0x3F92]  }
0x28: {  	s2 =	sld [smem:$0x3F93]  }
0x29: {  	s4 =	sld [smem:$0x3F95]  }
0x2a: {  	p0 =	seq.s32 s5, $0x0;
	s5 =	sld [smem:$0x3F96]  }
0x2b: {  	s6 =	sld [smem:$0x3F97]  }
0x2c: {  	s7 =	sld [smem:$0x3F98]  }
0x2d: {  	s3 =	simm.s32 $0x108;
	s8 =	sld [smem:$0x3F99]  }
0x2e: {  	s3 =	simm.s32 @!p0 $0x1082;
	s9 =	sld [smem:$0x3F9A]  }
0x2f: {  	lr =	sadd.s32 s0, s3;
	s0 =	sld [smem:$0x3F91]  }
0x30: {  	s3 =	sld [smem:$0x3F94]  }
0x31: {  	[smem:$0x3F9D] =	sst s10  }
0x32: {  	s10 =	sld [smem:$0x3F9B];
	_ =	sdelay $0x3  }
0x33: {  	p0 =	seq.s32 s10, $0x1;
	s10 =	sld [smem:$0x3F9D];
	_ =	sdelay $0x3  }
0x34: {  	[smem:$0x3F9D] =	sst s10  }
0x35: {  	s10 =	sld [smem:$0x3F9C];
	_ =	sdelay $0x3  }
0x36: {  	p1 =	seq.s32 s10, $0x1;
	s10 =	sld [smem:$0x3F9D];
	_ =	sdelay $0x3  }
0x37: {  	[smem:$0x3F9D] =	sst s10  }
0x38: {  	s10 =	sld [smem:$0x3F9E]  }
0x39: {  	_ = 	snop;
	(pc) =	sbr.ind lr, $3  }
0x3a: {  	_ = 	snop  }
0x3b: {  	_ = 	snop  }
0x3c: {  	p2 =	seq.s32 s10, $0x1;
	s10 =	sld [smem:$0x3F9D]  }
0x3d: {  	_ =	shalt  }
0x3e: {  	_ =	shalt  }
0x3f: {  	_ =	shalt  }
0x40: {  	_ =	shalt  }
0x41: {  	_ =	shalt  }
0x42: {  	_ =	shalt  }
0x43: {  	_ =	shalt  }
0x44: {  	_ =	shalt  }
0x45: {  	_ =	shalt  }
0x46: {  	_ =	shalt  }
0x47: {  	_ =	shalt  }
0x48: {  	_ =	shalt  }
0x49: {  	_ =	shalt  }
0x4a: {  	_ =	shalt  }
0x4b: {  	_ =	shalt  }
0x4c: {  	_ =	shalt  }
0x4d: {  	_ =	shalt  }
0x4e: {  	_ =	shalt  }
0x4f: {  	_ =	shalt  }
0x50: {  	_ =	shalt  }
0x51: {  	_ =	shalt  }
0x52: {  	_ =	shalt  }
0x53: {  	_ =	shalt  }
0x54: {  	_ =	shalt  }
0x55: {  	_ =	shalt  }
0x56: {  	_ =	shalt  }
0x57: {  	_ =	shalt  }
0x58: {  	_ =	shalt  }
0x59: {  	_ =	shalt  }
0x5a: {  	_ =	shalt  }
0x5b: {  	_ =	shalt  }
0x5c: {  	_ =	shalt  }
0x5d: {  	_ =	shalt  }
0x5e: {  	_ =	shalt  }
0x5f: {  	_ =	shalt  }
0x60: {  	_ =	shalt  }
0x61: {  	_ =	shalt  }
0x62: {  	_ =	shalt  }
0x63: {  	_ =	shalt  }
0x64: {  	_ =	shalt  }
0x65: {  	_ =	shalt  }
0x66: {  	_ =	shalt  }
0x67: {  	_ =	shalt  }
0x68: {  	_ =	shalt  }
0x69: {  	_ =	shalt  }
0x6a: {  	_ =	shalt  }
0x6b: {  	_ =	shalt  }
0x6c: {  	_ =	shalt  }
0x6d: {  	_ =	shalt  }
0x6e: {  	_ =	shalt  }
0x6f: {  	_ =	shalt  }
0x70: {  	_ =	shalt  }
0x71: {  	_ =	shalt  }
0x72: {  	_ =	shalt  }
0x73: {  	_ =	shalt  }
0x74: {  	_ =	shalt  }
0x75: {  	_ =	shalt  }
0x76: {  	_ =	shalt  }
0x77: {  	_ =	shalt  }
0x78: {  	_ =	shalt  }
0x79: {  	_ =	shalt  }
0x7a: {  	_ =	shalt  }
0x7b: {  	_ =	shalt  }
0x7c: {  	_ =	shalt  }
0x7d: {  	_ =	shalt  }
0x7e: {  	_ =	shalt  }
0x7f: {  	_ =	shalt  }
0x80: {  	_ =	shalt  }
0x81: {  	_ =	shalt  }
0x82: {  	_ =	shalt  }
0x83: {  	_ =	shalt  }
0x84: {  	_ =	shalt  }
0x85: {  	_ =	shalt  }
0x86: {  	_ =	shalt  }
0x87: {  	_ =	shalt  }
.Lfunc_end0:
.L_simem_size_0:
called_computation.2_lowered:
.L_overlay_start_0:
0x88: {  	s2 =	sld [smem:$0x3FD9]  }
0x89: {  	s3 =	sld [smem:$0x3FFE];
	_ =	sdelay $0x1  }
0x8a: {  	s1 =	srdreg.scid  }
0x8b: {  	s0 =	sand.u32 $0x1, s1  }
0x8c: {  	s16 =	sshll.u32 s0, $0xA;
	s2 =	sadd.s32 s3, s2  }
0x8d: {  	s2 =	sadd.s32 s2, s16  }
0x8e: {  	[smem:$0x3FA9] =	sst s2  }
0x8f: {  	_ = 	snop  }
0x90: {  	(tm) =	ssettm $0x1  }
0x91: {  	s17 =	sld [smem:$0x3FFB];
	_ =	sdelay $0x3  }
0x92: {  	_ =	strace s17  }
0x93: {  	s2 =	sld [smem:$0x3FFC];
	_ =	sdelay $0x3  }
0x94: {  	_ =	strace s2  }
0x95: {  	s2 =	sld [smem:$0x3FFD];
	_ =	sdelay $0x3  }
0x96: {  	_ =	strace s2  }
0x97: {  	_ =	strace $0x8FFFFFFF  }
0x98: {  	s18 =	sld [smem:$0x3FDB];
	_ =	sdelay $0x1  }
0x99: {  	s19 =	simm.s32 $_scs_section_size  }
0x9a: {  	s4 =	simm.s32 $_size__tile_overlayer_lowered;
	s5 =	simm.s32 $_tile_overlayer_lowered  }
0x9b: {  	s22 =	simm.s32 $0x1BFF;
	s21 =	sshll.u32 s5, $0x1;
	s2 =	sadd.s32 s19, s18  }
0x9c: {  	s6 =	simm.s32 $0x0;
	s20 =	sshll.u32 s4, $0x1;
	s4 =	sadd.s32 s21, s2  }
0x9d: {  	[timem:s6], [sflag:s22] =	dma.local [hbm:s4], s20  }
0x9e: {  	_ =	swait.ge [sflag:s22], s20  }
0x9f: {  	s3 =	ssub.s32 $0x0, s20;
	[sflag:s22] =	ssyncset.done $0x0  }
0xa0: {  	[sflag:s22] =	ssyncadd.s32 s3;
	_ =	sdelay $0x1  }
0xa1: {  	s23 =	simm.s32 $0x1B8B  }
0xa2: {  	_ =	swait.ge [sflag:s23], $0x1  }
0xa3: {  	[sflag:s23] =	ssyncset.done $0x0  }
0xa4: {  	s25 =	simm.s32 $0x1B8E;
	s24 =	sld [smem:$0x3FFE];
	[sflag:s23] =	ssyncadd.s32 $0xFFFFFFFF  }
0xa5: {  	s26 =	simm.s32 $execute0_lowered;
	[smem:$0x3FD2] =	sst s25  }
0xa6: {  	s4 =	sshll.u32 s26, $0x1;
	_ =	strace $0x8000004C;
	[dreg:$0x1] =	wrdreg $0xFFFFFFFF  }
0xa7: {  	s28 =	simm.s32 $_size_execute0_lowered;
	s2 =	sadd.s32 s2, s4;
	[dreg:$0x0] =	wrdreg $0x0  }
0xa8: {  	s4 =	sshll.u32 s28, $0x1;
	[dreg:$0x2] =	wrdreg s2  }
0xa9: {  	[dreg:$0x3] =	wrdreg s4  }
0xaa: {  	[dreg:$0x4] =	wrdreg $0xC0  }
0xab: {  	_ =	task [dreg:s6], $0x5FFFF  }
0xac: {  	[dreg:$0x1] =	wrdreg $0xFFFFFFFF  }
0xad: {  	[dreg:$0x0] =	wrdreg $0x60  }
0xae: {  	[dreg:$0x2] =	wrdreg s24  }
0xaf: {  	[dreg:$0x3] =	wrdreg $0x150000  }
0xb0: {  	[dreg:$0x4] =	wrdreg $0x9  }
0xb1: {  	_ =	task.clear_ibuf [dreg:s6], $0x5FFFF;
	_ =	strace $0x9000004C  }
0xb2: {  	s29 =	simm.s32 $0x9;
	_ =	strace $0x8000004E  }
0xb3: {  	_ =	swait.ge [sflag:s29], $0x1  }
0xb4: {  	[sflag:s29] =	ssyncadd.s32 $0xFFFFFFFF  }
0xb5: {  	_ =	strace $0x9000004E  }
0xb6: {  	_ =	sfence  }
0xb7: {  	s30 =	sld [smem:$0x0];
	_ =	sdelay $0x2  }
0xb8: {  	s31 =	sshll.u32 s1, $0xD;
	s1 =	sshrl.u32 s1, $0x2  }
0xb9: {  	s3 =	sand.u32 $0x4000, s31;
	s1 =	sadd.s32 s1, s30  }
0xba: {  	s0 =	sor.u32 s3, s0;
	s1 =	sshll.u32 s1, $0x11  }
0xbb: {  	s0 =	sor.u32 s1, s0  }
0xbc: {  	s0 =	sadd.s32 $0x8F2B, s0  }
0xbd: {  	[sflag:s0] =	ssyncadd.remote.s32 $0x1  }
0xbe: {  	_ =	sfence.sel $0xFFFF  }
0xbf: {  	[dreg:$0x0] =	wrdreg $0xFFFFFFFF;
	(pc) =	sbr.abs _section_cstart, $3  }
0xc0: {  	[dreg:$0x1] =	wrdreg $0xFFFFFFFF  }
0xc1: {  	_ =	task.clear_ibuf [dreg:s6], $0x2FFFF;
	_ =	strace $0x9FFFFFFF  }
0xc2: {  	(tm) =	ssettm $0x7FFFFFFF  }
0xc3: {  	_ =	shalt  }
tec
execute0_lowered:
.L_overlay_start_1:
0x0: {  	(tag) =	ssettag $0x1  }
0x1: {  	s0 =	srdreg.scid;
	s6 =	rddreg [dreg:$0x0]  }
0x2: {  	s11 =	stileid.u32;
	s2 =	rddreg [dreg:$0x1];
	s3 =	simm.s32 $0x0  }
0x3: {  	s12 =	simm.s32 $0x2800;
	s14 =	simm.s32 $0x1;
	s15 =	simm.s32 $0x80  }
0x4: {  	s16 =	simm.s32 $0x5000;
	s17 =	simm.s32 $0x7000;
	s19 =	simm.s32 $0x9000  }
0x5: {  	s21 =	simm.s32 $0xB000;
	s22 =	simm.s32 $0x2;
	s24 =	simm.s32 $0xD000  }
0x6: {  	s29 =	simm.s32 $0x11000;
	s31 =	simm.s32 $0x13000;
	s28 =	simm.s32 $0x4F80  }
0x7: {  	s30 =	simm.s32 $0x10;
	s18 =	simm.s32 $0x0;
	s0 =	sand.u32 $0x1, s0  }
0x8: {  	s1 =	sshll.u32 s11, $0x1;
	[smem:$0x7FF] =	sst s3;
	s7 =	smul.u32 $0x13C00, s11  }
0x9: {  	s4 =	sadd.s32 $0x5000, s6;
	s9 =	smul.u32 $0x27800, s11;
	s1 =	sor.u32 s0, s1  }
0xa: {  	s5 =	smul.u32 $0x13C000, s0;
	_ =	strace $0x8000004D;
	s0 =	ssub.s32 $0x2, s0  }
0xb: {  	s1 =	smul.u32 $0x2800, s1;
	s8 =	sshrl.u32 s0, $0x1;
	s9 =	sshrl.u32 s9, $0x2  }
0xc: {  	s5 =	sadd.s32 s7, s5;
	s0 =	ssub.s32 s0, s8;
	s26 =	sadd.s32 s9, s2  }
0xd: {  	s1 =	sshrl.u32 s1, $0x3;
	s7 =	sshrl.u32 s5, $0x3;
	s5 =	sadd.s32 $0x40200, s6  }
0xe: {  	s13 =	sshrl.u32 s26, $0x3;
	s26 =	simm.s32 $0xF000;
	s1 =	sadd.s32 s1, s6  }
0xf: {  	s10 =	sadd.s32 s7, s6;
	s7 =	sshll.u32 s11, $0x6;
	s11 =	smax.u32 s0, $0x1  }
0x10: {  	s0 =	simm.s32 $0x3;
	s6 =	sadd.s32 $0x2C200, s1;
	s8 =	sadd.s32 $0x36200, s1  }
0x11: {  	s9 =	sor.u32 $0x1C02, s7;
	s10 =	sadd.s32 $0x41600, s10;
	s1 =	simm.s32 $0x8  }
.LBB2_1:
0x12: {  	[tilespmem:s3], [sflag:$0x1] =	stream.linear.gather [hbm4b:s6+s3], $0x2800, $0x38;
	[tilespmem:$0x1EE00] =	vst v63  }
0x13: {  	_ = 	snop  }
0x14: {  	[tilespmem:s12], [sflag:$0x1] =	stream.linear.gather [hbm4b:s8+s3], $0x2800, $0x38;
	[tilespmem:$0x1EE00] =	vst v63  }
0x15: {  	[spmem:s13], [sflag:s9] =	dma.local [hbm:s5], $0x13C0  }
0x16: {  	_ =	swait.ge [sflag:s14], $0x2800  }
0x17: {  	[sflag:s14] =	ssyncset.done $0x0  }
0x18: {  	[sflag:s14] =	ssyncadd.s32 $0xFFFFD800  }
0x19: {  	_ =	swait.ge [sflag:s14], $0x2800  }
0x1a: {  	[sflag:s14] =	ssyncset.done $0x0  }
0x1b: {  	[sflag:s14] =	ssyncadd.s32 $0xFFFFD800  }
0x1c: {  	[tilespmem:s16], [sflag:$0x1] =	stream.indirect.gather [hbm4b:s4+s15], $0x40, s3, s15, $0xb8;
	[tilespmem:$0x1EE00] =	vst v63  }
0x1d: {  	_ = 	snop  }
0x1e: {  	[tilespmem:s17], [sflag:$0x1] =	stream.indirect.gather [hbm4b:s4+s15], $0x40, s15, s15, $0xb8;
	[tilespmem:$0x1EE00] =	vst v63  }
0x1f: {  	s20 =	simm.s32 $0x100  }
0x20: {  	[tilespmem:s19], [sflag:$0x1] =	stream.indirect.gather [hbm4b:s4+s15], $0x40, s20, s15, $0xb8;
	[tilespmem:$0x1EE00] =	vst v63  }
0x21: {  	s25 =	simm.s32 $0x180  }
0x22: {  	[tilespmem:s21], [sflag:$0x1] =	stream.indirect.gather [hbm4b:s4+s15], $0x40, s25, s15, $0xb8;
	[tilespmem:$0x1EE00] =	vst v63  }
0x23: {  	_ =	swait.ge [sflag:s22], $0x13C0  }
0x24: {  	[sflag:s22] =	ssyncset.done $0x0  }
0x25: {  	[sflag:s22] =	ssyncadd.s32 $0xFFFFEC40  }
0x26: {  	[bflag:$0x0] =	sbarrier.arrive $0xFFFF  }
0x27: {  	_ =	swait.ge [sflag:s14], $0x8000  }
0x28: {  	[sflag:s14] =	ssyncset.done $0x0  }
0x29: {  	s23 =	simm.s32 $0x200;
	[sflag:s14] =	ssyncadd.s32 $0xFFFF8000  }
0x2a: {  	[tilespmem:s24], [sflag:$0x1] =	stream.indirect.gather [hbm4b:s4+s15], $0x40, s23, s15, $0xb8;
	[tilespmem:$0x1EE00] =	vst v63  }
0x2b: {  	s25 =	simm.s32 $0x280  }
0x2c: {  	[tilespmem:s26], [sflag:$0x1] =	stream.indirect.gather [hbm4b:s4+s15], $0x40, s25, s15, $0xb8;
	[tilespmem:$0x1EE00] =	vst v63  }
0x2d: {  	s23 =	simm.s32 $0x300  }
0x2e: {  	[tilespmem:s29], [sflag:$0x1] =	stream.indirect.gather [hbm4b:s4+s15], $0x40, s23, s15, $0xb8;
	[tilespmem:$0x1EE00] =	vst v63  }
0x2f: {  	s25 =	simm.s32 $0x380  }
0x30: {  	[tilespmem:s31], [sflag:$0x1] =	stream.indirect.gather [hbm4b:s4+s15], $0x40, s25, s15, $0xb8;
	[tilespmem:$0x1EE00] =	vst v63  }
0x31: {  	_ = 	snop  }
0x32: {  	[spmem:s2] =	stream.indirect.scatter.add.f32 [tilespmem:s16], [sflag:$0x2], $0x40, s12, s15, $0xb8;
	[tilespmem:$0x1EE00] =	vst v63  }
0x33: {  	s23 =	simm.s32 $0x2880  }
0x34: {  	[spmem:s2] =	stream.indirect.scatter.add.f32 [tilespmem:s17], [sflag:$0x2], $0x40, s23, s15, $0xb8;
	[tilespmem:$0x1EE00] =	vst v63  }
0x35: {  	s25 =	simm.s32 $0x2900  }
0x36: {  	[spmem:s2] =	stream.indirect.scatter.add.f32 [tilespmem:s19], [sflag:$0x2], $0x40, s25, s15, $0xb8;
	[tilespmem:$0x1EE00] =	vst v63  }
0x37: {  	s23 =	simm.s32 $0x2980  }
0x38: {  	[spmem:s2] =	stream.indirect.scatter.add.f32 [tilespmem:s21], [sflag:$0x2], $0x40, s23, s15, $0xb8;
	[tilespmem:$0x1EE00] =	vst v63  }
0x39: {  	_ =	swait.ge [sflag:s14], $0x8000  }
0x3a: {  	[sflag:s14] =	ssyncset.done $0x0  }
0x3b: {  	[sflag:s14] =	ssyncadd.s32 $0xFFFF8000  }
0x3c: {  	_ =	swait.ge [sflag:s22], $0x8000  }
0x3d: {  	[sflag:s22] =	ssyncset.done $0x0  }
0x3e: {  	s25 =	simm.s32 $0x400;
	[sflag:s22] =	ssyncadd.s32 $0xFFFF8000  }
0x3f: {  	[tilespmem:s16], [sflag:$0x1] =	stream.indirect.gather [hbm4b:s4+s15], $0x40, s25, s15, $0xb8;
	[tilespmem:$0x1EE00] =	vst v63  }
0x40: {  	s23 =	simm.s32 $0x480  }
0x41: {  	[tilespmem:s17], [sflag:$0x1] =	stream.indirect.gather [hbm4b:s4+s15], $0x40, s23, s15, $0xb8;
	[tilespmem:$0x1EE00] =	vst v63  }
0x42: {  	s25 =	simm.s32 $0x500  }
0x43: {  	[tilespmem:s19], [sflag:$0x1] =	stream.indirect.gather [hbm4b:s4+s15], $0x40, s25, s15, $0xb8;
	[tilespmem:$0x1EE00] =	vst v63  }
0x44: {  	s23 =	simm.s32 $0x580  }
0x45: {  	[tilespmem:s21], [sflag:$0x1] =	stream.indirect.gather [hbm4b:s4+s15], $0x40, s23, s15, $0xb8;
	[tilespmem:$0x1EE00] =	vst v63  }
0x46: {  	s25 =	simm.s32 $0x2A00  }
0x47: {  	[spmem:s2] =	stream.indirect.scatter.add.f32 [tilespmem:s24], [sflag:$0x2], $0x40, s25, s15, $0xb8;
	[tilespmem:$0x1EE00] =	vst v63  }
0x48: {  	s23 =	simm.s32 $0x2A80  }
0x49: {  	[spmem:s2] =	stream.indirect.scatter.add.f32 [tilespmem:s26], [sflag:$0x2], $0x40, s23, s15, $0xb8;
	[tilespmem:$0x1EE00] =	vst v63  }
0x4a: {  	s25 =	simm.s32 $0x2B00  }
0x4b: {  	[spmem:s2] =	stream.indirect.scatter.add.f32 [tilespmem:s29], [sflag:$0x2], $0x40, s25, s15, $0xb8;
	[tilespmem:$0x1EE00] =	vst v63  }
0x4c: {  	s23 =	simm.s32 $0x2B80  }
0x4d: {  	[spmem:s2] =	stream.indirect.scatter.add.f32 [tilespmem:s31], [sflag:$0x2], $0x40, s23, s15, $0xb8;
	[tilespmem:$0x1EE00] =	vst v63  }
0x4e: {  	_ =	swait.ge [sflag:s14], $0x8000  }
0x4f: {  	[sflag:s14] =	ssyncset.done $0x0  }
0x50: {  	[sflag:s14] =	ssyncadd.s32 $0xFFFF8000  }
0x51: {  	_ =	swait.ge [sflag:s22], $0x8000  }
0x52: {  	[sflag:s22] =	ssyncset.done $0x0  }
0x53: {  	s25 =	simm.s32 $0x600;
	[sflag:s22] =	ssyncadd.s32 $0xFFFF8000  }
0x54: {  	[tilespmem:s24], [sflag:$0x1] =	stream.indirect.gather [hbm4b:s4+s15], $0x40, s25, s15, $0xb8;
	[tilespmem:$0x1EE00] =	vst v63  }
0x55: {  	s23 =	simm.s32 $0x680  }
0x56: {  	[tilespmem:s26], [sflag:$0x1] =	stream.indirect.gather [hbm4b:s4+s15], $0x40, s23, s15, $0xb8;
	[tilespmem:$0x1EE00] =	vst v63  }
0x57: {  	s25 =	simm.s32 $0x700  }
0x58: {  	[tilespmem:s29], [sflag:$0x1] =	stream.indirect.gather [hbm4b:s4+s15], $0x40, s25, s15, $0xb8;
	[tilespmem:$0x1EE00] =	vst v63  }
0x59: {  	s23 =	simm.s32 $0x780  }
0x5a: {  	[tilespmem:s31], [sflag:$0x1] =	stream.indirect.gather [hbm4b:s4+s15], $0x40, s23, s15, $0xb8;
	[tilespmem:$0x1EE00] =	vst v63  }
0x5b: {  	s25 =	simm.s32 $0x2C00  }
0x5c: {  	[spmem:s2] =	stream.indirect.scatter.add.f32 [tilespmem:s16], [sflag:$0x2], $0x40, s25, s15, $0xb8;
	[tilespmem:$0x1EE00] =	vst v63  }
0x5d: {  	s23 =	simm.s32 $0x2C80  }
0x5e: {  	[spmem:s2] =	stream.indirect.scatter.add.f32 [tilespmem:s17], [sflag:$0x2], $0x40, s23, s15, $0xb8;
	[tilespmem:$0x1EE00] =	vst v63  }
0x5f: {  	s25 =	simm.s32 $0x2D00  }
0x60: {  	[spmem:s2] =	stream.indirect.scatter.add.f32 [tilespmem:s19], [sflag:$0x2], $0x40, s25, s15, $0xb8;
	[tilespmem:$0x1EE00] =	vst v63  }
0x61: {  	s23 =	simm.s32 $0x2D80  }
0x62: {  	[spmem:s2] =	stream.indirect.scatter.add.f32 [tilespmem:s21], [sflag:$0x2], $0x40, s23, s15, $0xb8;
	[tilespmem:$0x1EE00] =	vst v63  }
0x63: {  	_ =	swait.ge [sflag:s14], $0x8000  }
0x64: {  	[sflag:s14] =	ssyncset.done $0x0  }
0x65: {  	[sflag:s14] =	ssyncadd.s32 $0xFFFF8000  }
0x66: {  	_ =	swait.ge [sflag:s22], $0x8000  }
0x67: {  	[sflag:s22] =	ssyncset.done $0x0  }
0x68: {  	s25 =	simm.s32 $0x800;
	[sflag:s22] =	ssyncadd.s32 $0xFFFF8000  }
0x69: {  	[tilespmem:s16], [sflag:$0x1] =	stream.indirect.gather [hbm4b:s4+s15], $0x40, s25, s15, $0xb8;
	[tilespmem:$0x1EE00] =	vst v63  }
0x6a: {  	s23 =	simm.s32 $0x880  }
0x6b: {  	[tilespmem:s17], [sflag:$0x1] =	stream.indirect.gather [hbm4b:s4+s15], $0x40, s23, s15, $0xb8;
	[tilespmem:$0x1EE00] =	vst v63  }
0x6c: {  	s25 =	simm.s32 $0x900  }
0x6d: {  	[tilespmem:s19], [sflag:$0x1] =	stream.indirect.gather [hbm4b:s4+s15], $0x40, s25, s15, $0xb8;
	[tilespmem:$0x1EE00] =	vst v63  }
0x6e: {  	s23 =	simm.s32 $0x980  }
0x6f: {  	[tilespmem:s21], [sflag:$0x1] =	stream.indirect.gather [hbm4b:s4+s15], $0x40, s23, s15, $0xb8;
	[tilespmem:$0x1EE00] =	vst v63  }
0x70: {  	s25 =	simm.s32 $0x2E00  }
0x71: {  	[spmem:s2] =	stream.indirect.scatter.add.f32 [tilespmem:s24], [sflag:$0x2], $0x40, s25, s15, $0xb8;
	[tilespmem:$0x1EE00] =	vst v63  }
0x72: {  	s23 =	simm.s32 $0x2E80  }
0x73: {  	[spmem:s2] =	stream.indirect.scatter.add.f32 [tilespmem:s26], [sflag:$0x2], $0x40, s23, s15, $0xb8;
	[tilespmem:$0x1EE00] =	vst v63  }
0x74: {  	s20 =	simm.s32 $0x1000;
	s25 =	simm.s32 $0x2F00;
	s23 =	simm.s32 $0x2F80  }
0x75: {  	[spmem:s2] =	stream.indirect.scatter.add.f32 [tilespmem:s29], [sflag:$0x2], $0x40, s25, s15, $0xb8;
	[tilespmem:$0x1EE00] =	vst v63  }
.LBB2_2:
0x76: {  	[spmem:s2] =	stream.indirect.scatter.add.f32 [tilespmem:s31], [sflag:$0x2], $0x40, s23, s15, $0xb8;
	[tilespmem:$0x1EE00] =	vst v63  }
0x77: {  	s23 =	smov.u32 s20  }
0x78: {  	p0 =	sne.s32 s20, $0x7000;
	s20 =	sadd.s32 $0x1000, s20;
	_ =	swait.ge [sflag:s14], $0x8000  }
0x79: {  	[sflag:s14] =	ssyncset.done $0x0  }
0x7a: {  	[sflag:s14] =	ssyncadd.s32 $0xFFFF8000  }
0x7b: {  	_ =	swait.ge [sflag:s22], $0x8000  }
0x7c: {  	s23 =	sshra.s32 s23, $0x2;
	[sflag:s22] =	ssyncset.done $0x0  }
0x7d: {  	s25 =	sadd.s32 $0x600, s23;
	[sflag:s22] =	ssyncadd.s32 $0xFFFF8000  }
0x7e: {  	[tilespmem:s24], [sflag:$0x1] =	stream.indirect.gather [hbm4b:s4+s15], $0x40, s25, s15, $0xb8;
	[tilespmem:$0x1EE00] =	vst v63  }
0x7f: {  	s25 =	sadd.s32 $0x680, s23  }
0x80: {  	[tilespmem:s26], [sflag:$0x1] =	stream.indirect.gather [hbm4b:s4+s15], $0x40, s25, s15, $0xb8;
	[tilespmem:$0x1EE00] =	vst v63  }
0x81: {  	s25 =	sadd.s32 $0x700, s23  }
0x82: {  	[tilespmem:s29], [sflag:$0x1] =	stream.indirect.gather [hbm4b:s4+s15], $0x40, s25, s15, $0xb8;
	[tilespmem:$0x1EE00] =	vst v63  }
0x83: {  	s25 =	sadd.s32 $0x780, s23  }
0x84: {  	[tilespmem:s31], [sflag:$0x1] =	stream.indirect.gather [hbm4b:s4+s15], $0x40, s25, s15, $0xb8;
	[tilespmem:$0x1EE00] =	vst v63  }
0x85: {  	s25 =	sadd.s32 $0x2C00, s23  }
0x86: {  	[spmem:s2] =	stream.indirect.scatter.add.f32 [tilespmem:s16], [sflag:$0x2], $0x40, s25, s15, $0xb8;
	[tilespmem:$0x1EE00] =	vst v63  }
0x87: {  	s25 =	sadd.s32 $0x2C80, s23  }
0x88: {  	[spmem:s2] =	stream.indirect.scatter.add.f32 [tilespmem:s17], [sflag:$0x2], $0x40, s25, s15, $0xb8;
	[tilespmem:$0x1EE00] =	vst v63  }
0x89: {  	s25 =	sadd.s32 $0x2D00, s23  }
0x8a: {  	[spmem:s2] =	stream.indirect.scatter.add.f32 [tilespmem:s19], [sflag:$0x2], $0x40, s25, s15, $0xb8;
	[tilespmem:$0x1EE00] =	vst v63  }
0x8b: {  	s25 =	sadd.s32 $0x2D80, s23  }
0x8c: {  	[spmem:s2] =	stream.indirect.scatter.add.f32 [tilespmem:s21], [sflag:$0x2], $0x40, s25, s15, $0xb8;
	[tilespmem:$0x1EE00] =	vst v63  }
0x8d: {  	_ =	swait.ge [sflag:s14], $0x8000  }
0x8e: {  	[sflag:s14] =	ssyncset.done $0x0  }
0x8f: {  	[sflag:s14] =	ssyncadd.s32 $0xFFFF8000  }
0x90: {  	_ =	swait.ge [sflag:s22], $0x8000  }
0x91: {  	[sflag:s22] =	ssyncset.done $0x0  }
0x92: {  	s25 =	sadd.s32 $0x800, s23;
	[sflag:s22] =	ssyncadd.s32 $0xFFFF8000  }
0x93: {  	[tilespmem:s16], [sflag:$0x1] =	stream.indirect.gather [hbm4b:s4+s15], $0x40, s25, s15, $0xb8;
	[tilespmem:$0x1EE00] =	vst v63  }
0x94: {  	s25 =	sadd.s32 $0x880, s23  }
0x95: {  	[tilespmem:s17], [sflag:$0x1] =	stream.indirect.gather [hbm4b:s4+s15], $0x40, s25, s15, $0xb8;
	[tilespmem:$0x1EE00] =	vst v63  }
0x96: {  	s25 =	sadd.s32 $0x900, s23  }
0x97: {  	[tilespmem:s19], [sflag:$0x1] =	stream.indirect.gather [hbm4b:s4+s15], $0x40, s25, s15, $0xb8;
	[tilespmem:$0x1EE00] =	vst v63  }
0x98: {  	s25 =	sadd.s32 $0x980, s23  }
0x99: {  	[tilespmem:s21], [sflag:$0x1] =	stream.indirect.gather [hbm4b:s4+s15], $0x40, s25, s15, $0xb8;
	[tilespmem:$0x1EE00] =	vst v63  }
0x9a: {  	s25 =	sadd.s32 $0x2E00, s23  }
0x9b: {  	[spmem:s2] =	stream.indirect.scatter.add.f32 [tilespmem:s24], [sflag:$0x2], $0x40, s25, s15, $0xb8;
	[tilespmem:$0x1EE00] =	vst v63  }
.Ltmp0:
0x9c: {  	s25 =	sadd.s32 $0x2E80, s23;
	(pc) =	sbr.rel @p0 .LBB2_2-.Ltmp0, $4  }
0x9d: {  	[spmem:s2] =	stream.indirect.scatter.add.f32 [tilespmem:s26], [sflag:$0x2], $0x40, s25, s15, $0xb8;
	[tilespmem:$0x1EE00] =	vst v63  }
0x9e: {  	s25 =	sadd.s32 $0x2F00, s23  }
0x9f: {  	[spmem:s2] =	stream.indirect.scatter.add.f32 [tilespmem:s29], [sflag:$0x2], $0x40, s25, s15, $0xb8;
	[tilespmem:$0x1EE00] =	vst v63  }
0xa0: {  	s23 =	sadd.s32 $0x2F80, s23  }
0xa1: {  	[spmem:s2] =	stream.indirect.scatter.add.f32 [tilespmem:s31], [sflag:$0x2], $0x40, s23, s15, $0xb8;
	[tilespmem:$0x1EE00] =	vst v63  }
0xa2: {  	_ =	swait.ge [sflag:s14], $0x8000  }
0xa3: {  	[sflag:s14] =	ssyncset.done $0x0  }
0xa4: {  	[sflag:s14] =	ssyncadd.s32 $0xFFFF8000  }
0xa5: {  	_ =	swait.ge [sflag:s22], $0x8000  }
0xa6: {  	[sflag:s22] =	ssyncset.done $0x0  }
0xa7: {  	s20 =	simm.s32 $0x2600;
	[sflag:s22] =	ssyncadd.s32 $0xFFFF8000  }
0xa8: {  	[tilespmem:s24], [sflag:$0x1] =	stream.indirect.gather [hbm4b:s4+s15], $0x40, s20, s15, $0xb8;
	[tilespmem:$0x1EE00] =	vst v63  }
0xa9: {  	s25 =	simm.s32 $0x2680  }
0xaa: {  	[tilespmem:s26], [sflag:$0x1] =	stream.indirect.gather [hbm4b:s4+s15], $0x40, s25, s15, $0xb8;
	[tilespmem:$0x1EE00] =	vst v63  }
0xab: {  	s23 =	simm.s32 $0x2700  }
0xac: {  	[tilespmem:s29], [sflag:$0x1] =	stream.indirect.gather [hbm4b:s4+s15], $0x40, s23, s15, $0xb8;
	[tilespmem:$0x1EE00] =	vst v63  }
0xad: {  	s25 =	simm.s32 $0x2780  }
0xae: {  	[tilespmem:s31], [sflag:$0x1] =	stream.indirect.gather [hbm4b:s4+s15], $0x40, s25, s15, $0xb8;
	[tilespmem:$0x1EE00] =	vst v63  }
0xaf: {  	s23 =	simm.s32 $0x4C00  }
0xb0: {  	[spmem:s2] =	stream.indirect.scatter.add.f32 [tilespmem:s16], [sflag:$0x2], $0x40, s23, s15, $0xb8;
	[tilespmem:$0x1EE00] =	vst v63  }
0xb1: {  	s25 =	simm.s32 $0x4C80  }
0xb2: {  	[spmem:s2] =	stream.indirect.scatter.add.f32 [tilespmem:s17], [sflag:$0x2], $0x40, s25, s15, $0xb8;
	[tilespmem:$0x1EE00] =	vst v63  }
0xb3: {  	s23 =	simm.s32 $0x4D00  }
0xb4: {  	[spmem:s2] =	stream.indirect.scatter.add.f32 [tilespmem:s19], [sflag:$0x2], $0x40, s23, s15, $0xb8;
	[tilespmem:$0x1EE00] =	vst v63  }
0xb5: {  	s25 =	simm.s32 $0x4D80  }
0xb6: {  	[spmem:s2] =	stream.indirect.scatter.add.f32 [tilespmem:s21], [sflag:$0x2], $0x40, s25, s15, $0xb8;
	[tilespmem:$0x1EE00] =	vst v63  }
0xb7: {  	_ =	swait.ge [sflag:s14], $0x8000  }
0xb8: {  	[sflag:s14] =	ssyncset.done $0x0  }
0xb9: {  	[sflag:s14] =	ssyncadd.s32 $0xFFFF8000  }
0xba: {  	_ =	swait.ge [sflag:s22], $0x8000  }
0xbb: {  	[sflag:s22] =	ssyncset.done $0x0  }
0xbc: {  	s23 =	simm.s32 $0x4E00;
	[sflag:s22] =	ssyncadd.s32 $0xFFFF8000  }
0xbd: {  	[spmem:s2] =	stream.indirect.scatter.add.f32 [tilespmem:s24], [sflag:$0x2], $0x40, s23, s15, $0xb8;
	[tilespmem:$0x1EE00] =	vst v63  }
0xbe: {  	s25 =	simm.s32 $0x4E80  }
0xbf: {  	[spmem:s2] =	stream.indirect.scatter.add.f32 [tilespmem:s26], [sflag:$0x2], $0x40, s25, s15, $0xb8;
	[tilespmem:$0x1EE00] =	vst v63  }
0xc0: {  	s23 =	simm.s32 $0x4F00  }
0xc1: {  	[spmem:s2] =	stream.indirect.scatter.add.f32 [tilespmem:s29], [sflag:$0x2], $0x40, s23, s15, $0xb8;
	[tilespmem:$0x1EE00] =	vst v63  }
0xc2: {  	_ = 	snop  }
0xc3: {  	[spmem:s2] =	stream.indirect.scatter.add.f32 [tilespmem:s31], [sflag:$0x2], $0x40, s28, s15, $0xb8;
	[tilespmem:$0x1EE00] =	vst v63  }
0xc4: {  	_ =	swait.ge [sflag:s22], $0x8000  }
0xc5: {  	s18 =	sadd.s32 $0x1, s18;
	[sflag:s22] =	ssyncset.done $0x0  }
0xc6: {  	p0 =	sne.s32 s18, s11;
	[sflag:s22] =	ssyncadd.s32 $0xFFFF8000  }
.Ltmp1:
0xc7: {  	s25 =	sor.u32 $0x1C03, s7;
	[bflag:$0x0] =	sbarrier.arrive $0xFFFF;
	(pc) =	sbr.rel @p0 .LBB2_1-.Ltmp1, $4  }
0xc8: {  	[hbm:s10@s30], [sflag:s25] =	dma.strided [spmem:s13@s1], $0x13C0, s14, $0x8   }
0xc9: {  	_ =	swait.ge [sflag:s0], $0x13C0  }
0xca: {  	[sflag:s0] =	ssyncset.done $0x0  }
0xcb: {  	[sflag:s0] =	ssyncadd.s32 $0xFFFFEC40  }
0xcc: {  	_ =	sfence.sel $0x180000  }
0xcd: {  	[bflag:$0x0] =	sbarrier.arrive $0xFFFF  }
0xce: {  	_ =	strace $0x9000004D  }
0xcf: {  	s0 =	stileid.u32;
	[bflag:$0x2] =	sbarrier.arrive $0xFFFF  }
0xd0: {  	p0 =	sne.s32 s0, $0x0;
	s0 =	rddreg [dreg:$0x2]  }
0xd1: {  	s0 =	sadd.s32 @!p0 $0x100000, s0  }
0xd2: {  	[sflag:s0] =	ssyncadd.tile.s32 @!p0 $0x1;
	_ =	shalt  }
.Lfunc_end2:
_tile_overlayer_lowered:
.L_overlay_start_2:
0xd3: {  	(tag) =	ssettag $0x2  }
0xd4: {  	s0 =	rddreg [dreg:$0x0];
	s2 =	stileid.u32  }
0xd5: {  	s1 =	rddreg [dreg:$0x1];
	p0 =	sne.s32 s2, $0x0  }
0xd6: {  	s3 =	rddreg [dreg:$0x2];
	[bflag:$0x3] =	sbarrier.arrive $0xFFFF;
	s2 =	simm.s32 @!p0 $0x1C03  }
0xd7: {  	[timem:s3], [sflag:s2] =	dma.local @!p0 [hbm:s0], s1  }
0xd8: {  	s0 =	simm.s32 @!p0 $0x3  }
0xd9: {  	_ =	swait.ge @!p0 [sflag:s0], s1  }
0xda: {  	s1 =	ssub.s32 @!p0 $0x0, s1;
	[sflag:s0] =	ssyncset.done @!p0 $0x0  }
0xdb: {  	[sflag:s0] =	ssyncadd.s32 @!p0 s1  }
0xdc: {  	[bflag:$0x3] =	sbarrier.arrive $0xFFFF  }
0xdd: {  	_ =	shalt  }

</sc_bundles>
